<compile_context>
chip_gen: v7x
topology: tpu7x:2x2x1
jax: 0.10.2.dev20260603
libtpu: 0.0.44.dev20260713+nightly
codegen_flags: <defaults>
</compile_context>

<pallas_src>
import functools

import jax
import jax.numpy as jnp
from jax import lax
from jax.experimental import pallas as pl
from jax.experimental.pallas import tpu as pltpu
from jax.experimental.pallas import tpu_sc as plsc

N = 10000
E = 320000
NG = 64
D_IN = 128

NC, NS = 2, 16
NW = NC * NS
N_PAD = 10240
RPS = N_PAD // NS
E_PAD = 327680
EPW = E_PAD // NW
CHUNK = 128
NCHUNK = EPW // CHUNK

BLK = 1024
NBLK = N_PAD // BLK

D1 = 80
D2 = 160
D3 = 64


@functools.cache
def _sc_kernels():
    mesh = plsc.VectorSubcoreMesh(
        core_axis_name="c", subcore_axis_name="s",
        num_cores=NC, num_subcores=NS)

    CDEG = 1024
    NCDEG = EPW // CDEG

    @functools.partial(
        pl.kernel,
        mesh=mesh,
        out_type=jax.ShapeDtypeStruct((NC, N_PAD), jnp.float32),
        scratch_types=[
            pltpu.VMEM((CDEG,), jnp.int32),
            pltpu.VMEM((CDEG,), jnp.int32),
            pltpu.VMEM((CDEG,), jnp.float32),
            pltpu.VMEM((RPS,), jnp.float32),
            pltpu.VMEM_SHARED((N_PAD,), jnp.float32),
            pltpu.SemaphoreType.DMA,
            pltpu.SemaphoreType.DMA,
            pltpu.SemaphoreType.DMA,
            pltpu.SemaphoreType.DMA,
        ],
        name="gcn_deg",
    )
    def deg(dst_hbm, out_hbm, dst_va, dst_vb, ones_v, zbuf_v, acc_sh,
            d0, d1, s0, s1):
        dbuf = (dst_va, dst_vb)
        dsem = (d0, d1)
        ssem = (s0, s1)
        c = lax.axis_index("c")
        s = lax.axis_index("s")
        wid = c * NS + s

        def fill(i, _):
            ones_v[pl.ds(i * 16, 16)] = jnp.full((16,), 1.0, jnp.float32)
            return 0
        lax.fori_loop(0, CDEG // 16, fill, 0)

        def zero(i, _):
            zbuf_v[pl.ds(i * 16, 16)] = jnp.zeros((16,), jnp.float32)
            return 0
        lax.fori_loop(0, RPS // 16, zero, 0)

        r0 = s * RPS
        pltpu.sync_copy(zbuf_v, acc_sh.at[pl.ds(r0, RPS)])
        plsc.subcore_barrier()

        e0 = wid * EPW
        for p in range(2):
            pltpu.async_copy(dst_hbm.at[pl.ds(e0 + p * CDEG, CDEG)],
                             dbuf[p], dsem[p])

        def body(k, _):
            for p in range(2):
                i = 2 * k + p
                pltpu.make_async_copy(
                    dst_hbm.at[pl.ds(e0 + i * CDEG, CDEG)],
                    dbuf[p], dsem[p]).wait()
                pltpu.async_copy(ones_v, acc_sh.at[dbuf[p]], ssem[p],
                                 add=True)

                @pl.when(i + 2 < NCDEG)
                def _():
                    pltpu.make_async_copy(
                        ones_v, acc_sh.at[dbuf[p]], ssem[p]).wait()
                    pltpu.async_copy(
                        dst_hbm.at[pl.ds(e0 + (i + 2) * CDEG, CDEG)],
                        dbuf[p], dsem[p])
            return 0
        lax.fori_loop(0, NCDEG // 2, body, 0)

        for p in range(2):
            pltpu.make_async_copy(
                ones_v, acc_sh.at[dbuf[p]], ssem[p]).wait()
        plsc.subcore_barrier()
        pltpu.sync_copy(acc_sh.at[pl.ds(r0, RPS)],
                        out_hbm.at[c, pl.ds(r0, RPS)])

    def make_prop(d, tag, ch):
        CH = ch
        NCH = EPW // CH

        @functools.partial(
            pl.kernel,
            mesh=mesh,
            out_type=jax.ShapeDtypeStruct((NC, N_PAD, d), jnp.float32),
            scratch_types=(
                [pltpu.VMEM((CH,), jnp.int32)] * 4
                + [pltpu.VMEM((CH, d), jnp.float32)] * 2
                + [pltpu.VMEM_SHARED((N_PAD, d), jnp.float32)]
                + [pltpu.SemaphoreType.DMA] * 8
            ),
            name=f"gcn_prop_{tag}",
            compiler_params=pltpu.CompilerParams(use_tc_tiling_on_sc=False),
        )
        def prop(t_hbm, src_hbm, dst_hbm, zr_hbm, out_hbm, *refs):
            sbuf = refs[0:2]
            dbuf = refs[2:4]
            rbuf = refs[4:6]
            acc_sh = refs[6]
            sems = refs[7:]
            gsem = sems[0:2]
            ssem = sems[2:4]
            isem = sems[4:6]
            dsem = sems[6:8]
            c = lax.axis_index("c")
            s = lax.axis_index("s")
            wid = c * NS + s

            r0 = s * RPS
            pltpu.sync_copy(zr_hbm, acc_sh.at[pl.ds(r0, RPS)])
            plsc.subcore_barrier()

            e0 = wid * EPW

            pltpu.sync_copy(src_hbm.at[pl.ds(e0, CH)], sbuf[0])
            pltpu.async_copy(src_hbm.at[pl.ds(e0 + CH, CH)], sbuf[1],
                             isem[1])
            pltpu.async_copy(dst_hbm.at[pl.ds(e0, CH)], dbuf[0], dsem[0])
            pltpu.async_copy(t_hbm.at[sbuf[0]], rbuf[0], gsem[0])

            def body(k, _):
                for p in range(2):
                    i = 2 * k + p
                    o = 1 - p
                    pltpu.make_async_copy(
                        t_hbm.at[sbuf[p]], rbuf[p], gsem[p]).wait()

                    @pl.when(i + 2 < NCH)
                    def _():
                        pltpu.async_copy(
                            src_hbm.at[pl.ds(e0 + (i + 2) * CH, CH)],
                            sbuf[p], isem[p])

                    pltpu.make_async_copy(
                        dst_hbm.at[pl.ds(e0 + i * CH, CH)],
                        dbuf[p], dsem[p]).wait()
                    pltpu.async_copy(rbuf[p], acc_sh.at[dbuf[p]],
                                     ssem[p], add=True)

                    @pl.when(jnp.logical_and(i >= 1, i + 1 < NCH))
                    def _():
                        pltpu.make_async_copy(
                            rbuf[o], acc_sh.at[dbuf[o]], ssem[o]).wait()

                    @pl.when(i + 1 < NCH)
                    def _():
                        j = i + 1
                        pltpu.make_async_copy(
                            src_hbm.at[pl.ds(e0 + j * CH, CH)],
                            sbuf[o], isem[o]).wait()
                        pltpu.async_copy(t_hbm.at[sbuf[o]], rbuf[o],
                                         gsem[o])
                        pltpu.async_copy(dst_hbm.at[pl.ds(e0 + j * CH, CH)],
                                         dbuf[o], dsem[o])
                return 0
            lax.fori_loop(0, NCH // 2, body, 0)

            for p in range(2):
                pltpu.make_async_copy(
                    rbuf[p], acc_sh.at[dbuf[p]], ssem[p]).wait()
            plsc.subcore_barrier()
            pltpu.sync_copy(acc_sh.at[pl.ds(r0, RPS)],
                            out_hbm.at[c, pl.ds(r0, RPS)])

        return prop

    return deg, make_prop(D1, "p1", 320), make_prop(D3, "p3", 640)



def _tcA1(x_p, w1p):
    def body(x_ref, w_ref, t_ref):
        t_ref[...] = jnp.dot(x_ref[...], w_ref[...],
                             preferred_element_type=jnp.float32)
    return pl.pallas_call(
        body,
        grid=(NBLK,),
        in_specs=[
            pl.BlockSpec((BLK, D_IN), lambda i: (i, 0)),
            pl.BlockSpec((D_IN, D1), lambda i: (0, 0)),
        ],
        out_specs=pl.BlockSpec((BLK, D1), lambda i: (i, 0)),
        out_shape=jax.ShapeDtypeStruct((N_PAD, D1), jnp.float32),
    )(x_p, w1p)


def _tcA2(deg3, t1r):
    def body(deg_ref, t_ref, dis_ref, out_ref):
        deg = deg_ref[0] + deg_ref[1] + 1.0
        dis = lax.rsqrt(deg)
        dis_ref[...] = dis
        out_ref[...] = t_ref[...] * dis
    return pl.pallas_call(
        body,
        grid=(NBLK,),
        in_specs=[
            pl.BlockSpec((NC, BLK, 1), lambda i: (0, i, 0)),
            pl.BlockSpec((BLK, D1), lambda i: (i, 0)),
        ],
        out_specs=[
            pl.BlockSpec((BLK, 1), lambda i: (i, 0)),
            pl.BlockSpec((BLK, D1), lambda i: (i, 0)),
        ],
        out_shape=[
            jax.ShapeDtypeStruct((N_PAD, 1), jnp.float32),
            jax.ShapeDtypeStruct((N_PAD, D1), jnp.float32),
        ],
    )(deg3, t1r)


def _tcB(p1, t1, dis, b1p):
    def body(p_ref, t_ref, dis_ref, b_ref, u_ref):
        dis = dis_ref[...]
        h = dis * (p_ref[0] + p_ref[1] + t_ref[...]) + b_ref[...]
        u_ref[...] = jnp.maximum(h, 0.0) * dis
    return pl.pallas_call(
        body,
        grid=(NBLK,),
        in_specs=[
            pl.BlockSpec((NC, BLK, D1), lambda i: (0, i, 0)),
            pl.BlockSpec((BLK, D1), lambda i: (i, 0)),
            pl.BlockSpec((BLK, 1), lambda i: (i, 0)),
            pl.BlockSpec((1, D1), lambda i: (0, 0)),
        ],
        out_specs=pl.BlockSpec((BLK, D1), lambda i: (i, 0)),
        out_shape=jax.ShapeDtypeStruct((N_PAD, D1), jnp.float32),
    )(p1, t1, dis, b1p)


def _tcC(p2, u2, dis, w2p, b2p, w3p):
    def body(p_ref, u_ref, dis_ref, w2_ref, b2_ref, w3_ref, t3_ref):
        dis = dis_ref[...]
        ah = dis * (p_ref[0] + p_ref[1] + u_ref[...])
        h2 = jnp.maximum(
            jnp.dot(ah, w2_ref[...], preferred_element_type=jnp.float32)
            + b2_ref[...], 0.0)
        t3_ref[...] = jnp.dot(h2, w3_ref[...],
                              preferred_element_type=jnp.float32) * dis
    return pl.pallas_call(
        body,
        grid=(NBLK,),
        in_specs=[
            pl.BlockSpec((NC, BLK, D1), lambda i: (0, i, 0)),
            pl.BlockSpec((BLK, D1), lambda i: (i, 0)),
            pl.BlockSpec((BLK, 1), lambda i: (i, 0)),
            pl.BlockSpec((D1, D2), lambda i: (0, 0)),
            pl.BlockSpec((1, D2), lambda i: (0, 0)),
            pl.BlockSpec((D2, D3), lambda i: (0, 0)),
        ],
        out_specs=pl.BlockSpec((BLK, D3), lambda i: (i, 0)),
        out_shape=jax.ShapeDtypeStruct((N_PAD, D3), jnp.float32),
    )(p2, u2, dis, w2p, b2p, w3p)


def _tcD(batch_p, p3, t3, dis, b3p, bcol, wop, bo2):
    def body(batch_smem, p_ref, t_ref, dis_ref, b_ref, bcol_ref, wo_ref,
             bo_ref, pool_ref, out_ref):
        i = pl.program_id(0)

        @pl.when(i == 0)
        def _init():
            pool_ref[...] = jnp.full((NG, D3), -jnp.inf, jnp.float32)

        dis = dis_ref[...]
        h3 = jnp.maximum(
            dis * (p_ref[0] + p_ref[1] + t_ref[...]) + b_ref[...], 0.0)
        bcol = bcol_ref[...]
        g0 = batch_smem[i * BLK]
        g1 = jnp.minimum(batch_smem[i * BLK + BLK - 1], NG - 1)
        rowg = lax.broadcasted_iota(jnp.int32, (NG, D3), 0)

        def gbody(g, _):
            m = bcol == g
            v = jnp.where(m, h3, -jnp.inf)
            mx = jnp.max(v, axis=0, keepdims=True)
            upd = jnp.where(rowg == g, jnp.broadcast_to(mx, (NG, D3)),
                            -jnp.inf)
            pool_ref[...] = jnp.maximum(pool_ref[...], upd)
            return 0
        lax.fori_loop(g0, g1 + 1, gbody, 0)

        @pl.when(i == NBLK - 1)
        def _fin():
            z = jnp.dot(pool_ref[...], wo_ref[...],
                        preferred_element_type=jnp.float32) + bo_ref[...]
            out_ref[...] = jax.nn.sigmoid(z)

    pool, out = pl.pallas_call(
        body,
        grid=(NBLK,),
        in_specs=[
            pl.BlockSpec(memory_space=pltpu.SMEM),
            pl.BlockSpec((NC, BLK, D3), lambda i: (0, i, 0)),
            pl.BlockSpec((BLK, D3), lambda i: (i, 0)),
            pl.BlockSpec((BLK, 1), lambda i: (i, 0)),
            pl.BlockSpec((1, D3), lambda i: (0, 0)),
            pl.BlockSpec((BLK, 1), lambda i: (i, 0)),
            pl.BlockSpec((D3, 1), lambda i: (0, 0)),
            pl.BlockSpec((1, 1), lambda i: (0, 0)),
        ],
        out_specs=[
            pl.BlockSpec((NG, D3), lambda i: (0, 0)),
            pl.BlockSpec((NG, 1), lambda i: (0, 0)),
        ],
        out_shape=[
            jax.ShapeDtypeStruct((NG, D3), jnp.float32),
            jax.ShapeDtypeStruct((NG, 1), jnp.float32),
        ],
    )(batch_p, p3, t3, dis, b3p, bcol, wop, bo2)
    return out



def kernel(x, edge_index, batch, W1, b1, W2, b2, W3, b3, Wo, bo):
    src = edge_index[0]
    dst = edge_index[1]
    npad = E_PAD - E
    pad_ids = (N + (jnp.arange(npad, dtype=jnp.int32) % (N_PAD - N))
               ).astype(jnp.int32)
    src_p = jnp.concatenate([src, pad_ids])
    dst_p = jnp.concatenate([dst, pad_ids])

    x_p = jnp.pad(x, ((0, N_PAD - N), (0, 0)))
    w1p = jnp.pad(W1, ((0, 0), (0, D1 - 75)))
    b1p = jnp.pad(b1, (0, D1 - 75))[None, :]
    w2p = jnp.pad(W2, ((0, D1 - 75), (0, D2 - 150)))
    b2p = jnp.pad(b2, (0, D2 - 150))[None, :]
    w3p = jnp.pad(W3, ((0, D2 - 150), (0, D3 - 50)))
    b3p = jnp.pad(b3, (0, D3 - 50))[None, :]
    wop = jnp.pad(Wo, ((0, D3 - 50), (0, 0)))
    bo2 = bo[None, :]
    batch_p = jnp.pad(batch, (0, N_PAD - N), constant_values=NG)
    bcol = batch_p[:, None]

    _deg, _prop1, _prop3 = _sc_kernels()

    zr1 = jnp.zeros((RPS, D1), jnp.float32)
    zr3 = jnp.zeros((RPS, D3), jnp.float32)

    t1r = _tcA1(x_p, w1p)
    degp = _deg(dst_p)
    deg3 = degp[:, :, None]
    dis, t1 = _tcA2(deg3, t1r)
    p1 = _prop1(t1, src_p, dst_p, zr1)
    u2 = _tcB(p1, t1, dis, b1p)
    p2 = _prop1(u2, src_p, dst_p, zr1)
    t3 = _tcC(p2, u2, dis, w2p, b2p, w3p)
    p3 = _prop3(t3, src_p, dst_p, zr3)
    return _tcD(batch_p, p3, t3, dis, b3p, bcol, wop, bo2)

# --- scband reference (transcript-rebuilt; emitter-appended) ---
"""Pipeline reference for scband-gcn-model-89438398972170 (READ-ONLY COPY).

The authoritative reference and input builder live on the scoring server;
editing this copy changes nothing except your own understanding.
"""

import jax, jax.numpy as jnp
import numpy as np

N_NODES = 10000
N_EDGES = 320000
N_GRAPHS = 64
D_IN = 128
HIDDEN = [75, 150, 50]
D_OUT = 1

def setup_inputs(seed: int = 0):
    key = jax.random.key(seed)
    ks = jax.random.split(key, 8)
    x = jax.random.normal(ks[0], (N_NODES, D_IN), dtype=jnp.float32)
    edge_index = jax.random.randint(ks[1], (2, N_EDGES), 0, N_NODES, dtype=jnp.int32)
    batch = jnp.sort(jax.random.randint(ks[2], (N_NODES,), 0, N_GRAPHS, dtype=jnp.int32))
    def glorot(k, shape):
        lim = float(np.sqrt(6.0 / (shape[0] + shape[1])))
        return jax.random.uniform(k, shape, jnp.float32, -lim, lim)
    W1 = glorot(ks[3], (D_IN, HIDDEN[0])); b1 = jnp.zeros((HIDDEN[0],), jnp.float32)
    W2 = glorot(ks[4], (HIDDEN[0], HIDDEN[1])); b2 = jnp.zeros((HIDDEN[1],), jnp.float32)
    W3 = glorot(ks[5], (HIDDEN[1], HIDDEN[2])); b3 = jnp.zeros((HIDDEN[2],), jnp.float32)
    Wo = glorot(ks[6], (HIDDEN[2], D_OUT)); bo = jnp.zeros((D_OUT,), jnp.float32)
    return {"x": x, "edge_index": edge_index, "batch": batch,
            "W1": W1, "b1": b1, "W2": W2, "b2": b2,
            "W3": W3, "b3": b3, "Wo": Wo, "bo": bo}

def _gcn_conv(x, src, dst, W, b, n_nodes):
    h = x @ W
    deg = jnp.zeros((n_nodes,), jnp.float32).at[dst].add(1.0)
    dis = jnp.where(deg > 0, jax.lax.rsqrt(jnp.maximum(deg, 1e-12)), 0.0)
    norm = dis[src] * dis[dst]
    msg = h[src] * norm[:, None]
    out = jnp.zeros((n_nodes, h.shape[1]), jnp.float32).at[dst].add(msg)
    return out + b

def reference(x, edge_index, batch, W1, b1, W2, b2, W3, b3, Wo, bo):
    n = x.shape[0]
    loop = jnp.arange(n, dtype=edge_index.dtype)
    src = jnp.concatenate([edge_index[0], loop])
    dst = jnp.concatenate([edge_index[1], loop])
    h = jax.nn.relu(_gcn_conv(x, src, dst, W1, b1, n))
    h = jax.nn.relu(_gcn_conv(h, src, dst, W2, b2, n))
    h = jax.nn.relu(_gcn_conv(h, src, dst, W3, b3, n))
    pooled = jax.ops.segment_max(h, batch, num_segments=N_GRAPHS)
    out = jax.nn.sigmoid(pooled @ Wo + bo)
    return out

if __name__ == "__main__":
    import jax
    _d = setup_inputs()
    print(jax.jit(kernel)(*tuple(_d.values())))

</pallas_src>

<mosaic_0001>
#map = affine_map<(d0, d1) -> (0, 0)>
#map1 = affine_map<(d0, d1) -> (0)>
#map2 = affine_map<(d0, d1) -> (0, 0, 0)>
module attributes {stable_mosaic.version = 14 : i64} {
  func.func @gcn_prop_p1(%arg0: i32, %arg1: i32, %arg2: memref<10240x80xf32, #tpu.memory_space<hbm>>, %arg3: memref<327680xi32, #tpu.memory_space<hbm>>, %arg4: memref<327680xi32, #tpu.memory_space<hbm>>, %arg5: memref<640x80xf32, #tpu.memory_space<hbm>>, %arg6: memref<2x10240x80xf32, #tpu.memory_space<hbm>>, %arg7: memref<320xi32, #tpu.memory_space<vmem>>, %arg8: memref<320xi32, #tpu.memory_space<vmem>>, %arg9: memref<320xi32, #tpu.memory_space<vmem>>, %arg10: memref<320xi32, #tpu.memory_space<vmem>>, %arg11: memref<320x80xf32, #tpu.memory_space<vmem>>, %arg12: memref<320x80xf32, #tpu.memory_space<vmem>>, %arg13: memref<10240x80xf32, #tpu.memory_space<vmem_shared>>, %arg14: memref<!tpu.dma_semaphore, #tpu.memory_space<semaphore_mem>>, %arg15: memref<!tpu.dma_semaphore, #tpu.memory_space<semaphore_mem>>, %arg16: memref<!tpu.dma_semaphore, #tpu.memory_space<semaphore_mem>>, %arg17: memref<!tpu.dma_semaphore, #tpu.memory_space<semaphore_mem>>, %arg18: memref<!tpu.dma_semaphore, #tpu.memory_space<semaphore_mem>>, %arg19: memref<!tpu.dma_semaphore, #tpu.memory_space<semaphore_mem>>, %arg20: memref<!tpu.dma_semaphore, #tpu.memory_space<semaphore_mem>>, %arg21: memref<!tpu.dma_semaphore, #tpu.memory_space<semaphore_mem>>) attributes {dimension_semantics = [#tpu.dimension_semantics<core_parallel>, #tpu.dimension_semantics<subcore_parallel>], iteration_bounds = array<i64: 2, 16>, scalar_prefetch = 0 : i64, scratch_operands = 15 : i64, tpu.core_type = #tpu.core_type<sc_vector_subcore>, window_params = [{transform_indices = #map}, {transform_indices = #map1}, {transform_indices = #map1}, {transform_indices = #map}, {transform_indices = #map2}]} {
    %mul3A = arith.constant 16 : i32
    %mul3A_0 = arith.muli %arg0, %mul3A : i32
    %add3A = arith.addi %mul3A_0, %arg1 : i32
    %mul3A_1 = arith.constant 640 : i32
    %mul3A_2 = arith.muli %arg1, %mul3A_1 : i32
    "tpu.region"() ({
      %run_scoped3A = tpu.sem_alloc : memref<!tpu.dma_semaphore, #tpu.memory_space<semaphore_mem>>
      %dma_start3A_25 = arith.constant 0 : i32
      %dma_start3A_26 = tpu.memref_slice %arg13[%mul3A_2, %dma_start3A_25] : memref<10240x80xf32, #tpu.memory_space<vmem_shared>> -> memref<640x80xf32, #tpu.memory_space<vmem_shared>>
      tpu.enqueue_dma source(%arg5 : memref<640x80xf32, #tpu.memory_space<hbm>>) target(%dma_start3A_26 : memref<640x80xf32, #tpu.memory_space<vmem_shared>>) target_semaphore(%run_scoped3A : memref<!tpu.dma_semaphore, #tpu.memory_space<semaphore_mem>>)
      %dma_wait3A_27 = arith.constant 0 : i32
      %dma_wait3A_28 = tpu.memref_slice %arg13[%mul3A_2, %dma_wait3A_27] : memref<10240x80xf32, #tpu.memory_space<vmem_shared>> -> memref<640x80xf32, #tpu.memory_space<vmem_shared>>
      tpu.wait_dma2 semaphore(%run_scoped3A : memref<!tpu.dma_semaphore, #tpu.memory_space<semaphore_mem>>) src(%arg5 : memref<640x80xf32, #tpu.memory_space<hbm>>) dst(%dma_wait3A_28 : memref<640x80xf32, #tpu.memory_space<vmem_shared>>)
      tpu.yield
    }) : () -> ()
    %barrier3A = arith.constant 0 : index
    tpu.barrier barrier_id(%barrier3A)
    %mul3A_3 = arith.constant 10240 : i32
    %mul3A_4 = arith.muli %add3A, %mul3A_3 : i32
    "tpu.region"() ({
      %run_scoped3A = tpu.sem_alloc : memref<!tpu.dma_semaphore, #tpu.memory_space<semaphore_mem>>
      %dma_start3A_25 = tpu.memref_slice %arg3[%mul3A_4] : memref<327680xi32, #tpu.memory_space<hbm>> -> memref<320xi32, #tpu.memory_space<hbm>>
      %dma_start3A_26 = tpu.memref_slice %arg3[%mul3A_4] : memref<327680xi32, #tpu.memory_space<hbm>> -> memref<320xi32, #tpu.memory_space<hbm>>
      tpu.enqueue_dma source(%dma_start3A_26 : memref<320xi32, #tpu.memory_space<hbm>>) target(%arg7 : memref<320xi32, #tpu.memory_space<vmem>>) target_semaphore(%run_scoped3A : memref<!tpu.dma_semaphore, #tpu.memory_space<semaphore_mem>>)
      %dma_wait3A_27 = tpu.memref_slice %arg3[%mul3A_4] : memref<327680xi32, #tpu.memory_space<hbm>> -> memref<320xi32, #tpu.memory_space<hbm>>
      %dma_wait3A_28 = tpu.memref_slice %arg3[%mul3A_4] : memref<327680xi32, #tpu.memory_space<hbm>> -> memref<320xi32, #tpu.memory_space<hbm>>
      tpu.wait_dma2 semaphore(%run_scoped3A : memref<!tpu.dma_semaphore, #tpu.memory_space<semaphore_mem>>) src(%dma_wait3A_28 : memref<320xi32, #tpu.memory_space<hbm>>) dst(%arg7 : memref<320xi32, #tpu.memory_space<vmem>>)
      tpu.yield
    }) : () -> ()
    %add3A_5 = arith.constant 320 : i32
    %add3A_6 = arith.addi %mul3A_4, %add3A_5 : i32
    %dma_start3A = tpu.memref_slice %arg3[%add3A_6] : memref<327680xi32, #tpu.memory_space<hbm>> -> memref<320xi32, #tpu.memory_space<hbm>>
    %dma_start3A_7 = tpu.memref_slice %arg3[%add3A_6] : memref<327680xi32, #tpu.memory_space<hbm>> -> memref<320xi32, #tpu.memory_space<hbm>>
    tpu.enqueue_dma source(%dma_start3A_7 : memref<320xi32, #tpu.memory_space<hbm>>) target(%arg8 : memref<320xi32, #tpu.memory_space<vmem>>) target_semaphore(%arg19 : memref<!tpu.dma_semaphore, #tpu.memory_space<semaphore_mem>>)
    %dma_start3A_8 = tpu.memref_slice %arg4[%mul3A_4] : memref<327680xi32, #tpu.memory_space<hbm>> -> memref<320xi32, #tpu.memory_space<hbm>>
    %dma_start3A_9 = tpu.memref_slice %arg4[%mul3A_4] : memref<327680xi32, #tpu.memory_space<hbm>> -> memref<320xi32, #tpu.memory_space<hbm>>
    tpu.enqueue_dma source(%dma_start3A_9 : memref<320xi32, #tpu.memory_space<hbm>>) target(%arg9 : memref<320xi32, #tpu.memory_space<vmem>>) target_semaphore(%arg20 : memref<!tpu.dma_semaphore, #tpu.memory_space<semaphore_mem>>)
    %dma_start3A_10 = arith.constant 0 : i32
    %dma_start3A_11 = arith.constant 0 : i32
    %dma_start3A_12 = tpu.memref_slice %arg2[%dma_start3A_10, %dma_start3A_11] : memref<10240x80xf32, #tpu.memory_space<hbm>> -> memref<10240x80xf32, #tpu.memory_space<hbm>>
    tpu.enqueue_indirect_dma source(%dma_start3A_12 : memref<10240x80xf32, #tpu.memory_space<hbm>>) target(%arg11 : memref<320x80xf32, #tpu.memory_space<vmem>>) offsets(%arg7 : memref<320xi32, #tpu.memory_space<vmem>>) semaphore(%arg14 : memref<!tpu.dma_semaphore, #tpu.memory_space<semaphore_mem>>)
    %scan3A = arith.constant 0 : i32
    %scan3A_13 = arith.constant 0 : i32
    %scan3A_14 = arith.constant 16 : i32
    %scan3A_15 = arith.addi %scan3A_13, %scan3A_14 : i32
    %scan3A_16 = arith.constant 1 : i32
    %scan3A_17 = scf.for %scan3A_25 = %scan3A_13 to %scan3A_15 step %scan3A_16 iter_args(%scan3A_26 = %scan3A) -> (i32)  : i32 {
      %mul3A_27 = arith.constant 2 : i32
      %mul3A_28 = arith.muli %mul3A_27, %scan3A_25 : i32
      %add3A_29 = arith.constant 0 : i32
      %add3A_30 = arith.addi %mul3A_28, %add3A_29 : i32
      %dma_wait3A_31 = arith.constant 0 : i32
      %dma_wait3A_32 = arith.constant 0 : i32
      %dma_wait3A_33 = tpu.memref_slice %arg2[%dma_wait3A_31, %dma_wait3A_32] : memref<10240x80xf32, #tpu.memory_space<hbm>> -> memref<10240x80xf32, #tpu.memory_space<hbm>>
      tpu.wait_indirect_dma semaphore(%arg14 : memref<!tpu.dma_semaphore, #tpu.memory_space<semaphore_mem>>) src(%dma_wait3A_33 : memref<10240x80xf32, #tpu.memory_space<hbm>>) dst(%arg11 : memref<320x80xf32, #tpu.memory_space<vmem>>)
      %add3A_34 = arith.constant 2 : i32
      %add3A_35 = arith.addi %add3A_30, %add3A_34 : i32
      %lt3A = arith.constant 32 : i32
      %lt3A_36 = arith.cmpi slt, %add3A_35, %lt3A : i32
      %convert_element_type3A = arith.extui %lt3A_36 : i1 to i32
      %cond3A = arith.constant 0 : i32
      %cond3A_37 = arith.cmpi ne, %convert_element_type3A, %cond3A : i32
      scf.if %cond3A_37 {
        %add3A_101 = arith.constant 2 : i32
        %add3A_102 = arith.addi %add3A_30, %add3A_101 : i32
        %mul3A_103 = arith.constant 320 : i32
        %mul3A_104 = arith.muli %add3A_102, %mul3A_103 : i32
        %add3A_105 = arith.addi %mul3A_4, %mul3A_104 : i32
        %dma_start3A_106 = tpu.memref_slice %arg3[%add3A_105] : memref<327680xi32, #tpu.memory_space<hbm>> -> memref<320xi32, #tpu.memory_space<hbm>>
        %dma_start3A_107 = tpu.memref_slice %arg3[%add3A_105] : memref<327680xi32, #tpu.memory_space<hbm>> -> memref<320xi32, #tpu.memory_space<hbm>>
        tpu.enqueue_dma source(%dma_start3A_107 : memref<320xi32, #tpu.memory_space<hbm>>) target(%arg7 : memref<320xi32, #tpu.memory_space<vmem>>) target_semaphore(%arg18 : memref<!tpu.dma_semaphore, #tpu.memory_space<semaphore_mem>>)
      } else {
      }
      %mul3A_38 = arith.constant 320 : i32
      %mul3A_39 = arith.muli %add3A_30, %mul3A_38 : i32
      %add3A_40 = arith.addi %mul3A_4, %mul3A_39 : i32
      %dma_wait3A_41 = tpu.memref_slice %arg4[%add3A_40] : memref<327680xi32, #tpu.memory_space<hbm>> -> memref<320xi32, #tpu.memory_space<hbm>>
      %dma_wait3A_42 = tpu.memref_slice %arg4[%add3A_40] : memref<327680xi32, #tpu.memory_space<hbm>> -> memref<320xi32, #tpu.memory_space<hbm>>
      tpu.wait_dma2 semaphore(%arg20 : memref<!tpu.dma_semaphore, #tpu.memory_space<semaphore_mem>>) src(%dma_wait3A_42 : memref<320xi32, #tpu.memory_space<hbm>>) dst(%arg9 : memref<320xi32, #tpu.memory_space<vmem>>)
      %dma_start3A_43 = arith.constant 0 : i32
      %dma_start3A_44 = arith.constant 0 : i32
      %dma_start3A_45 = tpu.memref_slice %arg13[%dma_start3A_43, %dma_start3A_44] : memref<10240x80xf32, #tpu.memory_space<vmem_shared>> -> memref<10240x80xf32, #tpu.memory_space<vmem_shared>>
      tpu.enqueue_indirect_dma source(%arg11 : memref<320x80xf32, #tpu.memory_space<vmem>>) target(%dma_start3A_45 : memref<10240x80xf32, #tpu.memory_space<vmem_shared>>) offsets(%arg9 : memref<320xi32, #tpu.memory_space<vmem>>) semaphore(%arg16 : memref<!tpu.dma_semaphore, #tpu.memory_space<semaphore_mem>>) {add = true}
      %ge3A = arith.constant 1 : i32
      %ge3A_46 = arith.cmpi sge, %add3A_30, %ge3A : i32
      %add3A_47 = arith.constant 1 : i32
      %add3A_48 = arith.addi %add3A_30, %add3A_47 : i32
      %lt3A_49 = arith.constant 32 : i32
      %lt3A_50 = arith.cmpi slt, %add3A_48, %lt3A_49 : i32
      %and3A = arith.andi %ge3A_46, %lt3A_50 : i1
      %convert_element_type3A_51 = arith.extui %and3A : i1 to i32
      %cond3A_52 = arith.constant 0 : i32
      %cond3A_53 = arith.cmpi ne, %convert_element_type3A_51, %cond3A_52 : i32
      scf.if %cond3A_53 {
        %dma_wait3A_101 = arith.constant 0 : i32
        %dma_wait3A_102 = arith.constant 0 : i32
        %dma_wait3A_103 = tpu.memref_slice %arg13[%dma_wait3A_101, %dma_wait3A_102] : memref<10240x80xf32, #tpu.memory_space<vmem_shared>> -> memref<10240x80xf32, #tpu.memory_space<vmem_shared>>
        tpu.wait_indirect_dma semaphore(%arg17 : memref<!tpu.dma_semaphore, #tpu.memory_space<semaphore_mem>>) src(%arg12 : memref<320x80xf32, #tpu.memory_space<vmem>>) dst(%dma_wait3A_103 : memref<10240x80xf32, #tpu.memory_space<vmem_shared>>)
      } else {
      }
      %add3A_54 = arith.constant 1 : i32
      %add3A_55 = arith.addi %add3A_30, %add3A_54 : i32
      %lt3A_56 = arith.constant 32 : i32
      %lt3A_57 = arith.cmpi slt, %add3A_55, %lt3A_56 : i32
      %convert_element_type3A_58 = arith.extui %lt3A_57 : i1 to i32
      %cond3A_59 = arith.constant 0 : i32
      %cond3A_60 = arith.cmpi ne, %convert_element_type3A_58, %cond3A_59 : i32
      scf.if %cond3A_60 {
        %add3A_101 = arith.constant 1 : i32
        %add3A_102 = arith.addi %add3A_30, %add3A_101 : i32
        %mul3A_103 = arith.constant 320 : i32
        %mul3A_104 = arith.muli %add3A_102, %mul3A_103 : i32
        %add3A_105 = arith.addi %mul3A_4, %mul3A_104 : i32
        %dma_wait3A_106 = tpu.memref_slice %arg3[%add3A_105] : memref<327680xi32, #tpu.memory_space<hbm>> -> memref<320xi32, #tpu.memory_space<hbm>>
        %dma_wait3A_107 = tpu.memref_slice %arg3[%add3A_105] : memref<327680xi32, #tpu.memory_space<hbm>> -> memref<320xi32, #tpu.memory_space<hbm>>
        tpu.wait_dma2 semaphore(%arg19 : memref<!tpu.dma_semaphore, #tpu.memory_space<semaphore_mem>>) src(%dma_wait3A_107 : memref<320xi32, #tpu.memory_space<hbm>>) dst(%arg8 : memref<320xi32, #tpu.memory_space<vmem>>)
        %dma_start3A_108 = arith.constant 0 : i32
        %dma_start3A_109 = arith.constant 0 : i32
        %dma_start3A_110 = tpu.memref_slice %arg2[%dma_start3A_108, %dma_start3A_109] : memref<10240x80xf32, #tpu.memory_space<hbm>> -> memref<10240x80xf32, #tpu.memory_space<hbm>>
        tpu.enqueue_indirect_dma source(%dma_start3A_110 : memref<10240x80xf32, #tpu.memory_space<hbm>>) target(%arg12 : memref<320x80xf32, #tpu.memory_space<vmem>>) offsets(%arg8 : memref<320xi32, #tpu.memory_space<vmem>>) semaphore(%arg15 : memref<!tpu.dma_semaphore, #tpu.memory_space<semaphore_mem>>)
        %mul3A_111 = arith.constant 320 : i32
        %mul3A_112 = arith.muli %add3A_102, %mul3A_111 : i32
        %add3A_113 = arith.addi %mul3A_4, %mul3A_112 : i32
        %dma_start3A_114 = tpu.memref_slice %arg4[%add3A_113] : memref<327680xi32, #tpu.memory_space<hbm>> -> memref<320xi32, #tpu.memory_space<hbm>>
        %dma_start3A_115 = tpu.memref_slice %arg4[%add3A_113] : memref<327680xi32, #tpu.memory_space<hbm>> -> memref<320xi32, #tpu.memory_space<hbm>>
        tpu.enqueue_dma source(%dma_start3A_115 : memref<320xi32, #tpu.memory_space<hbm>>) target(%arg10 : memref<320xi32, #tpu.memory_space<vmem>>) target_semaphore(%arg21 : memref<!tpu.dma_semaphore, #tpu.memory_space<semaphore_mem>>)
      } else {
      }
      %mul3A_61 = arith.constant 2 : i32
      %mul3A_62 = arith.muli %mul3A_61, %scan3A_25 : i32
      %add3A_63 = arith.constant 1 : i32
      %add3A_64 = arith.addi %mul3A_62, %add3A_63 : i32
      %dma_wait3A_65 = arith.constant 0 : i32
      %dma_wait3A_66 = arith.constant 0 : i32
      %dma_wait3A_67 = tpu.memref_slice %arg2[%dma_wait3A_65, %dma_wait3A_66] : memref<10240x80xf32, #tpu.memory_space<hbm>> -> memref<10240x80xf32, #tpu.memory_space<hbm>>
      tpu.wait_indirect_dma semaphore(%arg15 : memref<!tpu.dma_semaphore, #tpu.memory_space<semaphore_mem>>) src(%dma_wait3A_67 : memref<10240x80xf32, #tpu.memory_space<hbm>>) dst(%arg12 : memref<320x80xf32, #tpu.memory_space<vmem>>)
      %add3A_68 = arith.constant 2 : i32
      %add3A_69 = arith.addi %add3A_64, %add3A_68 : i32
      %lt3A_70 = arith.constant 32 : i32
      %lt3A_71 = arith.cmpi slt, %add3A_69, %lt3A_70 : i32
      %convert_element_type3A_72 = arith.extui %lt3A_71 : i1 to i32
      %cond3A_73 = arith.constant 0 : i32
      %cond3A_74 = arith.cmpi ne, %convert_element_type3A_72, %cond3A_73 : i32
      scf.if %cond3A_74 {
        %add3A_101 = arith.constant 2 : i32
        %add3A_102 = arith.addi %add3A_64, %add3A_101 : i32
        %mul3A_103 = arith.constant 320 : i32
        %mul3A_104 = arith.muli %add3A_102, %mul3A_103 : i32
        %add3A_105 = arith.addi %mul3A_4, %mul3A_104 : i32
        %dma_start3A_106 = tpu.memref_slice %arg3[%add3A_105] : memref<327680xi32, #tpu.memory_space<hbm>> -> memref<320xi32, #tpu.memory_space<hbm>>
        %dma_start3A_107 = tpu.memref_slice %arg3[%add3A_105] : memref<327680xi32, #tpu.memory_space<hbm>> -> memref<320xi32, #tpu.memory_space<hbm>>
        tpu.enqueue_dma source(%dma_start3A_107 : memref<320xi32, #tpu.memory_space<hbm>>) target(%arg8 : memref<320xi32, #tpu.memory_space<vmem>>) target_semaphore(%arg19 : memref<!tpu.dma_semaphore, #tpu.memory_space<semaphore_mem>>)
      } else {
      }
      %mul3A_75 = arith.constant 320 : i32
      %mul3A_76 = arith.muli %add3A_64, %mul3A_75 : i32
      %add3A_77 = arith.addi %mul3A_4, %mul3A_76 : i32
      %dma_wait3A_78 = tpu.memref_slice %arg4[%add3A_77] : memref<327680xi32, #tpu.memory_space<hbm>> -> memref<320xi32, #tpu.memory_space<hbm>>
      %dma_wait3A_79 = tpu.memref_slice %arg4[%add3A_77] : memref<327680xi32, #tpu.memory_space<hbm>> -> memref<320xi32, #tpu.memory_space<hbm>>
      tpu.wait_dma2 semaphore(%arg21 : memref<!tpu.dma_semaphore, #tpu.memory_space<semaphore_mem>>) src(%dma_wait3A_79 : memref<320xi32, #tpu.memory_space<hbm>>) dst(%arg10 : memref<320xi32, #tpu.memory_space<vmem>>)
      %dma_start3A_80 = arith.constant 0 : i32
      %dma_start3A_81 = arith.constant 0 : i32
      %dma_start3A_82 = tpu.memref_slice %arg13[%dma_start3A_80, %dma_start3A_81] : memref<10240x80xf32, #tpu.memory_space<vmem_shared>> -> memref<10240x80xf32, #tpu.memory_space<vmem_shared>>
      tpu.enqueue_indirect_dma source(%arg12 : memref<320x80xf32, #tpu.memory_space<vmem>>) target(%dma_start3A_82 : memref<10240x80xf32, #tpu.memory_space<vmem_shared>>) offsets(%arg10 : memref<320xi32, #tpu.memory_space<vmem>>) semaphore(%arg17 : memref<!tpu.dma_semaphore, #tpu.memory_space<semaphore_mem>>) {add = true}
      %ge3A_83 = arith.constant 1 : i32
      %ge3A_84 = arith.cmpi sge, %add3A_64, %ge3A_83 : i32
      %add3A_85 = arith.constant 1 : i32
      %add3A_86 = arith.addi %add3A_64, %add3A_85 : i32
      %lt3A_87 = arith.constant 32 : i32
      %lt3A_88 = arith.cmpi slt, %add3A_86, %lt3A_87 : i32
      %and3A_89 = arith.andi %ge3A_84, %lt3A_88 : i1
      %convert_element_type3A_90 = arith.extui %and3A_89 : i1 to i32
      %cond3A_91 = arith.constant 0 : i32
      %cond3A_92 = arith.cmpi ne, %convert_element_type3A_90, %cond3A_91 : i32
      scf.if %cond3A_92 {
        %dma_wait3A_101 = arith.constant 0 : i32
        %dma_wait3A_102 = arith.constant 0 : i32
        %dma_wait3A_103 = tpu.memref_slice %arg13[%dma_wait3A_101, %dma_wait3A_102] : memref<10240x80xf32, #tpu.memory_space<vmem_shared>> -> memref<10240x80xf32, #tpu.memory_space<vmem_shared>>
        tpu.wait_indirect_dma semaphore(%arg16 : memref<!tpu.dma_semaphore, #tpu.memory_space<semaphore_mem>>) src(%arg11 : memref<320x80xf32, #tpu.memory_space<vmem>>) dst(%dma_wait3A_103 : memref<10240x80xf32, #tpu.memory_space<vmem_shared>>)
      } else {
      }
      %add3A_93 = arith.constant 1 : i32
      %add3A_94 = arith.addi %add3A_64, %add3A_93 : i32
      %lt3A_95 = arith.constant 32 : i32
      %lt3A_96 = arith.cmpi slt, %add3A_94, %lt3A_95 : i32
      %convert_element_type3A_97 = arith.extui %lt3A_96 : i1 to i32
      %cond3A_98 = arith.constant 0 : i32
      %cond3A_99 = arith.cmpi ne, %convert_element_type3A_97, %cond3A_98 : i32
      scf.if %cond3A_99 {
        %add3A_101 = arith.constant 1 : i32
        %add3A_102 = arith.addi %add3A_64, %add3A_101 : i32
        %mul3A_103 = arith.constant 320 : i32
        %mul3A_104 = arith.muli %add3A_102, %mul3A_103 : i32
        %add3A_105 = arith.addi %mul3A_4, %mul3A_104 : i32
        %dma_wait3A_106 = tpu.memref_slice %arg3[%add3A_105] : memref<327680xi32, #tpu.memory_space<hbm>> -> memref<320xi32, #tpu.memory_space<hbm>>
        %dma_wait3A_107 = tpu.memref_slice %arg3[%add3A_105] : memref<327680xi32, #tpu.memory_space<hbm>> -> memref<320xi32, #tpu.memory_space<hbm>>
        tpu.wait_dma2 semaphore(%arg18 : memref<!tpu.dma_semaphore, #tpu.memory_space<semaphore_mem>>) src(%dma_wait3A_107 : memref<320xi32, #tpu.memory_space<hbm>>) dst(%arg7 : memref<320xi32, #tpu.memory_space<vmem>>)
        %dma_start3A_108 = arith.constant 0 : i32
        %dma_start3A_109 = arith.constant 0 : i32
        %dma_start3A_110 = tpu.memref_slice %arg2[%dma_start3A_108, %dma_start3A_109] : memref<10240x80xf32, #tpu.memory_space<hbm>> -> memref<10240x80xf32, #tpu.memory_space<hbm>>
        tpu.enqueue_indirect_dma source(%dma_start3A_110 : memref<10240x80xf32, #tpu.memory_space<hbm>>) target(%arg11 : memref<320x80xf32, #tpu.memory_space<vmem>>) offsets(%arg7 : memref<320xi32, #tpu.memory_space<vmem>>) semaphore(%arg14 : memref<!tpu.dma_semaphore, #tpu.memory_space<semaphore_mem>>)
        %mul3A_111 = arith.constant 320 : i32
        %mul3A_112 = arith.muli %add3A_102, %mul3A_111 : i32
        %add3A_113 = arith.addi %mul3A_4, %mul3A_112 : i32
        %dma_start3A_114 = tpu.memref_slice %arg4[%add3A_113] : memref<327680xi32, #tpu.memory_space<hbm>> -> memref<320xi32, #tpu.memory_space<hbm>>
        %dma_start3A_115 = tpu.memref_slice %arg4[%add3A_113] : memref<327680xi32, #tpu.memory_space<hbm>> -> memref<320xi32, #tpu.memory_space<hbm>>
        tpu.enqueue_dma source(%dma_start3A_115 : memref<320xi32, #tpu.memory_space<hbm>>) target(%arg9 : memref<320xi32, #tpu.memory_space<vmem>>) target_semaphore(%arg20 : memref<!tpu.dma_semaphore, #tpu.memory_space<semaphore_mem>>)
      } else {
      }
      %scan3A_100 = arith.constant 0 : i32
      scf.yield %scan3A_100 : i32
    }
    %scan3A_18 = arith.constant 16 : i32
    %dma_wait3A = arith.constant 0 : i32
    %dma_wait3A_19 = arith.constant 0 : i32
    %dma_wait3A_20 = tpu.memref_slice %arg13[%dma_wait3A, %dma_wait3A_19] : memref<10240x80xf32, #tpu.memory_space<vmem_shared>> -> memref<10240x80xf32, #tpu.memory_space<vmem_shared>>
    tpu.wait_indirect_dma semaphore(%arg16 : memref<!tpu.dma_semaphore, #tpu.memory_space<semaphore_mem>>) src(%arg11 : memref<320x80xf32, #tpu.memory_space<vmem>>) dst(%dma_wait3A_20 : memref<10240x80xf32, #tpu.memory_space<vmem_shared>>)
    %dma_wait3A_21 = arith.constant 0 : i32
    %dma_wait3A_22 = arith.constant 0 : i32
    %dma_wait3A_23 = tpu.memref_slice %arg13[%dma_wait3A_21, %dma_wait3A_22] : memref<10240x80xf32, #tpu.memory_space<vmem_shared>> -> memref<10240x80xf32, #tpu.memory_space<vmem_shared>>
    tpu.wait_indirect_dma semaphore(%arg17 : memref<!tpu.dma_semaphore, #tpu.memory_space<semaphore_mem>>) src(%arg12 : memref<320x80xf32, #tpu.memory_space<vmem>>) dst(%dma_wait3A_23 : memref<10240x80xf32, #tpu.memory_space<vmem_shared>>)
    %barrier3A_24 = arith.constant 0 : index
    tpu.barrier barrier_id(%barrier3A_24)
    "tpu.region"() ({
      %run_scoped3A = tpu.sem_alloc : memref<!tpu.dma_semaphore, #tpu.memory_space<semaphore_mem>>
      %dma_start3A_25 = arith.constant 0 : i32
      %dma_start3A_26 = tpu.memref_slice %arg6[%arg0, %mul3A_2, %dma_start3A_25] : memref<2x10240x80xf32, #tpu.memory_space<hbm>> -> memref<1x640x80xf32, #tpu.memory_space<hbm>>
      %dma_start3A_27 = tpu.memref_squeeze %dma_start3A_26 : memref<1x640x80xf32, #tpu.memory_space<hbm>> -> memref<640x80xf32, #tpu.memory_space<hbm>>
      %dma_start3A_28 = arith.constant 0 : i32
      %dma_start3A_29 = tpu.memref_slice %arg13[%mul3A_2, %dma_start3A_28] : memref<10240x80xf32, #tpu.memory_space<vmem_shared>> -> memref<640x80xf32, #tpu.memory_space<vmem_shared>>
      tpu.enqueue_dma source(%dma_start3A_29 : memref<640x80xf32, #tpu.memory_space<vmem_shared>>) target(%dma_start3A_27 : memref<640x80xf32, #tpu.memory_space<hbm>>) target_semaphore(%run_scoped3A : memref<!tpu.dma_semaphore, #tpu.memory_space<semaphore_mem>>)
      %dma_wait3A_30 = arith.constant 0 : i32
      %dma_wait3A_31 = tpu.memref_slice %arg6[%arg0, %mul3A_2, %dma_wait3A_30] : memref<2x10240x80xf32, #tpu.memory_space<hbm>> -> memref<1x640x80xf32, #tpu.memory_space<hbm>>
      %dma_wait3A_32 = tpu.memref_squeeze %dma_wait3A_31 : memref<1x640x80xf32, #tpu.memory_space<hbm>> -> memref<640x80xf32, #tpu.memory_space<hbm>>
      %dma_wait3A_33 = arith.constant 0 : i32
      %dma_wait3A_34 = tpu.memref_slice %arg13[%mul3A_2, %dma_wait3A_33] : memref<10240x80xf32, #tpu.memory_space<vmem_shared>> -> memref<640x80xf32, #tpu.memory_space<vmem_shared>>
      tpu.wait_dma2 semaphore(%run_scoped3A : memref<!tpu.dma_semaphore, #tpu.memory_space<semaphore_mem>>) src(%dma_wait3A_34 : memref<640x80xf32, #tpu.memory_space<vmem_shared>>) dst(%dma_wait3A_32 : memref<640x80xf32, #tpu.memory_space<hbm>>)
      tpu.yield
    }) : () -> ()
    return
  }
}

#map = affine_map<(d0, d1) -> (0, 0)>
#map1 = affine_map<(d0, d1) -> (0)>
#map2 = affine_map<(d0, d1) -> (0, 0, 0)>
module attributes {stable_mosaic.version = 14 : i64} {
  func.func @gcn_prop_p1(%arg0: i32, %arg1: i32, %arg2: memref<10240x80xf32, #tpu.memory_space<hbm>>, %arg3: memref<327680xi32, #tpu.memory_space<hbm>>, %arg4: memref<327680xi32, #tpu.memory_space<hbm>>, %arg5: memref<640x80xf32, #tpu.memory_space<hbm>>, %arg6: memref<2x10240x80xf32, #tpu.memory_space<hbm>>, %arg7: memref<320xi32, #tpu.memory_space<vmem>>, %arg8: memref<320xi32, #tpu.memory_space<vmem>>, %arg9: memref<320xi32, #tpu.memory_space<vmem>>, %arg10: memref<320xi32, #tpu.memory_space<vmem>>, %arg11: memref<320x80xf32, #tpu.memory_space<vmem>>, %arg12: memref<320x80xf32, #tpu.memory_space<vmem>>, %arg13: memref<10240x80xf32, #tpu.memory_space<vmem_shared>>, %arg14: memref<!tpu.dma_semaphore, #tpu.memory_space<semaphore_mem>>, %arg15: memref<!tpu.dma_semaphore, #tpu.memory_space<semaphore_mem>>, %arg16: memref<!tpu.dma_semaphore, #tpu.memory_space<semaphore_mem>>, %arg17: memref<!tpu.dma_semaphore, #tpu.memory_space<semaphore_mem>>, %arg18: memref<!tpu.dma_semaphore, #tpu.memory_space<semaphore_mem>>, %arg19: memref<!tpu.dma_semaphore, #tpu.memory_space<semaphore_mem>>, %arg20: memref<!tpu.dma_semaphore, #tpu.memory_space<semaphore_mem>>, %arg21: memref<!tpu.dma_semaphore, #tpu.memory_space<semaphore_mem>>) attributes {dimension_semantics = [#tpu.dimension_semantics<core_parallel>, #tpu.dimension_semantics<subcore_parallel>], iteration_bounds = array<i64: 2, 16>, scalar_prefetch = 0 : i64, scratch_operands = 15 : i64, tpu.core_type = #tpu.core_type<sc_vector_subcore>, window_params = [{transform_indices = #map}, {transform_indices = #map1}, {transform_indices = #map1}, {transform_indices = #map}, {transform_indices = #map2}]} {
    %mul3A = arith.constant 16 : i32
    %mul3A_0 = arith.muli %arg0, %mul3A : i32
    %add3A = arith.addi %mul3A_0, %arg1 : i32
    %mul3A_1 = arith.constant 640 : i32
    %mul3A_2 = arith.muli %arg1, %mul3A_1 : i32
    "tpu.region"() ({
      %run_scoped3A = tpu.sem_alloc : memref<!tpu.dma_semaphore, #tpu.memory_space<semaphore_mem>>
      %dma_start3A_25 = arith.constant 0 : i32
      %dma_start3A_26 = tpu.memref_slice %arg13[%mul3A_2, %dma_start3A_25] : memref<10240x80xf32, #tpu.memory_space<vmem_shared>> -> memref<640x80xf32, #tpu.memory_space<vmem_shared>>
      tpu.enqueue_dma source(%arg5 : memref<640x80xf32, #tpu.memory_space<hbm>>) target(%dma_start3A_26 : memref<640x80xf32, #tpu.memory_space<vmem_shared>>) target_semaphore(%run_scoped3A : memref<!tpu.dma_semaphore, #tpu.memory_space<semaphore_mem>>)
      %dma_wait3A_27 = arith.constant 0 : i32
      %dma_wait3A_28 = tpu.memref_slice %arg13[%mul3A_2, %dma_wait3A_27] : memref<10240x80xf32, #tpu.memory_space<vmem_shared>> -> memref<640x80xf32, #tpu.memory_space<vmem_shared>>
      tpu.wait_dma2 semaphore(%run_scoped3A : memref<!tpu.dma_semaphore, #tpu.memory_space<semaphore_mem>>) src(%arg5 : memref<640x80xf32, #tpu.memory_space<hbm>>) dst(%dma_wait3A_28 : memref<640x80xf32, #tpu.memory_space<vmem_shared>>)
      tpu.yield
    }) : () -> ()
    %barrier3A = arith.constant 0 : index
    tpu.barrier barrier_id(%barrier3A)
    %mul3A_3 = arith.constant 10240 : i32
    %mul3A_4 = arith.muli %add3A, %mul3A_3 : i32
    "tpu.region"() ({
      %run_scoped3A = tpu.sem_alloc : memref<!tpu.dma_semaphore, #tpu.memory_space<semaphore_mem>>
      %dma_start3A_25 = tpu.memref_slice %arg3[%mul3A_4] : memref<327680xi32, #tpu.memory_space<hbm>> -> memref<320xi32, #tpu.memory_space<hbm>>
      %dma_start3A_26 = tpu.memref_slice %arg3[%mul3A_4] : memref<327680xi32, #tpu.memory_space<hbm>> -> memref<320xi32, #tpu.memory_space<hbm>>
      tpu.enqueue_dma source(%dma_start3A_26 : memref<320xi32, #tpu.memory_space<hbm>>) target(%arg7 : memref<320xi32, #tpu.memory_space<vmem>>) target_semaphore(%run_scoped3A : memref<!tpu.dma_semaphore, #tpu.memory_space<semaphore_mem>>)
      %dma_wait3A_27 = tpu.memref_slice %arg3[%mul3A_4] : memref<327680xi32, #tpu.memory_space<hbm>> -> memref<320xi32, #tpu.memory_space<hbm>>
      %dma_wait3A_28 = tpu.memref_slice %arg3[%mul3A_4] : memref<327680xi32, #tpu.memory_space<hbm>> -> memref<320xi32, #tpu.memory_space<hbm>>
      tpu.wait_dma2 semaphore(%run_scoped3A : memref<!tpu.dma_semaphore, #tpu.memory_space<semaphore_mem>>) src(%dma_wait3A_28 : memref<320xi32, #tpu.memory_space<hbm>>) dst(%arg7 : memref<320xi32, #tpu.memory_space<vmem>>)
      tpu.yield
    }) : () -> ()
    %add3A_5 = arith.constant 320 : i32
    %add3A_6 = arith.addi %mul3A_4, %add3A_5 : i32
    %dma_start3A = tpu.memref_slice %arg3[%add3A_6] : memref<327680xi32, #tpu.memory_space<hbm>> -> memref<320xi32, #tpu.memory_space<hbm>>
    %dma_start3A_7 = tpu.memref_slice %arg3[%add3A_6] : memref<327680xi32, #tpu.memory_space<hbm>> -> memref<320xi32, #tpu.memory_space<hbm>>
    tpu.enqueue_dma source(%dma_start3A_7 : memref<320xi32, #tpu.memory_space<hbm>>) target(%arg8 : memref<320xi32, #tpu.memory_space<vmem>>) target_semaphore(%arg19 : memref<!tpu.dma_semaphore, #tpu.memory_space<semaphore_mem>>)
    %dma_start3A_8 = tpu.memref_slice %arg4[%mul3A_4] : memref<327680xi32, #tpu.memory_space<hbm>> -> memref<320xi32, #tpu.memory_space<hbm>>
    %dma_start3A_9 = tpu.memref_slice %arg4[%mul3A_4] : memref<327680xi32, #tpu.memory_space<hbm>> -> memref<320xi32, #tpu.memory_space<hbm>>
    tpu.enqueue_dma source(%dma_start3A_9 : memref<320xi32, #tpu.memory_space<hbm>>) target(%arg9 : memref<320xi32, #tpu.memory_space<vmem>>) target_semaphore(%arg20 : memref<!tpu.dma_semaphore, #tpu.memory_space<semaphore_mem>>)
    %dma_start3A_10 = arith.constant 0 : i32
    %dma_start3A_11 = arith.constant 0 : i32
    %dma_start3A_12 = tpu.memref_slice %arg2[%dma_start3A_10, %dma_start3A_11] : memref<10240x80xf32, #tpu.memory_space<hbm>> -> memref<10240x80xf32, #tpu.memory_space<hbm>>
    tpu.enqueue_indirect_dma source(%dma_start3A_12 : memref<10240x80xf32, #tpu.memory_space<hbm>>) target(%arg11 : memref<320x80xf32, #tpu.memory_space<vmem>>) offsets(%arg7 : memref<320xi32, #tpu.memory_space<vmem>>) semaphore(%arg14 : memref<!tpu.dma_semaphore, #tpu.memory_space<semaphore_mem>>)
    %scan3A = arith.constant 0 : i32
    %scan3A_13 = arith.constant 0 : i32
    %scan3A_14 = arith.constant 16 : i32
    %scan3A_15 = arith.addi %scan3A_13, %scan3A_14 : i32
    %scan3A_16 = arith.constant 1 : i32
    %scan3A_17 = scf.for %scan3A_25 = %scan3A_13 to %scan3A_15 step %scan3A_16 iter_args(%scan3A_26 = %scan3A) -> (i32)  : i32 {
      %mul3A_27 = arith.constant 2 : i32
      %mul3A_28 = arith.muli %mul3A_27, %scan3A_25 : i32
      %add3A_29 = arith.constant 0 : i32
      %add3A_30 = arith.addi %mul3A_28, %add3A_29 : i32
      %dma_wait3A_31 = arith.constant 0 : i32
      %dma_wait3A_32 = arith.constant 0 : i32
      %dma_wait3A_33 = tpu.memref_slice %arg2[%dma_wait3A_31, %dma_wait3A_32] : memref<10240x80xf32, #tpu.memory_space<hbm>> -> memref<10240x80xf32, #tpu.memory_space<hbm>>
      tpu.wait_indirect_dma semaphore(%arg14 : memref<!tpu.dma_semaphore, #tpu.memory_space<semaphore_mem>>) src(%dma_wait3A_33 : memref<10240x80xf32, #tpu.memory_space<hbm>>) dst(%arg11 : memref<320x80xf32, #tpu.memory_space<vmem>>)
      %add3A_34 = arith.constant 2 : i32
      %add3A_35 = arith.addi %add3A_30, %add3A_34 : i32
      %lt3A = arith.constant 32 : i32
      %lt3A_36 = arith.cmpi slt, %add3A_35, %lt3A : i32
      %convert_element_type3A = arith.extui %lt3A_36 : i1 to i32
      %cond3A = arith.constant 0 : i32
      %cond3A_37 = arith.cmpi ne, %convert_element_type3A, %cond3A : i32
      scf.if %cond3A_37 {
        %add3A_101 = arith.constant 2 : i32
        %add3A_102 = arith.addi %add3A_30, %add3A_101 : i32
        %mul3A_103 = arith.constant 320 : i32
        %mul3A_104 = arith.muli %add3A_102, %mul3A_103 : i32
        %add3A_105 = arith.addi %mul3A_4, %mul3A_104 : i32
        %dma_start3A_106 = tpu.memref_slice %arg3[%add3A_105] : memref<327680xi32, #tpu.memory_space<hbm>> -> memref<320xi32, #tpu.memory_space<hbm>>
        %dma_start3A_107 = tpu.memref_slice %arg3[%add3A_105] : memref<327680xi32, #tpu.memory_space<hbm>> -> memref<320xi32, #tpu.memory_space<hbm>>
        tpu.enqueue_dma source(%dma_start3A_107 : memref<320xi32, #tpu.memory_space<hbm>>) target(%arg7 : memref<320xi32, #tpu.memory_space<vmem>>) target_semaphore(%arg18 : memref<!tpu.dma_semaphore, #tpu.memory_space<semaphore_mem>>)
      } else {
      }
      %mul3A_38 = arith.constant 320 : i32
      %mul3A_39 = arith.muli %add3A_30, %mul3A_38 : i32
      %add3A_40 = arith.addi %mul3A_4, %mul3A_39 : i32
      %dma_wait3A_41 = tpu.memref_slice %arg4[%add3A_40] : memref<327680xi32, #tpu.memory_space<hbm>> -> memref<320xi32, #tpu.memory_space<hbm>>
      %dma_wait3A_42 = tpu.memref_slice %arg4[%add3A_40] : memref<327680xi32, #tpu.memory_space<hbm>> -> memref<320xi32, #tpu.memory_space<hbm>>
      tpu.wait_dma2 semaphore(%arg20 : memref<!tpu.dma_semaphore, #tpu.memory_space<semaphore_mem>>) src(%dma_wait3A_42 : memref<320xi32, #tpu.memory_space<hbm>>) dst(%arg9 : memref<320xi32, #tpu.memory_space<vmem>>)
      %dma_start3A_43 = arith.constant 0 : i32
      %dma_start3A_44 = arith.constant 0 : i32
      %dma_start3A_45 = tpu.memref_slice %arg13[%dma_start3A_43, %dma_start3A_44] : memref<10240x80xf32, #tpu.memory_space<vmem_shared>> -> memref<10240x80xf32, #tpu.memory_space<vmem_shared>>
      tpu.enqueue_indirect_dma source(%arg11 : memref<320x80xf32, #tpu.memory_space<vmem>>) target(%dma_start3A_45 : memref<10240x80xf32, #tpu.memory_space<vmem_shared>>) offsets(%arg9 : memref<320xi32, #tpu.memory_space<vmem>>) semaphore(%arg16 : memref<!tpu.dma_semaphore, #tpu.memory_space<semaphore_mem>>) {add = true}
      %ge3A = arith.constant 1 : i32
      %ge3A_46 = arith.cmpi sge, %add3A_30, %ge3A : i32
      %add3A_47 = arith.constant 1 : i32
      %add3A_48 = arith.addi %add3A_30, %add3A_47 : i32
      %lt3A_49 = arith.constant 32 : i32
      %lt3A_50 = arith.cmpi slt, %add3A_48, %lt3A_49 : i32
      %and3A = arith.andi %ge3A_46, %lt3A_50 : i1
      %convert_element_type3A_51 = arith.extui %and3A : i1 to i32
      %cond3A_52 = arith.constant 0 : i32
      %cond3A_53 = arith.cmpi ne, %convert_element_type3A_51, %cond3A_52 : i32
      scf.if %cond3A_53 {
        %dma_wait3A_101 = arith.constant 0 : i32
        %dma_wait3A_102 = arith.constant 0 : i32
        %dma_wait3A_103 = tpu.memref_slice %arg13[%dma_wait3A_101, %dma_wait3A_102] : memref<10240x80xf32, #tpu.memory_space<vmem_shared>> -> memref<10240x80xf32, #tpu.memory_space<vmem_shared>>
        tpu.wait_indirect_dma semaphore(%arg17 : memref<!tpu.dma_semaphore, #tpu.memory_space<semaphore_mem>>) src(%arg12 : memref<320x80xf32, #tpu.memory_space<vmem>>) dst(%dma_wait3A_103 : memref<10240x80xf32, #tpu.memory_space<vmem_shared>>)
      } else {
      }
      %add3A_54 = arith.constant 1 : i32
      %add3A_55 = arith.addi %add3A_30, %add3A_54 : i32
      %lt3A_56 = arith.constant 32 : i32
      %lt3A_57 = arith.cmpi slt, %add3A_55, %lt3A_56 : i32
      %convert_element_type3A_58 = arith.extui %lt3A_57 : i1 to i32
      %cond3A_59 = arith.constant 0 : i32
      %cond3A_60 = arith.cmpi ne, %convert_element_type3A_58, %cond3A_59 : i32
      scf.if %cond3A_60 {
        %add3A_101 = arith.constant 1 : i32
        %add3A_102 = arith.addi %add3A_30, %add3A_101 : i32
        %mul3A_103 = arith.constant 320 : i32
        %mul3A_104 = arith.muli %add3A_102, %mul3A_103 : i32
        %add3A_105 = arith.addi %mul3A_4, %mul3A_104 : i32
        %dma_wait3A_106 = tpu.memref_slice %arg3[%add3A_105] : memref<327680xi32, #tpu.memory_space<hbm>> -> memref<320xi32, #tpu.memory_space<hbm>>
        %dma_wait3A_107 = tpu.memref_slice %arg3[%add3A_105] : memref<327680xi32, #tpu.memory_space<hbm>> -> memref<320xi32, #tpu.memory_space<hbm>>
        tpu.wait_dma2 semaphore(%arg19 : memref<!tpu.dma_semaphore, #tpu.memory_space<semaphore_mem>>) src(%dma_wait3A_107 : memref<320xi32, #tpu.memory_space<hbm>>) dst(%arg8 : memref<320xi32, #tpu.memory_space<vmem>>)
        %dma_start3A_108 = arith.constant 0 : i32
        %dma_start3A_109 = arith.constant 0 : i32
        %dma_start3A_110 = tpu.memref_slice %arg2[%dma_start3A_108, %dma_start3A_109] : memref<10240x80xf32, #tpu.memory_space<hbm>> -> memref<10240x80xf32, #tpu.memory_space<hbm>>
        tpu.enqueue_indirect_dma source(%dma_start3A_110 : memref<10240x80xf32, #tpu.memory_space<hbm>>) target(%arg12 : memref<320x80xf32, #tpu.memory_space<vmem>>) offsets(%arg8 : memref<320xi32, #tpu.memory_space<vmem>>) semaphore(%arg15 : memref<!tpu.dma_semaphore, #tpu.memory_space<semaphore_mem>>)
        %mul3A_111 = arith.constant 320 : i32
        %mul3A_112 = arith.muli %add3A_102, %mul3A_111 : i32
        %add3A_113 = arith.addi %mul3A_4, %mul3A_112 : i32
        %dma_start3A_114 = tpu.memref_slice %arg4[%add3A_113] : memref<327680xi32, #tpu.memory_space<hbm>> -> memref<320xi32, #tpu.memory_space<hbm>>
        %dma_start3A_115 = tpu.memref_slice %arg4[%add3A_113] : memref<327680xi32, #tpu.memory_space<hbm>> -> memref<320xi32, #tpu.memory_space<hbm>>
        tpu.enqueue_dma source(%dma_start3A_115 : memref<320xi32, #tpu.memory_space<hbm>>) target(%arg10 : memref<320xi32, #tpu.memory_space<vmem>>) target_semaphore(%arg21 : memref<!tpu.dma_semaphore, #tpu.memory_space<semaphore_mem>>)
      } else {
      }
      %mul3A_61 = arith.constant 2 : i32
      %mul3A_62 = arith.muli %mul3A_61, %scan3A_25 : i32
      %add3A_63 = arith.constant 1 : i32
      %add3A_64 = arith.addi %mul3A_62, %add3A_63 : i32
      %dma_wait3A_65 = arith.constant 0 : i32
      %dma_wait3A_66 = arith.constant 0 : i32
      %dma_wait3A_67 = tpu.memref_slice %arg2[%dma_wait3A_65, %dma_wait3A_66] : memref<10240x80xf32, #tpu.memory_space<hbm>> -> memref<10240x80xf32, #tpu.memory_space<hbm>>
      tpu.wait_indirect_dma semaphore(%arg15 : memref<!tpu.dma_semaphore, #tpu.memory_space<semaphore_mem>>) src(%dma_wait3A_67 : memref<10240x80xf32, #tpu.memory_space<hbm>>) dst(%arg12 : memref<320x80xf32, #tpu.memory_space<vmem>>)
      %add3A_68 = arith.constant 2 : i32
      %add3A_69 = arith.addi %add3A_64, %add3A_68 : i32
      %lt3A_70 = arith.constant 32 : i32
      %lt3A_71 = arith.cmpi slt, %add3A_69, %lt3A_70 : i32
      %convert_element_type3A_72 = arith.extui %lt3A_71 : i1 to i32
      %cond3A_73 = arith.constant 0 : i32
      %cond3A_74 = arith.cmpi ne, %convert_element_type3A_72, %cond3A_73 : i32
      scf.if %cond3A_74 {
        %add3A_101 = arith.constant 2 : i32
        %add3A_102 = arith.addi %add3A_64, %add3A_101 : i32
        %mul3A_103 = arith.constant 320 : i32
        %mul3A_104 = arith.muli %add3A_102, %mul3A_103 : i32
        %add3A_105 = arith.addi %mul3A_4, %mul3A_104 : i32
        %dma_start3A_106 = tpu.memref_slice %arg3[%add3A_105] : memref<327680xi32, #tpu.memory_space<hbm>> -> memref<320xi32, #tpu.memory_space<hbm>>
        %dma_start3A_107 = tpu.memref_slice %arg3[%add3A_105] : memref<327680xi32, #tpu.memory_space<hbm>> -> memref<320xi32, #tpu.memory_space<hbm>>
        tpu.enqueue_dma source(%dma_start3A_107 : memref<320xi32, #tpu.memory_space<hbm>>) target(%arg8 : memref<320xi32, #tpu.memory_space<vmem>>) target_semaphore(%arg19 : memref<!tpu.dma_semaphore, #tpu.memory_space<semaphore_mem>>)
      } else {
      }
      %mul3A_75 = arith.constant 320 : i32
      %mul3A_76 = arith.muli %add3A_64, %mul3A_75 : i32
      %add3A_77 = arith.addi %mul3A_4, %mul3A_76 : i32
      %dma_wait3A_78 = tpu.memref_slice %arg4[%add3A_77] : memref<327680xi32, #tpu.memory_space<hbm>> -> memref<320xi32, #tpu.memory_space<hbm>>
      %dma_wait3A_79 = tpu.memref_slice %arg4[%add3A_77] : memref<327680xi32, #tpu.memory_space<hbm>> -> memref<320xi32, #tpu.memory_space<hbm>>
      tpu.wait_dma2 semaphore(%arg21 : memref<!tpu.dma_semaphore, #tpu.memory_space<semaphore_mem>>) src(%dma_wait3A_79 : memref<320xi32, #tpu.memory_space<hbm>>) dst(%arg10 : memref<320xi32, #tpu.memory_space<vmem>>)
      %dma_start3A_80 = arith.constant 0 : i32
      %dma_start3A_81 = arith.constant 0 : i32
      %dma_start3A_82 = tpu.memref_slice %arg13[%dma_start3A_80, %dma_start3A_81] : memref<10240x80xf32, #tpu.memory_space<vmem_shared>> -> memref<10240x80xf32, #tpu.memory_space<vmem_shared>>
      tpu.enqueue_indirect_dma source(%arg12 : memref<320x80xf32, #tpu.memory_space<vmem>>) target(%dma_start3A_82 : memref<10240x80xf32, #tpu.memory_space<vmem_shared>>) offsets(%arg10 : memref<320xi32, #tpu.memory_space<vmem>>) semaphore(%arg17 : memref<!tpu.dma_semaphore, #tpu.memory_space<semaphore_mem>>) {add = true}
      %ge3A_83 = arith.constant 1 : i32
      %ge3A_84 = arith.cmpi sge, %add3A_64, %ge3A_83 : i32
      %add3A_85 = arith.constant 1 : i32
      %add3A_86 = arith.addi %add3A_64, %add3A_85 : i32
      %lt3A_87 = arith.constant 32 : i32
      %lt3A_88 = arith.cmpi slt, %add3A_86, %lt3A_87 : i32
      %and3A_89 = arith.andi %ge3A_84, %lt3A_88 : i1
      %convert_element_type3A_90 = arith.extui %and3A_89 : i1 to i32
      %cond3A_91 = arith.constant 0 : i32
      %cond3A_92 = arith.cmpi ne, %convert_element_type3A_90, %cond3A_91 : i32
      scf.if %cond3A_92 {
        %dma_wait3A_101 = arith.constant 0 : i32
        %dma_wait3A_102 = arith.constant 0 : i32
        %dma_wait3A_103 = tpu.memref_slice %arg13[%dma_wait3A_101, %dma_wait3A_102] : memref<10240x80xf32, #tpu.memory_space<vmem_shared>> -> memref<10240x80xf32, #tpu.memory_space<vmem_shared>>
        tpu.wait_indirect_dma semaphore(%arg16 : memref<!tpu.dma_semaphore, #tpu.memory_space<semaphore_mem>>) src(%arg11 : memref<320x80xf32, #tpu.memory_space<vmem>>) dst(%dma_wait3A_103 : memref<10240x80xf32, #tpu.memory_space<vmem_shared>>)
      } else {
      }
      %add3A_93 = arith.constant 1 : i32
      %add3A_94 = arith.addi %add3A_64, %add3A_93 : i32
      %lt3A_95 = arith.constant 32 : i32
      %lt3A_96 = arith.cmpi slt, %add3A_94, %lt3A_95 : i32
      %convert_element_type3A_97 = arith.extui %lt3A_96 : i1 to i32
      %cond3A_98 = arith.constant 0 : i32
      %cond3A_99 = arith.cmpi ne, %convert_element_type3A_97, %cond3A_98 : i32
      scf.if %cond3A_99 {
        %add3A_101 = arith.constant 1 : i32
        %add3A_102 = arith.addi %add3A_64, %add3A_101 : i32
        %mul3A_103 = arith.constant 320 : i32
        %mul3A_104 = arith.muli %add3A_102, %mul3A_103 : i32
        %add3A_105 = arith.addi %mul3A_4, %mul3A_104 : i32
        %dma_wait3A_106 = tpu.memref_slice %arg3[%add3A_105] : memref<327680xi32, #tpu.memory_space<hbm>> -> memref<320xi32, #tpu.memory_space<hbm>>
        %dma_wait3A_107 = tpu.memref_slice %arg3[%add3A_105] : memref<327680xi32, #tpu.memory_space<hbm>> -> memref<320xi32, #tpu.memory_space<hbm>>
        tpu.wait_dma2 semaphore(%arg18 : memref<!tpu.dma_semaphore, #tpu.memory_space<semaphore_mem>>) src(%dma_wait3A_107 : memref<320xi32, #tpu.memory_space<hbm>>) dst(%arg7 : memref<320xi32, #tpu.memory_space<vmem>>)
        %dma_start3A_108 = arith.constant 0 : i32
        %dma_start3A_109 = arith.constant 0 : i32
        %dma_start3A_110 = tpu.memref_slice %arg2[%dma_start3A_108, %dma_start3A_109] : memref<10240x80xf32, #tpu.memory_space<hbm>> -> memref<10240x80xf32, #tpu.memory_space<hbm>>
        tpu.enqueue_indirect_dma source(%dma_start3A_110 : memref<10240x80xf32, #tpu.memory_space<hbm>>) target(%arg11 : memref<320x80xf32, #tpu.memory_space<vmem>>) offsets(%arg7 : memref<320xi32, #tpu.memory_space<vmem>>) semaphore(%arg14 : memref<!tpu.dma_semaphore, #tpu.memory_space<semaphore_mem>>)
        %mul3A_111 = arith.constant 320 : i32
        %mul3A_112 = arith.muli %add3A_102, %mul3A_111 : i32
        %add3A_113 = arith.addi %mul3A_4, %mul3A_112 : i32
        %dma_start3A_114 = tpu.memref_slice %arg4[%add3A_113] : memref<327680xi32, #tpu.memory_space<hbm>> -> memref<320xi32, #tpu.memory_space<hbm>>
        %dma_start3A_115 = tpu.memref_slice %arg4[%add3A_113] : memref<327680xi32, #tpu.memory_space<hbm>> -> memref<320xi32, #tpu.memory_space<hbm>>
        tpu.enqueue_dma source(%dma_start3A_115 : memref<320xi32, #tpu.memory_space<hbm>>) target(%arg9 : memref<320xi32, #tpu.memory_space<vmem>>) target_semaphore(%arg20 : memref<!tpu.dma_semaphore, #tpu.memory_space<semaphore_mem>>)
      } else {
      }
      %scan3A_100 = arith.constant 0 : i32
      scf.yield %scan3A_100 : i32
    }
    %scan3A_18 = arith.constant 16 : i32
    %dma_wait3A = arith.constant 0 : i32
    %dma_wait3A_19 = arith.constant 0 : i32
    %dma_wait3A_20 = tpu.memref_slice %arg13[%dma_wait3A, %dma_wait3A_19] : memref<10240x80xf32, #tpu.memory_space<vmem_shared>> -> memref<10240x80xf32, #tpu.memory_space<vmem_shared>>
    tpu.wait_indirect_dma semaphore(%arg16 : memref<!tpu.dma_semaphore, #tpu.memory_space<semaphore_mem>>) src(%arg11 : memref<320x80xf32, #tpu.memory_space<vmem>>) dst(%dma_wait3A_20 : memref<10240x80xf32, #tpu.memory_space<vmem_shared>>)
    %dma_wait3A_21 = arith.constant 0 : i32
    %dma_wait3A_22 = arith.constant 0 : i32
    %dma_wait3A_23 = tpu.memref_slice %arg13[%dma_wait3A_21, %dma_wait3A_22] : memref<10240x80xf32, #tpu.memory_space<vmem_shared>> -> memref<10240x80xf32, #tpu.memory_space<vmem_shared>>
    tpu.wait_indirect_dma semaphore(%arg17 : memref<!tpu.dma_semaphore, #tpu.memory_space<semaphore_mem>>) src(%arg12 : memref<320x80xf32, #tpu.memory_space<vmem>>) dst(%dma_wait3A_23 : memref<10240x80xf32, #tpu.memory_space<vmem_shared>>)
    %barrier3A_24 = arith.constant 0 : index
    tpu.barrier barrier_id(%barrier3A_24)
    "tpu.region"() ({
      %run_scoped3A = tpu.sem_alloc : memref<!tpu.dma_semaphore, #tpu.memory_space<semaphore_mem>>
      %dma_start3A_25 = arith.constant 0 : i32
      %dma_start3A_26 = tpu.memref_slice %arg6[%arg0, %mul3A_2, %dma_start3A_25] : memref<2x10240x80xf32, #tpu.memory_space<hbm>> -> memref<1x640x80xf32, #tpu.memory_space<hbm>>
      %dma_start3A_27 = tpu.memref_squeeze %dma_start3A_26 : memref<1x640x80xf32, #tpu.memory_space<hbm>> -> memref<640x80xf32, #tpu.memory_space<hbm>>
      %dma_start3A_28 = arith.constant 0 : i32
      %dma_start3A_29 = tpu.memref_slice %arg13[%mul3A_2, %dma_start3A_28] : memref<10240x80xf32, #tpu.memory_space<vmem_shared>> -> memref<640x80xf32, #tpu.memory_space<vmem_shared>>
      tpu.enqueue_dma source(%dma_start3A_29 : memref<640x80xf32, #tpu.memory_space<vmem_shared>>) target(%dma_start3A_27 : memref<640x80xf32, #tpu.memory_space<hbm>>) target_semaphore(%run_scoped3A : memref<!tpu.dma_semaphore, #tpu.memory_space<semaphore_mem>>)
      %dma_wait3A_30 = arith.constant 0 : i32
      %dma_wait3A_31 = tpu.memref_slice %arg6[%arg0, %mul3A_2, %dma_wait3A_30] : memref<2x10240x80xf32, #tpu.memory_space<hbm>> -> memref<1x640x80xf32, #tpu.memory_space<hbm>>
      %dma_wait3A_32 = tpu.memref_squeeze %dma_wait3A_31 : memref<1x640x80xf32, #tpu.memory_space<hbm>> -> memref<640x80xf32, #tpu.memory_space<hbm>>
      %dma_wait3A_33 = arith.constant 0 : i32
      %dma_wait3A_34 = tpu.memref_slice %arg13[%mul3A_2, %dma_wait3A_33] : memref<10240x80xf32, #tpu.memory_space<vmem_shared>> -> memref<640x80xf32, #tpu.memory_space<vmem_shared>>
      tpu.wait_dma2 semaphore(%run_scoped3A : memref<!tpu.dma_semaphore, #tpu.memory_space<semaphore_mem>>) src(%dma_wait3A_34 : memref<640x80xf32, #tpu.memory_space<vmem_shared>>) dst(%dma_wait3A_32 : memref<640x80xf32, #tpu.memory_space<hbm>>)
      tpu.yield
    }) : () -> ()
    return
  }
}

#map = affine_map<(d0, d1) -> (0)>
#map1 = affine_map<(d0, d1) -> (0, 0)>
module attributes {stable_mosaic.version = 14 : i64} {
  func.func @gcn_deg(%arg0: i32, %arg1: i32, %arg2: memref<327680xi32, #tpu.memory_space<hbm>>, %arg3: memref<2x10240xf32, #tpu.memory_space<hbm>>, %arg4: memref<1024xi32, #tpu.memory_space<vmem>>, %arg5: memref<1024xi32, #tpu.memory_space<vmem>>, %arg6: memref<1024xf32, #tpu.memory_space<vmem>>, %arg7: memref<640xf32, #tpu.memory_space<vmem>>, %arg8: memref<10240xf32, #tpu.memory_space<vmem_shared>>, %arg9: memref<!tpu.dma_semaphore, #tpu.memory_space<semaphore_mem>>, %arg10: memref<!tpu.dma_semaphore, #tpu.memory_space<semaphore_mem>>, %arg11: memref<!tpu.dma_semaphore, #tpu.memory_space<semaphore_mem>>, %arg12: memref<!tpu.dma_semaphore, #tpu.memory_space<semaphore_mem>>) attributes {dimension_semantics = [#tpu.dimension_semantics<core_parallel>, #tpu.dimension_semantics<subcore_parallel>], iteration_bounds = array<i64: 2, 16>, scalar_prefetch = 0 : i64, scratch_operands = 9 : i64, tpu.core_type = #tpu.core_type<sc_vector_subcore>, window_params = [{transform_indices = #map}, {transform_indices = #map1}]} {
    %mul3A = arith.constant 16 : i32
    %mul3A_0 = arith.muli %arg0, %mul3A : i32
    %add3A = arith.addi %mul3A_0, %arg1 : i32
    %scan3A = arith.constant 0 : i32
    %scan3A_1 = arith.constant 0 : i32
    %scan3A_2 = arith.constant 64 : i32
    %scan3A_3 = arith.addi %scan3A_1, %scan3A_2 : i32
    %scan3A_4 = arith.constant 1 : i32
    %scan3A_5 = scf.for %scan3A_36 = %scan3A_1 to %scan3A_3 step %scan3A_4 iter_args(%scan3A_37 = %scan3A) -> (i32)  : i32 {
      %broadcast_in_dim3A = arith.constant 1.000000e+00 : f32
      %broadcast_in_dim3A_38 = vector.broadcast %broadcast_in_dim3A : f32 to vector<16xf32>
      %mul3A_39 = arith.constant 16 : i32
      %mul3A_40 = arith.muli %scan3A_36, %mul3A_39 : i32
      %swap3A = arith.index_cast %mul3A_40 : i32 to index
      %swap3A_41 = tpu.vector_load %arg6[%swap3A] {strides = array<i32>} : memref<1024xf32, #tpu.memory_space<vmem>>, vector<16xf32>,
      %swap3A_42 = vector.shape_cast %swap3A_41 : vector<16xf32> to vector<16xf32>
      %swap3A_43 = vector.shape_cast %broadcast_in_dim3A_38 : vector<16xf32> to vector<16xf32>
      tpu.vector_store %arg6[%swap3A], %swap3A_43 {strides = array<i32>} : memref<1024xf32, #tpu.memory_space<vmem>>, vector<16xf32>,
      %scan3A_44 = arith.constant 0 : i32
      scf.yield %scan3A_44 : i32
    }
    %scan3A_6 = arith.constant 64 : i32
    %scan3A_7 = arith.constant 0 : i32
    %scan3A_8 = arith.constant 0 : i32
    %scan3A_9 = arith.constant 40 : i32
    %scan3A_10 = arith.addi %scan3A_8, %scan3A_9 : i32
    %scan3A_11 = arith.constant 1 : i32
    %scan3A_12 = scf.for %scan3A_36 = %scan3A_8 to %scan3A_10 step %scan3A_11 iter_args(%scan3A_37 = %scan3A_7) -> (i32)  : i32 {
      %broadcast_in_dim3A = arith.constant 0.000000e+00 : f32
      %broadcast_in_dim3A_38 = vector.broadcast %broadcast_in_dim3A : f32 to vector<16xf32>
      %mul3A_39 = arith.constant 16 : i32
      %mul3A_40 = arith.muli %scan3A_36, %mul3A_39 : i32
      %swap3A = arith.index_cast %mul3A_40 : i32 to index
      %swap3A_41 = tpu.vector_load %arg7[%swap3A] {strides = array<i32>} : memref<640xf32, #tpu.memory_space<vmem>>, vector<16xf32>,
      %swap3A_42 = vector.shape_cast %swap3A_41 : vector<16xf32> to vector<16xf32>
      %swap3A_43 = vector.shape_cast %broadcast_in_dim3A_38 : vector<16xf32> to vector<16xf32>
      tpu.vector_store %arg7[%swap3A], %swap3A_43 {strides = array<i32>} : memref<640xf32, #tpu.memory_space<vmem>>, vector<16xf32>,
      %scan3A_44 = arith.constant 0 : i32
      scf.yield %scan3A_44 : i32
    }
    %scan3A_13 = arith.constant 40 : i32
    %mul3A_14 = arith.constant 640 : i32
    %mul3A_15 = arith.muli %arg1, %mul3A_14 : i32
    "tpu.region"() ({
      %run_scoped3A = tpu.sem_alloc : memref<!tpu.dma_semaphore, #tpu.memory_space<semaphore_mem>>
      %dma_start3A_36 = tpu.memref_slice %arg8[%mul3A_15] : memref<10240xf32, #tpu.memory_space<vmem_shared>> -> memref<640xf32, #tpu.memory_space<vmem_shared>>
      %dma_start3A_37 = tpu.memref_slice %arg8[%mul3A_15] : memref<10240xf32, #tpu.memory_space<vmem_shared>> -> memref<640xf32, #tpu.memory_space<vmem_shared>>
      tpu.enqueue_dma source(%arg7 : memref<640xf32, #tpu.memory_space<vmem>>) target(%dma_start3A_37 : memref<640xf32, #tpu.memory_space<vmem_shared>>) target_semaphore(%run_scoped3A : memref<!tpu.dma_semaphore, #tpu.memory_space<semaphore_mem>>)
      %dma_wait3A_38 = tpu.memref_slice %arg8[%mul3A_15] : memref<10240xf32, #tpu.memory_space<vmem_shared>> -> memref<640xf32, #tpu.memory_space<vmem_shared>>
      %dma_wait3A_39 = tpu.memref_slice %arg8[%mul3A_15] : memref<10240xf32, #tpu.memory_space<vmem_shared>> -> memref<640xf32, #tpu.memory_space<vmem_shared>>
      tpu.wait_dma2 semaphore(%run_scoped3A : memref<!tpu.dma_semaphore, #tpu.memory_space<semaphore_mem>>) src(%arg7 : memref<640xf32, #tpu.memory_space<vmem>>) dst(%dma_wait3A_39 : memref<640xf32, #tpu.memory_space<vmem_shared>>)
      tpu.yield
    }) : () -> ()
    %barrier3A = arith.constant 0 : index
    tpu.barrier barrier_id(%barrier3A)
    %mul3A_16 = arith.constant 10240 : i32
    %mul3A_17 = arith.muli %add3A, %mul3A_16 : i32
    %add3A_18 = arith.constant 0 : i32
    %add3A_19 = arith.addi %mul3A_17, %add3A_18 : i32
    %dma_start3A = tpu.memref_slice %arg2[%add3A_19] : memref<327680xi32, #tpu.memory_space<hbm>> -> memref<1024xi32, #tpu.memory_space<hbm>>
    %dma_start3A_20 = tpu.memref_slice %arg2[%add3A_19] : memref<327680xi32, #tpu.memory_space<hbm>> -> memref<1024xi32, #tpu.memory_space<hbm>>
    tpu.enqueue_dma source(%dma_start3A_20 : memref<1024xi32, #tpu.memory_space<hbm>>) target(%arg4 : memref<1024xi32, #tpu.memory_space<vmem>>) target_semaphore(%arg9 : memref<!tpu.dma_semaphore, #tpu.memory_space<semaphore_mem>>)
    %add3A_21 = arith.constant 1024 : i32
    %add3A_22 = arith.addi %mul3A_17, %add3A_21 : i32
    %dma_start3A_23 = tpu.memref_slice %arg2[%add3A_22] : memref<327680xi32, #tpu.memory_space<hbm>> -> memref<1024xi32, #tpu.memory_space<hbm>>
    %dma_start3A_24 = tpu.memref_slice %arg2[%add3A_22] : memref<327680xi32, #tpu.memory_space<hbm>> -> memref<1024xi32, #tpu.memory_space<hbm>>
    tpu.enqueue_dma source(%dma_start3A_24 : memref<1024xi32, #tpu.memory_space<hbm>>) target(%arg5 : memref<1024xi32, #tpu.memory_space<vmem>>) target_semaphore(%arg10 : memref<!tpu.dma_semaphore, #tpu.memory_space<semaphore_mem>>)
    %scan3A_25 = arith.constant 0 : i32
    %scan3A_26 = arith.constant 0 : i32
    %scan3A_27 = arith.constant 5 : i32
    %scan3A_28 = arith.addi %scan3A_26, %scan3A_27 : i32
    %scan3A_29 = arith.constant 1 : i32
    %scan3A_30 = scf.for %scan3A_36 = %scan3A_26 to %scan3A_28 step %scan3A_29 iter_args(%scan3A_37 = %scan3A_25) -> (i32)  : i32 {
      %mul3A_38 = arith.constant 2 : i32
      %mul3A_39 = arith.muli %mul3A_38, %scan3A_36 : i32
      %add3A_40 = arith.constant 0 : i32
      %add3A_41 = arith.addi %mul3A_39, %add3A_40 : i32
      %mul3A_42 = arith.constant 1024 : i32
      %mul3A_43 = arith.muli %add3A_41, %mul3A_42 : i32
      %add3A_44 = arith.addi %mul3A_17, %mul3A_43 : i32
      %dma_wait3A_45 = tpu.memref_slice %arg2[%add3A_44] : memref<327680xi32, #tpu.memory_space<hbm>> -> memref<1024xi32, #tpu.memory_space<hbm>>
      %dma_wait3A_46 = tpu.memref_slice %arg2[%add3A_44] : memref<327680xi32, #tpu.memory_space<hbm>> -> memref<1024xi32, #tpu.memory_space<hbm>>
      tpu.wait_dma2 semaphore(%arg9 : memref<!tpu.dma_semaphore, #tpu.memory_space<semaphore_mem>>) src(%dma_wait3A_46 : memref<1024xi32, #tpu.memory_space<hbm>>) dst(%arg4 : memref<1024xi32, #tpu.memory_space<vmem>>)
      %dma_start3A_47 = arith.constant 0 : i32
      %dma_start3A_48 = tpu.memref_slice %arg8[%dma_start3A_47] : memref<10240xf32, #tpu.memory_space<vmem_shared>> -> memref<10240xf32, #tpu.memory_space<vmem_shared>>
      tpu.enqueue_indirect_dma source(%arg6 : memref<1024xf32, #tpu.memory_space<vmem>>) target(%dma_start3A_48 : memref<10240xf32, #tpu.memory_space<vmem_shared>>) offsets(%arg4 : memref<1024xi32, #tpu.memory_space<vmem>>) semaphore(%arg11 : memref<!tpu.dma_semaphore, #tpu.memory_space<semaphore_mem>>) {add = true}
      %add3A_49 = arith.constant 2 : i32
      %add3A_50 = arith.addi %add3A_41, %add3A_49 : i32
      %lt3A = arith.constant 10 : i32
      %lt3A_51 = arith.cmpi slt, %add3A_50, %lt3A : i32
      %convert_element_type3A = arith.extui %lt3A_51 : i1 to i32
      %cond3A = arith.constant 0 : i32
      %cond3A_52 = arith.cmpi ne, %convert_element_type3A, %cond3A : i32
      scf.if %cond3A_52 {
        %dma_wait3A_72 = arith.constant 0 : i32
        %dma_wait3A_73 = tpu.memref_slice %arg8[%dma_wait3A_72] : memref<10240xf32, #tpu.memory_space<vmem_shared>> -> memref<10240xf32, #tpu.memory_space<vmem_shared>>
        tpu.wait_indirect_dma semaphore(%arg11 : memref<!tpu.dma_semaphore, #tpu.memory_space<semaphore_mem>>) src(%arg6 : memref<1024xf32, #tpu.memory_space<vmem>>) dst(%dma_wait3A_73 : memref<10240xf32, #tpu.memory_space<vmem_shared>>)
        %add3A_74 = arith.constant 2 : i32
        %add3A_75 = arith.addi %add3A_41, %add3A_74 : i32
        %mul3A_76 = arith.constant 1024 : i32
        %mul3A_77 = arith.muli %add3A_75, %mul3A_76 : i32
        %add3A_78 = arith.addi %mul3A_17, %mul3A_77 : i32
        %dma_start3A_79 = tpu.memref_slice %arg2[%add3A_78] : memref<327680xi32, #tpu.memory_space<hbm>> -> memref<1024xi32, #tpu.memory_space<hbm>>
        %dma_start3A_80 = tpu.memref_slice %arg2[%add3A_78] : memref<327680xi32, #tpu.memory_space<hbm>> -> memref<1024xi32, #tpu.memory_space<hbm>>
        tpu.enqueue_dma source(%dma_start3A_80 : memref<1024xi32, #tpu.memory_space<hbm>>) target(%arg4 : memref<1024xi32, #tpu.memory_space<vmem>>) target_semaphore(%arg9 : memref<!tpu.dma_semaphore, #tpu.memory_space<semaphore_mem>>)
      } else {
      }
      %mul3A_53 = arith.constant 2 : i32
      %mul3A_54 = arith.muli %mul3A_53, %scan3A_36 : i32
      %add3A_55 = arith.constant 1 : i32
      %add3A_56 = arith.addi %mul3A_54, %add3A_55 : i32
      %mul3A_57 = arith.constant 1024 : i32
      %mul3A_58 = arith.muli %add3A_56, %mul3A_57 : i32
      %add3A_59 = arith.addi %mul3A_17, %mul3A_58 : i32
      %dma_wait3A_60 = tpu.memref_slice %arg2[%add3A_59] : memref<327680xi32, #tpu.memory_space<hbm>> -> memref<1024xi32, #tpu.memory_space<hbm>>
      %dma_wait3A_61 = tpu.memref_slice %arg2[%add3A_59] : memref<327680xi32, #tpu.memory_space<hbm>> -> memref<1024xi32, #tpu.memory_space<hbm>>
      tpu.wait_dma2 semaphore(%arg10 : memref<!tpu.dma_semaphore, #tpu.memory_space<semaphore_mem>>) src(%dma_wait3A_61 : memref<1024xi32, #tpu.memory_space<hbm>>) dst(%arg5 : memref<1024xi32, #tpu.memory_space<vmem>>)
      %dma_start3A_62 = arith.constant 0 : i32
      %dma_start3A_63 = tpu.memref_slice %arg8[%dma_start3A_62] : memref<10240xf32, #tpu.memory_space<vmem_shared>> -> memref<10240xf32, #tpu.memory_space<vmem_shared>>
      tpu.enqueue_indirect_dma source(%arg6 : memref<1024xf32, #tpu.memory_space<vmem>>) target(%dma_start3A_63 : memref<10240xf32, #tpu.memory_space<vmem_shared>>) offsets(%arg5 : memref<1024xi32, #tpu.memory_space<vmem>>) semaphore(%arg12 : memref<!tpu.dma_semaphore, #tpu.memory_space<semaphore_mem>>) {add = true}
      %add3A_64 = arith.constant 2 : i32
      %add3A_65 = arith.addi %add3A_56, %add3A_64 : i32
      %lt3A_66 = arith.constant 10 : i32
      %lt3A_67 = arith.cmpi slt, %add3A_65, %lt3A_66 : i32
      %convert_element_type3A_68 = arith.extui %lt3A_67 : i1 to i32
      %cond3A_69 = arith.constant 0 : i32
      %cond3A_70 = arith.cmpi ne, %convert_element_type3A_68, %cond3A_69 : i32
      scf.if %cond3A_70 {
        %dma_wait3A_72 = arith.constant 0 : i32
        %dma_wait3A_73 = tpu.memref_slice %arg8[%dma_wait3A_72] : memref<10240xf32, #tpu.memory_space<vmem_shared>> -> memref<10240xf32, #tpu.memory_space<vmem_shared>>
        tpu.wait_indirect_dma semaphore(%arg12 : memref<!tpu.dma_semaphore, #tpu.memory_space<semaphore_mem>>) src(%arg6 : memref<1024xf32, #tpu.memory_space<vmem>>) dst(%dma_wait3A_73 : memref<10240xf32, #tpu.memory_space<vmem_shared>>)
        %add3A_74 = arith.constant 2 : i32
        %add3A_75 = arith.addi %add3A_56, %add3A_74 : i32
        %mul3A_76 = arith.constant 1024 : i32
        %mul3A_77 = arith.muli %add3A_75, %mul3A_76 : i32
        %add3A_78 = arith.addi %mul3A_17, %mul3A_77 : i32
        %dma_start3A_79 = tpu.memref_slice %arg2[%add3A_78] : memref<327680xi32, #tpu.memory_space<hbm>> -> memref<1024xi32, #tpu.memory_space<hbm>>
        %dma_start3A_80 = tpu.memref_slice %arg2[%add3A_78] : memref<327680xi32, #tpu.memory_space<hbm>> -> memref<1024xi32, #tpu.memory_space<hbm>>
        tpu.enqueue_dma source(%dma_start3A_80 : memref<1024xi32, #tpu.memory_space<hbm>>) target(%arg5 : memref<1024xi32, #tpu.memory_space<vmem>>) target_semaphore(%arg10 : memref<!tpu.dma_semaphore, #tpu.memory_space<semaphore_mem>>)
      } else {
      }
      %scan3A_71 = arith.constant 0 : i32
      scf.yield %scan3A_71 : i32
    }
    %scan3A_31 = arith.constant 5 : i32
    %dma_wait3A = arith.constant 0 : i32
    %dma_wait3A_32 = tpu.memref_slice %arg8[%dma_wait3A] : memref<10240xf32, #tpu.memory_space<vmem_shared>> -> memref<10240xf32, #tpu.memory_space<vmem_shared>>
    tpu.wait_indirect_dma semaphore(%arg11 : memref<!tpu.dma_semaphore, #tpu.memory_space<semaphore_mem>>) src(%arg6 : memref<1024xf32, #tpu.memory_space<vmem>>) dst(%dma_wait3A_32 : memref<10240xf32, #tpu.memory_space<vmem_shared>>)
    %dma_wait3A_33 = arith.constant 0 : i32
    %dma_wait3A_34 = tpu.memref_slice %arg8[%dma_wait3A_33] : memref<10240xf32, #tpu.memory_space<vmem_shared>> -> memref<10240xf32, #tpu.memory_space<vmem_shared>>
    tpu.wait_indirect_dma semaphore(%arg12 : memref<!tpu.dma_semaphore, #tpu.memory_space<semaphore_mem>>) src(%arg6 : memref<1024xf32, #tpu.memory_space<vmem>>) dst(%dma_wait3A_34 : memref<10240xf32, #tpu.memory_space<vmem_shared>>)
    %barrier3A_35 = arith.constant 0 : index
    tpu.barrier barrier_id(%barrier3A_35)
    "tpu.region"() ({
      %run_scoped3A = tpu.sem_alloc : memref<!tpu.dma_semaphore, #tpu.memory_space<semaphore_mem>>
      %dma_start3A_36 = tpu.memref_slice %arg3[%arg0, %mul3A_15] : memref<2x10240xf32, #tpu.memory_space<hbm>> -> memref<1x640xf32, #tpu.memory_space<hbm>>
      %dma_start3A_37 = tpu.memref_squeeze %dma_start3A_36 : memref<1x640xf32, #tpu.memory_space<hbm>> -> memref<640xf32, #tpu.memory_space<hbm>>
      %dma_start3A_38 = tpu.memref_slice %arg8[%mul3A_15] : memref<10240xf32, #tpu.memory_space<vmem_shared>> -> memref<640xf32, #tpu.memory_space<vmem_shared>>
      tpu.enqueue_dma source(%dma_start3A_38 : memref<640xf32, #tpu.memory_space<vmem_shared>>) target(%dma_start3A_37 : memref<640xf32, #tpu.memory_space<hbm>>) target_semaphore(%run_scoped3A : memref<!tpu.dma_semaphore, #tpu.memory_space<semaphore_mem>>)
      %dma_wait3A_39 = tpu.memref_slice %arg3[%arg0, %mul3A_15] : memref<2x10240xf32, #tpu.memory_space<hbm>> -> memref<1x640xf32, #tpu.memory_space<hbm>>
      %dma_wait3A_40 = tpu.memref_squeeze %dma_wait3A_39 : memref<1x640xf32, #tpu.memory_space<hbm>> -> memref<640xf32, #tpu.memory_space<hbm>>
      %dma_wait3A_41 = tpu.memref_slice %arg8[%mul3A_15] : memref<10240xf32, #tpu.memory_space<vmem_shared>> -> memref<640xf32, #tpu.memory_space<vmem_shared>>
      tpu.wait_dma2 semaphore(%run_scoped3A : memref<!tpu.dma_semaphore, #tpu.memory_space<semaphore_mem>>) src(%dma_wait3A_41 : memref<640xf32, #tpu.memory_space<vmem_shared>>) dst(%dma_wait3A_40 : memref<640xf32, #tpu.memory_space<hbm>>)
      tpu.yield
    }) : () -> ()
    return
  }
}

#map = affine_map<(d0, d1) -> (0, 0)>
#map1 = affine_map<(d0, d1) -> (0)>
#map2 = affine_map<(d0, d1) -> (0, 0, 0)>
module attributes {stable_mosaic.version = 14 : i64} {
  func.func @gcn_prop_p3(%arg0: i32, %arg1: i32, %arg2: memref<10240x64xf32, #tpu.memory_space<hbm>>, %arg3: memref<327680xi32, #tpu.memory_space<hbm>>, %arg4: memref<327680xi32, #tpu.memory_space<hbm>>, %arg5: memref<640x64xf32, #tpu.memory_space<hbm>>, %arg6: memref<2x10240x64xf32, #tpu.memory_space<hbm>>, %arg7: memref<640xi32, #tpu.memory_space<vmem>>, %arg8: memref<640xi32, #tpu.memory_space<vmem>>, %arg9: memref<640xi32, #tpu.memory_space<vmem>>, %arg10: memref<640xi32, #tpu.memory_space<vmem>>, %arg11: memref<640x64xf32, #tpu.memory_space<vmem>>, %arg12: memref<640x64xf32, #tpu.memory_space<vmem>>, %arg13: memref<10240x64xf32, #tpu.memory_space<vmem_shared>>, %arg14: memref<!tpu.dma_semaphore, #tpu.memory_space<semaphore_mem>>, %arg15: memref<!tpu.dma_semaphore, #tpu.memory_space<semaphore_mem>>, %arg16: memref<!tpu.dma_semaphore, #tpu.memory_space<semaphore_mem>>, %arg17: memref<!tpu.dma_semaphore, #tpu.memory_space<semaphore_mem>>, %arg18: memref<!tpu.dma_semaphore, #tpu.memory_space<semaphore_mem>>, %arg19: memref<!tpu.dma_semaphore, #tpu.memory_space<semaphore_mem>>, %arg20: memref<!tpu.dma_semaphore, #tpu.memory_space<semaphore_mem>>, %arg21: memref<!tpu.dma_semaphore, #tpu.memory_space<semaphore_mem>>) attributes {dimension_semantics = [#tpu.dimension_semantics<core_parallel>, #tpu.dimension_semantics<subcore_parallel>], iteration_bounds = array<i64: 2, 16>, scalar_prefetch = 0 : i64, scratch_operands = 15 : i64, tpu.core_type = #tpu.core_type<sc_vector_subcore>, window_params = [{transform_indices = #map}, {transform_indices = #map1}, {transform_indices = #map1}, {transform_indices = #map}, {transform_indices = #map2}]} {
    %mul3A = arith.constant 16 : i32
    %mul3A_0 = arith.muli %arg0, %mul3A : i32
    %add3A = arith.addi %mul3A_0, %arg1 : i32
    %mul3A_1 = arith.constant 640 : i32
    %mul3A_2 = arith.muli %arg1, %mul3A_1 : i32
    "tpu.region"() ({
      %run_scoped3A = tpu.sem_alloc : memref<!tpu.dma_semaphore, #tpu.memory_space<semaphore_mem>>
      %dma_start3A_25 = arith.constant 0 : i32
      %dma_start3A_26 = tpu.memref_slice %arg13[%mul3A_2, %dma_start3A_25] : memref<10240x64xf32, #tpu.memory_space<vmem_shared>> -> memref<640x64xf32, #tpu.memory_space<vmem_shared>>
      tpu.enqueue_dma source(%arg5 : memref<640x64xf32, #tpu.memory_space<hbm>>) target(%dma_start3A_26 : memref<640x64xf32, #tpu.memory_space<vmem_shared>>) target_semaphore(%run_scoped3A : memref<!tpu.dma_semaphore, #tpu.memory_space<semaphore_mem>>)
      %dma_wait3A_27 = arith.constant 0 : i32
      %dma_wait3A_28 = tpu.memref_slice %arg13[%mul3A_2, %dma_wait3A_27] : memref<10240x64xf32, #tpu.memory_space<vmem_shared>> -> memref<640x64xf32, #tpu.memory_space<vmem_shared>>
      tpu.wait_dma2 semaphore(%run_scoped3A : memref<!tpu.dma_semaphore, #tpu.memory_space<semaphore_mem>>) src(%arg5 : memref<640x64xf32, #tpu.memory_space<hbm>>) dst(%dma_wait3A_28 : memref<640x64xf32, #tpu.memory_space<vmem_shared>>)
      tpu.yield
    }) : () -> ()
    %barrier3A = arith.constant 0 : index
    tpu.barrier barrier_id(%barrier3A)
    %mul3A_3 = arith.constant 10240 : i32
    %mul3A_4 = arith.muli %add3A, %mul3A_3 : i32
    "tpu.region"() ({
      %run_scoped3A = tpu.sem_alloc : memref<!tpu.dma_semaphore, #tpu.memory_space<semaphore_mem>>
      %dma_start3A_25 = tpu.memref_slice %arg3[%mul3A_4] : memref<327680xi32, #tpu.memory_space<hbm>> -> memref<640xi32, #tpu.memory_space<hbm>>
      %dma_start3A_26 = tpu.memref_slice %arg3[%mul3A_4] : memref<327680xi32, #tpu.memory_space<hbm>> -> memref<640xi32, #tpu.memory_space<hbm>>
      tpu.enqueue_dma source(%dma_start3A_26 : memref<640xi32, #tpu.memory_space<hbm>>) target(%arg7 : memref<640xi32, #tpu.memory_space<vmem>>) target_semaphore(%run_scoped3A : memref<!tpu.dma_semaphore, #tpu.memory_space<semaphore_mem>>)
      %dma_wait3A_27 = tpu.memref_slice %arg3[%mul3A_4] : memref<327680xi32, #tpu.memory_space<hbm>> -> memref<640xi32, #tpu.memory_space<hbm>>
      %dma_wait3A_28 = tpu.memref_slice %arg3[%mul3A_4] : memref<327680xi32, #tpu.memory_space<hbm>> -> memref<640xi32, #tpu.memory_space<hbm>>
      tpu.wait_dma2 semaphore(%run_scoped3A : memref<!tpu.dma_semaphore, #tpu.memory_space<semaphore_mem>>) src(%dma_wait3A_28 : memref<640xi32, #tpu.memory_space<hbm>>) dst(%arg7 : memref<640xi32, #tpu.memory_space<vmem>>)
      tpu.yield
    }) : () -> ()
    %add3A_5 = arith.constant 640 : i32
    %add3A_6 = arith.addi %mul3A_4, %add3A_5 : i32
    %dma_start3A = tpu.memref_slice %arg3[%add3A_6] : memref<327680xi32, #tpu.memory_space<hbm>> -> memref<640xi32, #tpu.memory_space<hbm>>
    %dma_start3A_7 = tpu.memref_slice %arg3[%add3A_6] : memref<327680xi32, #tpu.memory_space<hbm>> -> memref<640xi32, #tpu.memory_space<hbm>>
    tpu.enqueue_dma source(%dma_start3A_7 : memref<640xi32, #tpu.memory_space<hbm>>) target(%arg8 : memref<640xi32, #tpu.memory_space<vmem>>) target_semaphore(%arg19 : memref<!tpu.dma_semaphore, #tpu.memory_space<semaphore_mem>>)
    %dma_start3A_8 = tpu.memref_slice %arg4[%mul3A_4] : memref<327680xi32, #tpu.memory_space<hbm>> -> memref<640xi32, #tpu.memory_space<hbm>>
    %dma_start3A_9 = tpu.memref_slice %arg4[%mul3A_4] : memref<327680xi32, #tpu.memory_space<hbm>> -> memref<640xi32, #tpu.memory_space<hbm>>
    tpu.enqueue_dma source(%dma_start3A_9 : memref<640xi32, #tpu.memory_space<hbm>>) target(%arg9 : memref<640xi32, #tpu.memory_space<vmem>>) target_semaphore(%arg20 : memref<!tpu.dma_semaphore, #tpu.memory_space<semaphore_mem>>)
    %dma_start3A_10 = arith.constant 0 : i32
    %dma_start3A_11 = arith.constant 0 : i32
    %dma_start3A_12 = tpu.memref_slice %arg2[%dma_start3A_10, %dma_start3A_11] : memref<10240x64xf32, #tpu.memory_space<hbm>> -> memref<10240x64xf32, #tpu.memory_space<hbm>>
    tpu.enqueue_indirect_dma source(%dma_start3A_12 : memref<10240x64xf32, #tpu.memory_space<hbm>>) target(%arg11 : memref<640x64xf32, #tpu.memory_space<vmem>>) offsets(%arg7 : memref<640xi32, #tpu.memory_space<vmem>>) semaphore(%arg14 : memref<!tpu.dma_semaphore, #tpu.memory_space<semaphore_mem>>)
    %scan3A = arith.constant 0 : i32
    %scan3A_13 = arith.constant 0 : i32
    %scan3A_14 = arith.constant 8 : i32
    %scan3A_15 = arith.addi %scan3A_13, %scan3A_14 : i32
    %scan3A_16 = arith.constant 1 : i32
    %scan3A_17 = scf.for %scan3A_25 = %scan3A_13 to %scan3A_15 step %scan3A_16 iter_args(%scan3A_26 = %scan3A) -> (i32)  : i32 {
      %mul3A_27 = arith.constant 2 : i32
      %mul3A_28 = arith.muli %mul3A_27, %scan3A_25 : i32
      %add3A_29 = arith.constant 0 : i32
      %add3A_30 = arith.addi %mul3A_28, %add3A_29 : i32
      %dma_wait3A_31 = arith.constant 0 : i32
      %dma_wait3A_32 = arith.constant 0 : i32
      %dma_wait3A_33 = tpu.memref_slice %arg2[%dma_wait3A_31, %dma_wait3A_32] : memref<10240x64xf32, #tpu.memory_space<hbm>> -> memref<10240x64xf32, #tpu.memory_space<hbm>>
      tpu.wait_indirect_dma semaphore(%arg14 : memref<!tpu.dma_semaphore, #tpu.memory_space<semaphore_mem>>) src(%dma_wait3A_33 : memref<10240x64xf32, #tpu.memory_space<hbm>>) dst(%arg11 : memref<640x64xf32, #tpu.memory_space<vmem>>)
      %add3A_34 = arith.constant 2 : i32
      %add3A_35 = arith.addi %add3A_30, %add3A_34 : i32
      %lt3A = arith.constant 16 : i32
      %lt3A_36 = arith.cmpi slt, %add3A_35, %lt3A : i32
      %convert_element_type3A = arith.extui %lt3A_36 : i1 to i32
      %cond3A = arith.constant 0 : i32
      %cond3A_37 = arith.cmpi ne, %convert_element_type3A, %cond3A : i32
      scf.if %cond3A_37 {
        %add3A_101 = arith.constant 2 : i32
        %add3A_102 = arith.addi %add3A_30, %add3A_101 : i32
        %mul3A_103 = arith.constant 640 : i32
        %mul3A_104 = arith.muli %add3A_102, %mul3A_103 : i32
        %add3A_105 = arith.addi %mul3A_4, %mul3A_104 : i32
        %dma_start3A_106 = tpu.memref_slice %arg3[%add3A_105] : memref<327680xi32, #tpu.memory_space<hbm>> -> memref<640xi32, #tpu.memory_space<hbm>>
        %dma_start3A_107 = tpu.memref_slice %arg3[%add3A_105] : memref<327680xi32, #tpu.memory_space<hbm>> -> memref<640xi32, #tpu.memory_space<hbm>>
        tpu.enqueue_dma source(%dma_start3A_107 : memref<640xi32, #tpu.memory_space<hbm>>) target(%arg7 : memref<640xi32, #tpu.memory_space<vmem>>) target_semaphore(%arg18 : memref<!tpu.dma_semaphore, #tpu.memory_space<semaphore_mem>>)
      } else {
      }
      %mul3A_38 = arith.constant 640 : i32
      %mul3A_39 = arith.muli %add3A_30, %mul3A_38 : i32
      %add3A_40 = arith.addi %mul3A_4, %mul3A_39 : i32
      %dma_wait3A_41 = tpu.memref_slice %arg4[%add3A_40] : memref<327680xi32, #tpu.memory_space<hbm>> -> memref<640xi32, #tpu.memory_space<hbm>>
      %dma_wait3A_42 = tpu.memref_slice %arg4[%add3A_40] : memref<327680xi32, #tpu.memory_space<hbm>> -> memref<640xi32, #tpu.memory_space<hbm>>
      tpu.wait_dma2 semaphore(%arg20 : memref<!tpu.dma_semaphore, #tpu.memory_space<semaphore_mem>>) src(%dma_wait3A_42 : memref<640xi32, #tpu.memory_space<hbm>>) dst(%arg9 : memref<640xi32, #tpu.memory_space<vmem>>)
      %dma_start3A_43 = arith.constant 0 : i32
      %dma_start3A_44 = arith.constant 0 : i32
      %dma_start3A_45 = tpu.memref_slice %arg13[%dma_start3A_43, %dma_start3A_44] : memref<10240x64xf32, #tpu.memory_space<vmem_shared>> -> memref<10240x64xf32, #tpu.memory_space<vmem_shared>>
      tpu.enqueue_indirect_dma source(%arg11 : memref<640x64xf32, #tpu.memory_space<vmem>>) target(%dma_start3A_45 : memref<10240x64xf32, #tpu.memory_space<vmem_shared>>) offsets(%arg9 : memref<640xi32, #tpu.memory_space<vmem>>) semaphore(%arg16 : memref<!tpu.dma_semaphore, #tpu.memory_space<semaphore_mem>>) {add = true}
      %ge3A = arith.constant 1 : i32
      %ge3A_46 = arith.cmpi sge, %add3A_30, %ge3A : i32
      %add3A_47 = arith.constant 1 : i32
      %add3A_48 = arith.addi %add3A_30, %add3A_47 : i32
      %lt3A_49 = arith.constant 16 : i32
      %lt3A_50 = arith.cmpi slt, %add3A_48, %lt3A_49 : i32
      %and3A = arith.andi %ge3A_46, %lt3A_50 : i1
      %convert_element_type3A_51 = arith.extui %and3A : i1 to i32
      %cond3A_52 = arith.constant 0 : i32
      %cond3A_53 = arith.cmpi ne, %convert_element_type3A_51, %cond3A_52 : i32
      scf.if %cond3A_53 {
        %dma_wait3A_101 = arith.constant 0 : i32
        %dma_wait3A_102 = arith.constant 0 : i32
        %dma_wait3A_103 = tpu.memref_slice %arg13[%dma_wait3A_101, %dma_wait3A_102] : memref<10240x64xf32, #tpu.memory_space<vmem_shared>> -> memref<10240x64xf32, #tpu.memory_space<vmem_shared>>
        tpu.wait_indirect_dma semaphore(%arg17 : memref<!tpu.dma_semaphore, #tpu.memory_space<semaphore_mem>>) src(%arg12 : memref<640x64xf32, #tpu.memory_space<vmem>>) dst(%dma_wait3A_103 : memref<10240x64xf32, #tpu.memory_space<vmem_shared>>)
      } else {
      }
      %add3A_54 = arith.constant 1 : i32
      %add3A_55 = arith.addi %add3A_30, %add3A_54 : i32
      %lt3A_56 = arith.constant 16 : i32
      %lt3A_57 = arith.cmpi slt, %add3A_55, %lt3A_56 : i32
      %convert_element_type3A_58 = arith.extui %lt3A_57 : i1 to i32
      %cond3A_59 = arith.constant 0 : i32
      %cond3A_60 = arith.cmpi ne, %convert_element_type3A_58, %cond3A_59 : i32
      scf.if %cond3A_60 {
        %add3A_101 = arith.constant 1 : i32
        %add3A_102 = arith.addi %add3A_30, %add3A_101 : i32
        %mul3A_103 = arith.constant 640 : i32
        %mul3A_104 = arith.muli %add3A_102, %mul3A_103 : i32
        %add3A_105 = arith.addi %mul3A_4, %mul3A_104 : i32
        %dma_wait3A_106 = tpu.memref_slice %arg3[%add3A_105] : memref<327680xi32, #tpu.memory_space<hbm>> -> memref<640xi32, #tpu.memory_space<hbm>>
        %dma_wait3A_107 = tpu.memref_slice %arg3[%add3A_105] : memref<327680xi32, #tpu.memory_space<hbm>> -> memref<640xi32, #tpu.memory_space<hbm>>
        tpu.wait_dma2 semaphore(%arg19 : memref<!tpu.dma_semaphore, #tpu.memory_space<semaphore_mem>>) src(%dma_wait3A_107 : memref<640xi32, #tpu.memory_space<hbm>>) dst(%arg8 : memref<640xi32, #tpu.memory_space<vmem>>)
        %dma_start3A_108 = arith.constant 0 : i32
        %dma_start3A_109 = arith.constant 0 : i32
        %dma_start3A_110 = tpu.memref_slice %arg2[%dma_start3A_108, %dma_start3A_109] : memref<10240x64xf32, #tpu.memory_space<hbm>> -> memref<10240x64xf32, #tpu.memory_space<hbm>>
        tpu.enqueue_indirect_dma source(%dma_start3A_110 : memref<10240x64xf32, #tpu.memory_space<hbm>>) target(%arg12 : memref<640x64xf32, #tpu.memory_space<vmem>>) offsets(%arg8 : memref<640xi32, #tpu.memory_space<vmem>>) semaphore(%arg15 : memref<!tpu.dma_semaphore, #tpu.memory_space<semaphore_mem>>)
        %mul3A_111 = arith.constant 640 : i32
        %mul3A_112 = arith.muli %add3A_102, %mul3A_111 : i32
        %add3A_113 = arith.addi %mul3A_4, %mul3A_112 : i32
        %dma_start3A_114 = tpu.memref_slice %arg4[%add3A_113] : memref<327680xi32, #tpu.memory_space<hbm>> -> memref<640xi32, #tpu.memory_space<hbm>>
        %dma_start3A_115 = tpu.memref_slice %arg4[%add3A_113] : memref<327680xi32, #tpu.memory_space<hbm>> -> memref<640xi32, #tpu.memory_space<hbm>>
        tpu.enqueue_dma source(%dma_start3A_115 : memref<640xi32, #tpu.memory_space<hbm>>) target(%arg10 : memref<640xi32, #tpu.memory_space<vmem>>) target_semaphore(%arg21 : memref<!tpu.dma_semaphore, #tpu.memory_space<semaphore_mem>>)
      } else {
      }
      %mul3A_61 = arith.constant 2 : i32
      %mul3A_62 = arith.muli %mul3A_61, %scan3A_25 : i32
      %add3A_63 = arith.constant 1 : i32
      %add3A_64 = arith.addi %mul3A_62, %add3A_63 : i32
      %dma_wait3A_65 = arith.constant 0 : i32
      %dma_wait3A_66 = arith.constant 0 : i32
      %dma_wait3A_67 = tpu.memref_slice %arg2[%dma_wait3A_65, %dma_wait3A_66] : memref<10240x64xf32, #tpu.memory_space<hbm>> -> memref<10240x64xf32, #tpu.memory_space<hbm>>
      tpu.wait_indirect_dma semaphore(%arg15 : memref<!tpu.dma_semaphore, #tpu.memory_space<semaphore_mem>>) src(%dma_wait3A_67 : memref<10240x64xf32, #tpu.memory_space<hbm>>) dst(%arg12 : memref<640x64xf32, #tpu.memory_space<vmem>>)
      %add3A_68 = arith.constant 2 : i32
      %add3A_69 = arith.addi %add3A_64, %add3A_68 : i32
      %lt3A_70 = arith.constant 16 : i32
      %lt3A_71 = arith.cmpi slt, %add3A_69, %lt3A_70 : i32
      %convert_element_type3A_72 = arith.extui %lt3A_71 : i1 to i32
      %cond3A_73 = arith.constant 0 : i32
      %cond3A_74 = arith.cmpi ne, %convert_element_type3A_72, %cond3A_73 : i32
      scf.if %cond3A_74 {
        %add3A_101 = arith.constant 2 : i32
        %add3A_102 = arith.addi %add3A_64, %add3A_101 : i32
        %mul3A_103 = arith.constant 640 : i32
        %mul3A_104 = arith.muli %add3A_102, %mul3A_103 : i32
        %add3A_105 = arith.addi %mul3A_4, %mul3A_104 : i32
        %dma_start3A_106 = tpu.memref_slice %arg3[%add3A_105] : memref<327680xi32, #tpu.memory_space<hbm>> -> memref<640xi32, #tpu.memory_space<hbm>>
        %dma_start3A_107 = tpu.memref_slice %arg3[%add3A_105] : memref<327680xi32, #tpu.memory_space<hbm>> -> memref<640xi32, #tpu.memory_space<hbm>>
        tpu.enqueue_dma source(%dma_start3A_107 : memref<640xi32, #tpu.memory_space<hbm>>) target(%arg8 : memref<640xi32, #tpu.memory_space<vmem>>) target_semaphore(%arg19 : memref<!tpu.dma_semaphore, #tpu.memory_space<semaphore_mem>>)
      } else {
      }
      %mul3A_75 = arith.constant 640 : i32
      %mul3A_76 = arith.muli %add3A_64, %mul3A_75 : i32
      %add3A_77 = arith.addi %mul3A_4, %mul3A_76 : i32
      %dma_wait3A_78 = tpu.memref_slice %arg4[%add3A_77] : memref<327680xi32, #tpu.memory_space<hbm>> -> memref<640xi32, #tpu.memory_space<hbm>>
      %dma_wait3A_79 = tpu.memref_slice %arg4[%add3A_77] : memref<327680xi32, #tpu.memory_space<hbm>> -> memref<640xi32, #tpu.memory_space<hbm>>
      tpu.wait_dma2 semaphore(%arg21 : memref<!tpu.dma_semaphore, #tpu.memory_space<semaphore_mem>>) src(%dma_wait3A_79 : memref<640xi32, #tpu.memory_space<hbm>>) dst(%arg10 : memref<640xi32, #tpu.memory_space<vmem>>)
      %dma_start3A_80 = arith.constant 0 : i32
      %dma_start3A_81 = arith.constant 0 : i32
      %dma_start3A_82 = tpu.memref_slice %arg13[%dma_start3A_80, %dma_start3A_81] : memref<10240x64xf32, #tpu.memory_space<vmem_shared>> -> memref<10240x64xf32, #tpu.memory_space<vmem_shared>>
      tpu.enqueue_indirect_dma source(%arg12 : memref<640x64xf32, #tpu.memory_space<vmem>>) target(%dma_start3A_82 : memref<10240x64xf32, #tpu.memory_space<vmem_shared>>) offsets(%arg10 : memref<640xi32, #tpu.memory_space<vmem>>) semaphore(%arg17 : memref<!tpu.dma_semaphore, #tpu.memory_space<semaphore_mem>>) {add = true}
      %ge3A_83 = arith.constant 1 : i32
      %ge3A_84 = arith.cmpi sge, %add3A_64, %ge3A_83 : i32
      %add3A_85 = arith.constant 1 : i32
      %add3A_86 = arith.addi %add3A_64, %add3A_85 : i32
      %lt3A_87 = arith.constant 16 : i32
      %lt3A_88 = arith.cmpi slt, %add3A_86, %lt3A_87 : i32
      %and3A_89 = arith.andi %ge3A_84, %lt3A_88 : i1
      %convert_element_type3A_90 = arith.extui %and3A_89 : i1 to i32
      %cond3A_91 = arith.constant 0 : i32
      %cond3A_92 = arith.cmpi ne, %convert_element_type3A_90, %cond3A_91 : i32
      scf.if %cond3A_92 {
        %dma_wait3A_101 = arith.constant 0 : i32
        %dma_wait3A_102 = arith.constant 0 : i32
        %dma_wait3A_103 = tpu.memref_slice %arg13[%dma_wait3A_101, %dma_wait3A_102] : memref<10240x64xf32, #tpu.memory_space<vmem_shared>> -> memref<10240x64xf32, #tpu.memory_space<vmem_shared>>
        tpu.wait_indirect_dma semaphore(%arg16 : memref<!tpu.dma_semaphore, #tpu.memory_space<semaphore_mem>>) src(%arg11 : memref<640x64xf32, #tpu.memory_space<vmem>>) dst(%dma_wait3A_103 : memref<10240x64xf32, #tpu.memory_space<vmem_shared>>)
      } else {
      }
      %add3A_93 = arith.constant 1 : i32
      %add3A_94 = arith.addi %add3A_64, %add3A_93 : i32
      %lt3A_95 = arith.constant 16 : i32
      %lt3A_96 = arith.cmpi slt, %add3A_94, %lt3A_95 : i32
      %convert_element_type3A_97 = arith.extui %lt3A_96 : i1 to i32
      %cond3A_98 = arith.constant 0 : i32
      %cond3A_99 = arith.cmpi ne, %convert_element_type3A_97, %cond3A_98 : i32
      scf.if %cond3A_99 {
        %add3A_101 = arith.constant 1 : i32
        %add3A_102 = arith.addi %add3A_64, %add3A_101 : i32
        %mul3A_103 = arith.constant 640 : i32
        %mul3A_104 = arith.muli %add3A_102, %mul3A_103 : i32
        %add3A_105 = arith.addi %mul3A_4, %mul3A_104 : i32
        %dma_wait3A_106 = tpu.memref_slice %arg3[%add3A_105] : memref<327680xi32, #tpu.memory_space<hbm>> -> memref<640xi32, #tpu.memory_space<hbm>>
        %dma_wait3A_107 = tpu.memref_slice %arg3[%add3A_105] : memref<327680xi32, #tpu.memory_space<hbm>> -> memref<640xi32, #tpu.memory_space<hbm>>
        tpu.wait_dma2 semaphore(%arg18 : memref<!tpu.dma_semaphore, #tpu.memory_space<semaphore_mem>>) src(%dma_wait3A_107 : memref<640xi32, #tpu.memory_space<hbm>>) dst(%arg7 : memref<640xi32, #tpu.memory_space<vmem>>)
        %dma_start3A_108 = arith.constant 0 : i32
        %dma_start3A_109 = arith.constant 0 : i32
        %dma_start3A_110 = tpu.memref_slice %arg2[%dma_start3A_108, %dma_start3A_109] : memref<10240x64xf32, #tpu.memory_space<hbm>> -> memref<10240x64xf32, #tpu.memory_space<hbm>>
        tpu.enqueue_indirect_dma source(%dma_start3A_110 : memref<10240x64xf32, #tpu.memory_space<hbm>>) target(%arg11 : memref<640x64xf32, #tpu.memory_space<vmem>>) offsets(%arg7 : memref<640xi32, #tpu.memory_space<vmem>>) semaphore(%arg14 : memref<!tpu.dma_semaphore, #tpu.memory_space<semaphore_mem>>)
        %mul3A_111 = arith.constant 640 : i32
        %mul3A_112 = arith.muli %add3A_102, %mul3A_111 : i32
        %add3A_113 = arith.addi %mul3A_4, %mul3A_112 : i32
        %dma_start3A_114 = tpu.memref_slice %arg4[%add3A_113] : memref<327680xi32, #tpu.memory_space<hbm>> -> memref<640xi32, #tpu.memory_space<hbm>>
        %dma_start3A_115 = tpu.memref_slice %arg4[%add3A_113] : memref<327680xi32, #tpu.memory_space<hbm>> -> memref<640xi32, #tpu.memory_space<hbm>>
        tpu.enqueue_dma source(%dma_start3A_115 : memref<640xi32, #tpu.memory_space<hbm>>) target(%arg9 : memref<640xi32, #tpu.memory_space<vmem>>) target_semaphore(%arg20 : memref<!tpu.dma_semaphore, #tpu.memory_space<semaphore_mem>>)
      } else {
      }
      %scan3A_100 = arith.constant 0 : i32
      scf.yield %scan3A_100 : i32
    }
    %scan3A_18 = arith.constant 8 : i32
    %dma_wait3A = arith.constant 0 : i32
    %dma_wait3A_19 = arith.constant 0 : i32
    %dma_wait3A_20 = tpu.memref_slice %arg13[%dma_wait3A, %dma_wait3A_19] : memref<10240x64xf32, #tpu.memory_space<vmem_shared>> -> memref<10240x64xf32, #tpu.memory_space<vmem_shared>>
    tpu.wait_indirect_dma semaphore(%arg16 : memref<!tpu.dma_semaphore, #tpu.memory_space<semaphore_mem>>) src(%arg11 : memref<640x64xf32, #tpu.memory_space<vmem>>) dst(%dma_wait3A_20 : memref<10240x64xf32, #tpu.memory_space<vmem_shared>>)
    %dma_wait3A_21 = arith.constant 0 : i32
    %dma_wait3A_22 = arith.constant 0 : i32
    %dma_wait3A_23 = tpu.memref_slice %arg13[%dma_wait3A_21, %dma_wait3A_22] : memref<10240x64xf32, #tpu.memory_space<vmem_shared>> -> memref<10240x64xf32, #tpu.memory_space<vmem_shared>>
    tpu.wait_indirect_dma semaphore(%arg17 : memref<!tpu.dma_semaphore, #tpu.memory_space<semaphore_mem>>) src(%arg12 : memref<640x64xf32, #tpu.memory_space<vmem>>) dst(%dma_wait3A_23 : memref<10240x64xf32, #tpu.memory_space<vmem_shared>>)
    %barrier3A_24 = arith.constant 0 : index
    tpu.barrier barrier_id(%barrier3A_24)
    "tpu.region"() ({
      %run_scoped3A = tpu.sem_alloc : memref<!tpu.dma_semaphore, #tpu.memory_space<semaphore_mem>>
      %dma_start3A_25 = arith.constant 0 : i32
      %dma_start3A_26 = tpu.memref_slice %arg6[%arg0, %mul3A_2, %dma_start3A_25] : memref<2x10240x64xf32, #tpu.memory_space<hbm>> -> memref<1x640x64xf32, #tpu.memory_space<hbm>>
      %dma_start3A_27 = tpu.memref_squeeze %dma_start3A_26 : memref<1x640x64xf32, #tpu.memory_space<hbm>> -> memref<640x64xf32, #tpu.memory_space<hbm>>
      %dma_start3A_28 = arith.constant 0 : i32
      %dma_start3A_29 = tpu.memref_slice %arg13[%mul3A_2, %dma_start3A_28] : memref<10240x64xf32, #tpu.memory_space<vmem_shared>> -> memref<640x64xf32, #tpu.memory_space<vmem_shared>>
      tpu.enqueue_dma source(%dma_start3A_29 : memref<640x64xf32, #tpu.memory_space<vmem_shared>>) target(%dma_start3A_27 : memref<640x64xf32, #tpu.memory_space<hbm>>) target_semaphore(%run_scoped3A : memref<!tpu.dma_semaphore, #tpu.memory_space<semaphore_mem>>)
      %dma_wait3A_30 = arith.constant 0 : i32
      %dma_wait3A_31 = tpu.memref_slice %arg6[%arg0, %mul3A_2, %dma_wait3A_30] : memref<2x10240x64xf32, #tpu.memory_space<hbm>> -> memref<1x640x64xf32, #tpu.memory_space<hbm>>
      %dma_wait3A_32 = tpu.memref_squeeze %dma_wait3A_31 : memref<1x640x64xf32, #tpu.memory_space<hbm>> -> memref<640x64xf32, #tpu.memory_space<hbm>>
      %dma_wait3A_33 = arith.constant 0 : i32
      %dma_wait3A_34 = tpu.memref_slice %arg13[%mul3A_2, %dma_wait3A_33] : memref<10240x64xf32, #tpu.memory_space<vmem_shared>> -> memref<640x64xf32, #tpu.memory_space<vmem_shared>>
      tpu.wait_dma2 semaphore(%run_scoped3A : memref<!tpu.dma_semaphore, #tpu.memory_space<semaphore_mem>>) src(%dma_wait3A_34 : memref<640x64xf32, #tpu.memory_space<vmem_shared>>) dst(%dma_wait3A_32 : memref<640x64xf32, #tpu.memory_space<hbm>>)
      tpu.yield
    }) : () -> ()
    return
  }
}

module attributes {stable_mosaic.version = 14 : i64} {
  func.func @body(%arg0: i32, %arg1: memref<1024x128xf32, #tpu.memory_space<vmem>>, %arg2: memref<128x80xf32, #tpu.memory_space<vmem>>, %arg3: memref<1024x80xf32, #tpu.memory_space<vmem>>) attributes {dimension_semantics = [#tpu.dimension_semantics<arbitrary>], iteration_bounds = array<i64: 10>, scalar_prefetch = 0 : i64, scratch_operands = 0 : i64, tpu.core_type = #tpu.core_type<tc>, window_params = [{transform_indices = @transform_0, window_bounds = array<i64: 1024, 128>}, {pipeline_mode = #tpu.pipeline_mode<synchronous>, transform_indices = @transform_1, window_bounds = array<i64: 128, 80>}, {transform_indices = @transform_2, window_bounds = array<i64: 1024, 80>}]} {
    %get3A = arith.constant 0 : index
    %get3A_0 = arith.constant 0 : index
    %get3A_1 = vector.load %arg1[%get3A, %get3A_0] : memref<1024x128xf32, #tpu.memory_space<vmem>>, vector<1024x128xf32>
    %get3A_2 = arith.constant 0 : index
    %get3A_3 = arith.constant 0 : index
    %get3A_4 = vector.load %arg2[%get3A_2, %get3A_3] : memref<128x80xf32, #tpu.memory_space<vmem>>, vector<128x80xf32>
    %dot_general3A = arith.constant dense<0.000000e+00> : vector<1024x80xf32>
    %dot_general3A_5 = tpu.matmul %get3A_1, %get3A_4, %dot_general3A {dimension_numbers = #tpu.dot_dimension_numbers<[1], [0], [0], [1], [0, 0, 1, 1], [], []>, transpose_lhs_hint = false} : vector<1024x128xf32>, vector<128x80xf32>, vector<1024x80xf32> -> vector<1024x80xf32>
    %swap3A = arith.constant 0 : index
    %swap3A_6 = arith.constant 0 : index
    %swap3A_7 = vector.load %arg3[%swap3A, %swap3A_6] : memref<1024x80xf32, #tpu.memory_space<vmem>>, vector<1024x80xf32>
    tpu.vector_store %arg3[%swap3A, %swap3A_6], %dot_general3A_5 {strides = array<i32>} : memref<1024x80xf32, #tpu.memory_space<vmem>>, vector<1024x80xf32>,
    return
  }
  func.func @transform_0(%arg0: i32) -> (i32, i32) {
    %c0_i32 = arith.constant 0 : i32
    %c0_i32_0 = arith.constant 0 : i32
    return %arg0, %c0_i32 : i32, i32
  }
  func.func @transform_1(%arg0: i32) -> (i32, i32) {
    %c0_i32 = arith.constant 0 : i32
    %c0_i32_0 = arith.constant 0 : i32
    %c0_i32_1 = arith.constant 0 : i32
    return %c0_i32, %c0_i32_0 : i32, i32
  }
  func.func @transform_2(%arg0: i32) -> (i32, i32) {
    %c0_i32 = arith.constant 0 : i32
    %c0_i32_0 = arith.constant 0 : i32
    return %arg0, %c0_i32 : i32, i32
  }
}

module attributes {stable_mosaic.version = 14 : i64} {
  func.func @body(%arg0: i32, %arg1: memref<2x1024x1xf32, #tpu.memory_space<vmem>>, %arg2: memref<1024x80xf32, #tpu.memory_space<vmem>>, %arg3: memref<1024x1xf32, #tpu.memory_space<vmem>>, %arg4: memref<1024x80xf32, #tpu.memory_space<vmem>>) attributes {dimension_semantics = [#tpu.dimension_semantics<arbitrary>], iteration_bounds = array<i64: 10>, scalar_prefetch = 0 : i64, scratch_operands = 0 : i64, tpu.core_type = #tpu.core_type<tc>, window_params = [{transform_indices = @transform_0, window_bounds = array<i64: 2, 1024, 1>}, {transform_indices = @transform_1, window_bounds = array<i64: 1024, 80>}, {transform_indices = @transform_2, window_bounds = array<i64: 1024, 1>}, {transform_indices = @transform_3, window_bounds = array<i64: 1024, 80>}]} {
    %get3A = arith.constant 0 : index
    %get3A_0 = arith.constant 0 : index
    %get3A_1 = arith.constant 0 : index
    %get3A_2 = vector.load %arg1[%get3A, %get3A_0, %get3A_1] : memref<2x1024x1xf32, #tpu.memory_space<vmem>>, vector<1x1024x1xf32>
    %get3A_3 = vector.shape_cast %get3A_2 : vector<1x1024x1xf32> to vector<1024x1xf32>
    %get3A_4 = arith.constant 1 : index
    %get3A_5 = arith.constant 0 : index
    %get3A_6 = arith.constant 0 : index
    %get3A_7 = vector.load %arg1[%get3A_4, %get3A_5, %get3A_6] : memref<2x1024x1xf32, #tpu.memory_space<vmem>>, vector<1x1024x1xf32>
    %get3A_8 = vector.shape_cast %get3A_7 : vector<1x1024x1xf32> to vector<1024x1xf32>
    %add3A = arith.addf %get3A_3, %get3A_8 : vector<1024x1xf32>
    %add3A_9 = arith.constant 1.000000e+00 : f32
    %add3A_10 = vector.broadcast %add3A_9 : f32 to vector<1024x1xf32>
    %add3A_11 = arith.addf %add3A, %add3A_10 : vector<1024x1xf32>
    %rsqrt3A = math.rsqrt %add3A_11 : vector<1024x1xf32>
    %swap3A = arith.constant 0 : index
    %swap3A_12 = arith.constant 0 : index
    %swap3A_13 = vector.load %arg3[%swap3A, %swap3A_12] : memref<1024x1xf32, #tpu.memory_space<vmem>>, vector<1024x1xf32>
    tpu.vector_store %arg3[%swap3A, %swap3A_12], %rsqrt3A {strides = array<i32>} : memref<1024x1xf32, #tpu.memory_space<vmem>>, vector<1024x1xf32>,
    %get3A_14 = arith.constant 0 : index
    %get3A_15 = arith.constant 0 : index
    %get3A_16 = vector.load %arg2[%get3A_14, %get3A_15] : memref<1024x80xf32, #tpu.memory_space<vmem>>, vector<1024x80xf32>
    %mul3A = vector.broadcast %rsqrt3A : vector<1024x1xf32> to vector<1024x80xf32>
    %mul3A_17 = arith.mulf %get3A_16, %mul3A : vector<1024x80xf32>
    %swap3A_18 = arith.constant 0 : index
    %swap3A_19 = arith.constant 0 : index
    %swap3A_20 = vector.load %arg4[%swap3A_18, %swap3A_19] : memref<1024x80xf32, #tpu.memory_space<vmem>>, vector<1024x80xf32>
    tpu.vector_store %arg4[%swap3A_18, %swap3A_19], %mul3A_17 {strides = array<i32>} : memref<1024x80xf32, #tpu.memory_space<vmem>>, vector<1024x80xf32>,
    return
  }
  func.func @transform_0(%arg0: i32) -> (i32, i32, i32) {
    %c0_i32 = arith.constant 0 : i32
    %c0_i32_0 = arith.constant 0 : i32
    %c0_i32_1 = arith.constant 0 : i32
    return %c0_i32, %arg0, %c0_i32_0 : i32, i32, i32
  }
  func.func @transform_1(%arg0: i32) -> (i32, i32) {
    %c0_i32 = arith.constant 0 : i32
    %c0_i32_0 = arith.constant 0 : i32
    return %arg0, %c0_i32 : i32, i32
  }
  func.func @transform_2(%arg0: i32) -> (i32, i32) {
    %c0_i32 = arith.constant 0 : i32
    %c0_i32_0 = arith.constant 0 : i32
    return %arg0, %c0_i32 : i32, i32
  }
  func.func @transform_3(%arg0: i32) -> (i32, i32) {
    %c0_i32 = arith.constant 0 : i32
    %c0_i32_0 = arith.constant 0 : i32
    return %arg0, %c0_i32 : i32, i32
  }
}

module attributes {stable_mosaic.version = 14 : i64} {
  func.func @body(%arg0: i32, %arg1: memref<2x1024x80xf32, #tpu.memory_space<vmem>>, %arg2: memref<1024x80xf32, #tpu.memory_space<vmem>>, %arg3: memref<1024x1xf32, #tpu.memory_space<vmem>>, %arg4: memref<1x80xf32, #tpu.memory_space<vmem>>, %arg5: memref<1024x80xf32, #tpu.memory_space<vmem>>) attributes {dimension_semantics = [#tpu.dimension_semantics<arbitrary>], iteration_bounds = array<i64: 10>, scalar_prefetch = 0 : i64, scratch_operands = 0 : i64, tpu.core_type = #tpu.core_type<tc>, window_params = [{transform_indices = @transform_0, window_bounds = array<i64: 2, 1024, 80>}, {transform_indices = @transform_1, window_bounds = array<i64: 1024, 80>}, {transform_indices = @transform_2, window_bounds = array<i64: 1024, 1>}, {pipeline_mode = #tpu.pipeline_mode<synchronous>, transform_indices = @transform_3, window_bounds = array<i64: 1, 80>}, {transform_indices = @transform_4, window_bounds = array<i64: 1024, 80>}]} {
    %get3A = arith.constant 0 : index
    %get3A_0 = arith.constant 0 : index
    %get3A_1 = vector.load %arg3[%get3A, %get3A_0] : memref<1024x1xf32, #tpu.memory_space<vmem>>, vector<1024x1xf32>
    %get3A_2 = arith.constant 0 : index
    %get3A_3 = arith.constant 0 : index
    %get3A_4 = arith.constant 0 : index
    %get3A_5 = vector.load %arg1[%get3A_2, %get3A_3, %get3A_4] : memref<2x1024x80xf32, #tpu.memory_space<vmem>>, vector<1x1024x80xf32>
    %get3A_6 = vector.shape_cast %get3A_5 : vector<1x1024x80xf32> to vector<1024x80xf32>
    %get3A_7 = arith.constant 1 : index
    %get3A_8 = arith.constant 0 : index
    %get3A_9 = arith.constant 0 : index
    %get3A_10 = vector.load %arg1[%get3A_7, %get3A_8, %get3A_9] : memref<2x1024x80xf32, #tpu.memory_space<vmem>>, vector<1x1024x80xf32>
    %get3A_11 = vector.shape_cast %get3A_10 : vector<1x1024x80xf32> to vector<1024x80xf32>
    %add3A = arith.addf %get3A_6, %get3A_11 : vector<1024x80xf32>
    %get3A_12 = arith.constant 0 : index
    %get3A_13 = arith.constant 0 : index
    %get3A_14 = vector.load %arg2[%get3A_12, %get3A_13] : memref<1024x80xf32, #tpu.memory_space<vmem>>, vector<1024x80xf32>
    %add3A_15 = arith.addf %add3A, %get3A_14 : vector<1024x80xf32>
    %mul3A = vector.broadcast %get3A_1 : vector<1024x1xf32> to vector<1024x80xf32>
    %mul3A_16 = arith.mulf %mul3A, %add3A_15 : vector<1024x80xf32>
    %get3A_17 = arith.constant 0 : index
    %get3A_18 = arith.constant 0 : index
    %get3A_19 = vector.load %arg4[%get3A_17, %get3A_18] : memref<1x80xf32, #tpu.memory_space<vmem>>, vector<1x80xf32>
    %add3A_20 = vector.broadcast %get3A_19 : vector<1x80xf32> to vector<1024x80xf32>
    %add3A_21 = arith.addf %mul3A_16, %add3A_20 : vector<1024x80xf32>
    %max3A = arith.constant 0.000000e+00 : f32
    %max3A_22 = vector.broadcast %max3A : f32 to vector<1024x80xf32>
    %max3A_23 = arith.maximumf %add3A_21, %max3A_22 : vector<1024x80xf32>
    %mul3A_24 = vector.broadcast %get3A_1 : vector<1024x1xf32> to vector<1024x80xf32>
    %mul3A_25 = arith.mulf %max3A_23, %mul3A_24 : vector<1024x80xf32>
    %swap3A = arith.constant 0 : index
    %swap3A_26 = arith.constant 0 : index
    %swap3A_27 = vector.load %arg5[%swap3A, %swap3A_26] : memref<1024x80xf32, #tpu.memory_space<vmem>>, vector<1024x80xf32>
    tpu.vector_store %arg5[%swap3A, %swap3A_26], %mul3A_25 {strides = array<i32>} : memref<1024x80xf32, #tpu.memory_space<vmem>>, vector<1024x80xf32>,
    return
  }
  func.func @transform_0(%arg0: i32) -> (i32, i32, i32) {
    %c0_i32 = arith.constant 0 : i32
    %c0_i32_0 = arith.constant 0 : i32
    %c0_i32_1 = arith.constant 0 : i32
    return %c0_i32, %arg0, %c0_i32_0 : i32, i32, i32
  }
  func.func @transform_1(%arg0: i32) -> (i32, i32) {
    %c0_i32 = arith.constant 0 : i32
    %c0_i32_0 = arith.constant 0 : i32
    return %arg0, %c0_i32 : i32, i32
  }
  func.func @transform_2(%arg0: i32) -> (i32, i32) {
    %c0_i32 = arith.constant 0 : i32
    %c0_i32_0 = arith.constant 0 : i32
    return %arg0, %c0_i32 : i32, i32
  }
  func.func @transform_3(%arg0: i32) -> (i32, i32) {
    %c0_i32 = arith.constant 0 : i32
    %c0_i32_0 = arith.constant 0 : i32
    %c0_i32_1 = arith.constant 0 : i32
    return %c0_i32, %c0_i32_0 : i32, i32
  }
  func.func @transform_4(%arg0: i32) -> (i32, i32) {
    %c0_i32 = arith.constant 0 : i32
    %c0_i32_0 = arith.constant 0 : i32
    return %arg0, %c0_i32 : i32, i32
  }
}

module attributes {stable_mosaic.version = 14 : i64} {
  func.func @body(%arg0: i32, %arg1: memref<2x1024x80xf32, #tpu.memory_space<vmem>>, %arg2: memref<1024x80xf32, #tpu.memory_space<vmem>>, %arg3: memref<1024x1xf32, #tpu.memory_space<vmem>>, %arg4: memref<80x160xf32, #tpu.memory_space<vmem>>, %arg5: memref<1x160xf32, #tpu.memory_space<vmem>>, %arg6: memref<160x64xf32, #tpu.memory_space<vmem>>, %arg7: memref<1024x64xf32, #tpu.memory_space<vmem>>) attributes {dimension_semantics = [#tpu.dimension_semantics<arbitrary>], iteration_bounds = array<i64: 10>, scalar_prefetch = 0 : i64, scratch_operands = 0 : i64, tpu.core_type = #tpu.core_type<tc>, window_params = [{transform_indices = @transform_0, window_bounds = array<i64: 2, 1024, 80>}, {transform_indices = @transform_1, window_bounds = array<i64: 1024, 80>}, {transform_indices = @transform_2, window_bounds = array<i64: 1024, 1>}, {pipeline_mode = #tpu.pipeline_mode<synchronous>, transform_indices = @transform_3, window_bounds = array<i64: 80, 160>}, {pipeline_mode = #tpu.pipeline_mode<synchronous>, transform_indices = @transform_4, window_bounds = array<i64: 1, 160>}, {pipeline_mode = #tpu.pipeline_mode<synchronous>, transform_indices = @transform_5, window_bounds = array<i64: 160, 64>}, {transform_indices = @transform_6, window_bounds = array<i64: 1024, 64>}]} {
    %get3A = arith.constant 0 : index
    %get3A_0 = arith.constant 0 : index
    %get3A_1 = vector.load %arg3[%get3A, %get3A_0] : memref<1024x1xf32, #tpu.memory_space<vmem>>, vector<1024x1xf32>
    %get3A_2 = arith.constant 0 : index
    %get3A_3 = arith.constant 0 : index
    %get3A_4 = arith.constant 0 : index
    %get3A_5 = vector.load %arg1[%get3A_2, %get3A_3, %get3A_4] : memref<2x1024x80xf32, #tpu.memory_space<vmem>>, vector<1x1024x80xf32>
    %get3A_6 = vector.shape_cast %get3A_5 : vector<1x1024x80xf32> to vector<1024x80xf32>
    %get3A_7 = arith.constant 1 : index
    %get3A_8 = arith.constant 0 : index
    %get3A_9 = arith.constant 0 : index
    %get3A_10 = vector.load %arg1[%get3A_7, %get3A_8, %get3A_9] : memref<2x1024x80xf32, #tpu.memory_space<vmem>>, vector<1x1024x80xf32>
    %get3A_11 = vector.shape_cast %get3A_10 : vector<1x1024x80xf32> to vector<1024x80xf32>
    %add3A = arith.addf %get3A_6, %get3A_11 : vector<1024x80xf32>
    %get3A_12 = arith.constant 0 : index
    %get3A_13 = arith.constant 0 : index
    %get3A_14 = vector.load %arg2[%get3A_12, %get3A_13] : memref<1024x80xf32, #tpu.memory_space<vmem>>, vector<1024x80xf32>
    %add3A_15 = arith.addf %add3A, %get3A_14 : vector<1024x80xf32>
    %mul3A = vector.broadcast %get3A_1 : vector<1024x1xf32> to vector<1024x80xf32>
    %mul3A_16 = arith.mulf %mul3A, %add3A_15 : vector<1024x80xf32>
    %get3A_17 = arith.constant 0 : index
    %get3A_18 = arith.constant 0 : index
    %get3A_19 = vector.load %arg4[%get3A_17, %get3A_18] : memref<80x160xf32, #tpu.memory_space<vmem>>, vector<80x160xf32>
    %dot_general3A = arith.constant dense<0.000000e+00> : vector<1024x160xf32>
    %dot_general3A_20 = tpu.matmul %mul3A_16, %get3A_19, %dot_general3A {dimension_numbers = #tpu.dot_dimension_numbers<[1], [0], [0], [1], [0, 0, 1, 1], [], []>, transpose_lhs_hint = false} : vector<1024x80xf32>, vector<80x160xf32>, vector<1024x160xf32> -> vector<1024x160xf32>
    %get3A_21 = arith.constant 0 : index
    %get3A_22 = arith.constant 0 : index
    %get3A_23 = vector.load %arg5[%get3A_21, %get3A_22] : memref<1x160xf32, #tpu.memory_space<vmem>>, vector<1x160xf32>
    %add3A_24 = vector.broadcast %get3A_23 : vector<1x160xf32> to vector<1024x160xf32>
    %add3A_25 = arith.addf %dot_general3A_20, %add3A_24 : vector<1024x160xf32>
    %max3A = arith.constant 0.000000e+00 : f32
    %max3A_26 = vector.broadcast %max3A : f32 to vector<1024x160xf32>
    %max3A_27 = arith.maximumf %add3A_25, %max3A_26 : vector<1024x160xf32>
    %get3A_28 = arith.constant 0 : index
    %get3A_29 = arith.constant 0 : index
    %get3A_30 = vector.load %arg6[%get3A_28, %get3A_29] : memref<160x64xf32, #tpu.memory_space<vmem>>, vector<160x64xf32>
    %dot_general3A_31 = arith.constant dense<0.000000e+00> : vector<1024x64xf32>
    %dot_general3A_32 = tpu.matmul %max3A_27, %get3A_30, %dot_general3A_31 {dimension_numbers = #tpu.dot_dimension_numbers<[1], [0], [0], [1], [0, 0, 1, 1], [], []>, transpose_lhs_hint = false} : vector<1024x160xf32>, vector<160x64xf32>, vector<1024x64xf32> -> vector<1024x64xf32>
    %mul3A_33 = vector.broadcast %get3A_1 : vector<1024x1xf32> to vector<1024x64xf32>
    %mul3A_34 = arith.mulf %dot_general3A_32, %mul3A_33 : vector<1024x64xf32>
    %swap3A = arith.constant 0 : index
    %swap3A_35 = arith.constant 0 : index
    %swap3A_36 = vector.load %arg7[%swap3A, %swap3A_35] : memref<1024x64xf32, #tpu.memory_space<vmem>>, vector<1024x64xf32>
    tpu.vector_store %arg7[%swap3A, %swap3A_35], %mul3A_34 {strides = array<i32>} : memref<1024x64xf32, #tpu.memory_space<vmem>>, vector<1024x64xf32>,
    return
  }
  func.func @transform_0(%arg0: i32) -> (i32, i32, i32) {
    %c0_i32 = arith.constant 0 : i32
    %c0_i32_0 = arith.constant 0 : i32
    %c0_i32_1 = arith.constant 0 : i32
    return %c0_i32, %arg0, %c0_i32_0 : i32, i32, i32
  }
  func.func @transform_1(%arg0: i32) -> (i32, i32) {
    %c0_i32 = arith.constant 0 : i32
    %c0_i32_0 = arith.constant 0 : i32
    return %arg0, %c0_i32 : i32, i32
  }
  func.func @transform_2(%arg0: i32) -> (i32, i32) {
    %c0_i32 = arith.constant 0 : i32
    %c0_i32_0 = arith.constant 0 : i32
    return %arg0, %c0_i32 : i32, i32
  }
  func.func @transform_3(%arg0: i32) -> (i32, i32) {
    %c0_i32 = arith.constant 0 : i32
    %c0_i32_0 = arith.constant 0 : i32
    %c0_i32_1 = arith.constant 0 : i32
    return %c0_i32, %c0_i32_0 : i32, i32
  }
  func.func @transform_4(%arg0: i32) -> (i32, i32) {
    %c0_i32 = arith.constant 0 : i32
    %c0_i32_0 = arith.constant 0 : i32
    %c0_i32_1 = arith.constant 0 : i32
    return %c0_i32, %c0_i32_0 : i32, i32
  }
  func.func @transform_5(%arg0: i32) -> (i32, i32) {
    %c0_i32 = arith.constant 0 : i32
    %c0_i32_0 = arith.constant 0 : i32
    %c0_i32_1 = arith.constant 0 : i32
    return %c0_i32, %c0_i32_0 : i32, i32
  }
  func.func @transform_6(%arg0: i32) -> (i32, i32) {
    %c0_i32 = arith.constant 0 : i32
    %c0_i32_0 = arith.constant 0 : i32
    return %arg0, %c0_i32 : i32, i32
  }
}

module attributes {stable_mosaic.version = 14 : i64} {
  func.func @body(%arg0: i32, %arg1: memref<10240xi32, #tpu.memory_space<smem>>, %arg2: memref<2x1024x64xf32, #tpu.memory_space<vmem>>, %arg3: memref<1024x64xf32, #tpu.memory_space<vmem>>, %arg4: memref<1024x1xf32, #tpu.memory_space<vmem>>, %arg5: memref<1x64xf32, #tpu.memory_space<vmem>>, %arg6: memref<1024x1xi32, #tpu.memory_space<vmem>>, %arg7: memref<64x1xf32, #tpu.memory_space<vmem>>, %arg8: memref<1x1xf32, #tpu.memory_space<vmem>>, %arg9: memref<64x64xf32, #tpu.memory_space<vmem>>, %arg10: memref<64x1xf32, #tpu.memory_space<vmem>>) attributes {dimension_semantics = [#tpu.dimension_semantics<arbitrary>], iteration_bounds = array<i64: 10>, scalar_prefetch = 0 : i64, scratch_operands = 0 : i64, tpu.core_type = #tpu.core_type<tc>, window_params = [{transform_indices = @transform_0, window_bounds = array<i64: 10240>}, {transform_indices = @transform_1, window_bounds = array<i64: 2, 1024, 64>}, {transform_indices = @transform_2, window_bounds = array<i64: 1024, 64>}, {transform_indices = @transform_3, window_bounds = array<i64: 1024, 1>}, {pipeline_mode = #tpu.pipeline_mode<synchronous>, transform_indices = @transform_4, window_bounds = array<i64: 1, 64>}, {transform_indices = @transform_5, window_bounds = array<i64: 1024, 1>}, {pipeline_mode = #tpu.pipeline_mode<synchronous>, transform_indices = @transform_6, window_bounds = array<i64: 64, 1>}, {pipeline_mode = #tpu.pipeline_mode<synchronous>, transform_indices = @transform_7, window_bounds = array<i64: 1, 1>}, {pipeline_mode = #tpu.pipeline_mode<synchronous>, transform_indices = @transform_8, window_bounds = array<i64: 64, 64>}, {pipeline_mode = #tpu.pipeline_mode<synchronous>, transform_indices = @transform_9, window_bounds = array<i64: 64, 1>}]} {
    %eq3A = arith.constant 0 : i32
    %eq3A_0 = arith.cmpi eq, %arg0, %eq3A : i32
    %convert_element_type3A = arith.extui %eq3A_0 : i1 to i32
    %cond3A = arith.constant 0 : i32
    %cond3A_1 = arith.cmpi ne, %convert_element_type3A, %cond3A : i32
    scf.if %cond3A_1 {
      %broadcast_in_dim3A = arith.constant 0xFF800000 : f32
      %broadcast_in_dim3A_58 = vector.broadcast %broadcast_in_dim3A : f32 to vector<64x64xf32>
      %swap3A = arith.constant 0 : index
      %swap3A_59 = arith.constant 0 : index
      %swap3A_60 = vector.load %arg9[%swap3A, %swap3A_59] : memref<64x64xf32, #tpu.memory_space<vmem>>, vector<64x64xf32>
      tpu.vector_store %arg9[%swap3A, %swap3A_59], %broadcast_in_dim3A_58 {strides = array<i32>} : memref<64x64xf32, #tpu.memory_space<vmem>>, vector<64x64xf32>,
    } else {
    }
    %get3A = arith.constant 0 : index
    %get3A_2 = arith.constant 0 : index
    %get3A_3 = vector.load %arg4[%get3A, %get3A_2] : memref<1024x1xf32, #tpu.memory_space<vmem>>, vector<1024x1xf32>
    %get3A_4 = arith.constant 0 : index
    %get3A_5 = arith.constant 0 : index
    %get3A_6 = arith.constant 0 : index
    %get3A_7 = vector.load %arg2[%get3A_4, %get3A_5, %get3A_6] : memref<2x1024x64xf32, #tpu.memory_space<vmem>>, vector<1x1024x64xf32>
    %get3A_8 = vector.shape_cast %get3A_7 : vector<1x1024x64xf32> to vector<1024x64xf32>
    %get3A_9 = arith.constant 1 : index
    %get3A_10 = arith.constant 0 : index
    %get3A_11 = arith.constant 0 : index
    %get3A_12 = vector.load %arg2[%get3A_9, %get3A_10, %get3A_11] : memref<2x1024x64xf32, #tpu.memory_space<vmem>>, vector<1x1024x64xf32>
    %get3A_13 = vector.shape_cast %get3A_12 : vector<1x1024x64xf32> to vector<1024x64xf32>
    %add3A = arith.addf %get3A_8, %get3A_13 : vector<1024x64xf32>
    %get3A_14 = arith.constant 0 : index
    %get3A_15 = arith.constant 0 : index
    %get3A_16 = vector.load %arg3[%get3A_14, %get3A_15] : memref<1024x64xf32, #tpu.memory_space<vmem>>, vector<1024x64xf32>
    %add3A_17 = arith.addf %add3A, %get3A_16 : vector<1024x64xf32>
    %mul3A = vector.broadcast %get3A_3 : vector<1024x1xf32> to vector<1024x64xf32>
    %mul3A_18 = arith.mulf %mul3A, %add3A_17 : vector<1024x64xf32>
    %get3A_19 = arith.constant 0 : index
    %get3A_20 = arith.constant 0 : index
    %get3A_21 = vector.load %arg5[%get3A_19, %get3A_20] : memref<1x64xf32, #tpu.memory_space<vmem>>, vector<1x64xf32>
    %add3A_22 = vector.broadcast %get3A_21 : vector<1x64xf32> to vector<1024x64xf32>
    %add3A_23 = arith.addf %mul3A_18, %add3A_22 : vector<1024x64xf32>
    %max3A = arith.constant 0.000000e+00 : f32
    %max3A_24 = vector.broadcast %max3A : f32 to vector<1024x64xf32>
    %max3A_25 = arith.maximumf %add3A_23, %max3A_24 : vector<1024x64xf32>
    %get3A_26 = arith.constant 0 : index
    %get3A_27 = arith.constant 0 : index
    %get3A_28 = vector.load %arg6[%get3A_26, %get3A_27] : memref<1024x1xi32, #tpu.memory_space<vmem>>, vector<1024x1xi32>
    %mul3A_29 = arith.constant 1024 : i32
    %mul3A_30 = arith.muli %arg0, %mul3A_29 : i32
    %get3A_31 = arith.index_cast %mul3A_30 : i32 to index
    %get3A_32 = memref.load %arg1[%get3A_31] : memref<10240xi32, #tpu.memory_space<smem>>
    %mul3A_33 = arith.constant 1024 : i32
    %mul3A_34 = arith.muli %arg0, %mul3A_33 : i32
    %add3A_35 = arith.constant 1024 : i32
    %add3A_36 = arith.addi %mul3A_34, %add3A_35 : i32
    %sub3A = arith.constant 1 : i32
    %sub3A_37 = arith.subi %add3A_36, %sub3A : i32
    %get3A_38 = arith.index_cast %sub3A_37 : i32 to index
    %get3A_39 = memref.load %arg1[%get3A_38] : memref<10240xi32, #tpu.memory_space<smem>>
    %min3A = arith.constant 63 : i32
    %min3A_40 = arith.minsi %get3A_39, %min3A : i32
    %iota3A = tpu.iota {dimensions = array<i32: 0>} : vector<64x64xi32>
    %add3A_41 = arith.constant 1 : i32
    %add3A_42 = arith.addi %min3A_40, %add3A_41 : i32
    %while3A = arith.constant 0 : i32
    %while3A_43 = arith.subi %add3A_42, %get3A_32 : i32
    %while3A_44 = arith.addi %get3A_32, %while3A_43 : i32
    %while3A_45 = arith.constant 1 : i32
    %while3A_46 = arith.divsi %while3A_43, %while3A_45 : i32
    %while3A_47 = arith.muli %while3A_46, %while3A_45 : i32
    %while3A_48 = arith.addi %get3A_32, %while3A_47 : i32
    %while3A_49 = arith.constant 1 : i32
    %while3A_50 = scf.for %while3A_58 = %get3A_32 to %while3A_48 step %while3A_49 iter_args(%while3A_59 = %while3A) -> (i32)  : i32 {
      %eq3A_60 = vector.broadcast %while3A_58 : i32 to vector<1024x1xi32>
      %eq3A_61 = arith.cmpi eq, %get3A_28, %eq3A_60 : vector<1024x1xi32>
      %jit3A = arith.constant 0xFF800000 : f32
      %broadcast_in_dim3A = vector.shape_cast %eq3A_61 : vector<1024x1xi1> to vector<1024x1xi1>
      %broadcast_in_dim3A_62 = vector.broadcast %broadcast_in_dim3A : vector<1024x1xi1> to vector<1024x64xi1>
      %broadcast_in_dim3A_63 = vector.broadcast %jit3A : f32 to vector<1024x64xf32>
      %select_n3A = arith.select %broadcast_in_dim3A_62, %max3A_25, %broadcast_in_dim3A_63 : vector<1024x64xi1>, vector<1024x64xf32>
      %reduce_max3A = arith.constant dense<0xFF800000> : vector<64xf32>
      %reduce_max3A_64 = vector.multi_reduction <maximumf>, %select_n3A, %reduce_max3A [0] : vector<1024x64xf32> to vector<64xf32>
      %broadcast_in_dim3A_65 = vector.shape_cast %reduce_max3A_64 : vector<64xf32> to vector<1x64xf32>
      %eq3A_66 = vector.broadcast %while3A_58 : i32 to vector<64x64xi32>
      %eq3A_67 = arith.cmpi eq, %iota3A, %eq3A_66 : vector<64x64xi32>
      %broadcast_in_dim3A_68 = vector.shape_cast %broadcast_in_dim3A_65 : vector<1x64xf32> to vector<1x64xf32>
      %broadcast_in_dim3A_69 = vector.broadcast %broadcast_in_dim3A_68 : vector<1x64xf32> to vector<64x64xf32>
      %jit3A_70 = arith.constant 0xFF800000 : f32
      %broadcast_in_dim3A_71 = vector.broadcast %jit3A_70 : f32 to vector<64x64xf32>
      %select_n3A_72 = arith.select %eq3A_67, %broadcast_in_dim3A_69, %broadcast_in_dim3A_71 : vector<64x64xi1>, vector<64x64xf32>
      %get3A_73 = arith.constant 0 : index
      %get3A_74 = arith.constant 0 : index
      %get3A_75 = vector.load %arg9[%get3A_73, %get3A_74] : memref<64x64xf32, #tpu.memory_space<vmem>>, vector<64x64xf32>
      %max3A_76 = arith.maximumf %get3A_75, %select_n3A_72 : vector<64x64xf32>
      %swap3A = arith.constant 0 : index
      %swap3A_77 = arith.constant 0 : index
      %swap3A_78 = vector.load %arg9[%swap3A, %swap3A_77] : memref<64x64xf32, #tpu.memory_space<vmem>>, vector<64x64xf32>
      tpu.vector_store %arg9[%swap3A, %swap3A_77], %max3A_76 {strides = array<i32>} : memref<64x64xf32, #tpu.memory_space<vmem>>, vector<64x64xf32>,
      %while3A_79 = arith.constant 0 : i32
      scf.yield %while3A_79 : i32
    }
    %while3A_51 = arith.constant 1 : i32
    %while3A_52 = scf.for %while3A_58 = %while3A_48 to %while3A_44 step %while3A_51 iter_args(%while3A_59 = %while3A_50) -> (i32)  : i32 {
      %eq3A_60 = vector.broadcast %while3A_58 : i32 to vector<1024x1xi32>
      %eq3A_61 = arith.cmpi eq, %get3A_28, %eq3A_60 : vector<1024x1xi32>
      %jit3A = arith.constant 0xFF800000 : f32
      %broadcast_in_dim3A = vector.shape_cast %eq3A_61 : vector<1024x1xi1> to vector<1024x1xi1>
      %broadcast_in_dim3A_62 = vector.broadcast %broadcast_in_dim3A : vector<1024x1xi1> to vector<1024x64xi1>
      %broadcast_in_dim3A_63 = vector.broadcast %jit3A : f32 to vector<1024x64xf32>
      %select_n3A = arith.select %broadcast_in_dim3A_62, %max3A_25, %broadcast_in_dim3A_63 : vector<1024x64xi1>, vector<1024x64xf32>
      %reduce_max3A = arith.constant dense<0xFF800000> : vector<64xf32>
      %reduce_max3A_64 = vector.multi_reduction <maximumf>, %select_n3A, %reduce_max3A [0] : vector<1024x64xf32> to vector<64xf32>
      %broadcast_in_dim3A_65 = vector.shape_cast %reduce_max3A_64 : vector<64xf32> to vector<1x64xf32>
      %eq3A_66 = vector.broadcast %while3A_58 : i32 to vector<64x64xi32>
      %eq3A_67 = arith.cmpi eq, %iota3A, %eq3A_66 : vector<64x64xi32>
      %broadcast_in_dim3A_68 = vector.shape_cast %broadcast_in_dim3A_65 : vector<1x64xf32> to vector<1x64xf32>
      %broadcast_in_dim3A_69 = vector.broadcast %broadcast_in_dim3A_68 : vector<1x64xf32> to vector<64x64xf32>
      %jit3A_70 = arith.constant 0xFF800000 : f32
      %broadcast_in_dim3A_71 = vector.broadcast %jit3A_70 : f32 to vector<64x64xf32>
      %select_n3A_72 = arith.select %eq3A_67, %broadcast_in_dim3A_69, %broadcast_in_dim3A_71 : vector<64x64xi1>, vector<64x64xf32>
      %get3A_73 = arith.constant 0 : index
      %get3A_74 = arith.constant 0 : index
      %get3A_75 = vector.load %arg9[%get3A_73, %get3A_74] : memref<64x64xf32, #tpu.memory_space<vmem>>, vector<64x64xf32>
      %max3A_76 = arith.maximumf %get3A_75, %select_n3A_72 : vector<64x64xf32>
      %swap3A = arith.constant 0 : index
      %swap3A_77 = arith.constant 0 : index
      %swap3A_78 = vector.load %arg9[%swap3A, %swap3A_77] : memref<64x64xf32, #tpu.memory_space<vmem>>, vector<64x64xf32>
      tpu.vector_store %arg9[%swap3A, %swap3A_77], %max3A_76 {strides = array<i32>} : memref<64x64xf32, #tpu.memory_space<vmem>>, vector<64x64xf32>,
      %while3A_79 = arith.constant 0 : i32
      scf.yield %while3A_79 : i32
    }
    %eq3A_53 = arith.constant 9 : i32
    %eq3A_54 = arith.cmpi eq, %arg0, %eq3A_53 : i32
    %convert_element_type3A_55 = arith.extui %eq3A_54 : i1 to i32
    %cond3A_56 = arith.constant 0 : i32
    %cond3A_57 = arith.cmpi ne, %convert_element_type3A_55, %cond3A_56 : i32
    scf.if %cond3A_57 {
      %get3A_58 = arith.constant 0 : index
      %get3A_59 = arith.constant 0 : index
      %get3A_60 = vector.load %arg9[%get3A_58, %get3A_59] : memref<64x64xf32, #tpu.memory_space<vmem>>, vector<64x64xf32>
      %get3A_61 = arith.constant 0 : index
      %get3A_62 = arith.constant 0 : index
      %get3A_63 = vector.load %arg7[%get3A_61, %get3A_62] : memref<64x1xf32, #tpu.memory_space<vmem>>, vector<64x1xf32>
      %dot_general3A = arith.constant dense<0.000000e+00> : vector<64x1xf32>
      %dot_general3A_64 = tpu.matmul %get3A_60, %get3A_63, %dot_general3A {dimension_numbers = #tpu.dot_dimension_numbers<[1], [0], [0], [1], [0, 0, 1, 1], [], []>, transpose_lhs_hint = false} : vector<64x64xf32>, vector<64x1xf32>, vector<64x1xf32> -> vector<64x1xf32>
      %get3A_65 = arith.constant 0 : index
      %get3A_66 = arith.constant 0 : index
      %get3A_67 = vector.load %arg8[%get3A_65, %get3A_66] : memref<1x1xf32, #tpu.memory_space<vmem>>, vector<1x1xf32>
      %add3A_68 = vector.broadcast %get3A_67 : vector<1x1xf32> to vector<64x1xf32>
      %add3A_69 = arith.addf %dot_general3A_64, %add3A_68 : vector<64x1xf32>
      %logistic3A = arith.negf %add3A_69 : vector<64x1xf32>
      %logistic3A_70 = math.exp %logistic3A : vector<64x1xf32>
      %logistic3A_71 = arith.constant 1.000000e+00 : f32
      %logistic3A_72 = vector.broadcast %logistic3A_71 : f32 to vector<64x1xf32>
      %logistic3A_73 = arith.addf %logistic3A_72, %logistic3A_70 : vector<64x1xf32>
      %logistic3A_74 = arith.divf %logistic3A_72, %logistic3A_73 : vector<64x1xf32>
      %swap3A = arith.constant 0 : index
      %swap3A_75 = arith.constant 0 : index
      %swap3A_76 = vector.load %arg10[%swap3A, %swap3A_75] : memref<64x1xf32, #tpu.memory_space<vmem>>, vector<64x1xf32>
      tpu.vector_store %arg10[%swap3A, %swap3A_75], %logistic3A_74 {strides = array<i32>} : memref<64x1xf32, #tpu.memory_space<vmem>>, vector<64x1xf32>,
    } else {
    }
    return
  }
  func.func @transform_0(%arg0: i32) -> i32 {
    %c0_i32 = arith.constant 0 : i32
    %c0_i32_0 = arith.constant 0 : i32
    return %c0_i32 : i32
  }
  func.func @transform_1(%arg0: i32) -> (i32, i32, i32) {
    %c0_i32 = arith.constant 0 : i32
    %c0_i32_0 = arith.constant 0 : i32
    %c0_i32_1 = arith.constant 0 : i32
    return %c0_i32, %arg0, %c0_i32_0 : i32, i32, i32
  }
  func.func @transform_2(%arg0: i32) -> (i32, i32) {
    %c0_i32 = arith.constant 0 : i32
    %c0_i32_0 = arith.constant 0 : i32
    return %arg0, %c0_i32 : i32, i32
  }
  func.func @transform_3(%arg0: i32) -> (i32, i32) {
    %c0_i32 = arith.constant 0 : i32
    %c0_i32_0 = arith.constant 0 : i32
    return %arg0, %c0_i32 : i32, i32
  }
  func.func @transform_4(%arg0: i32) -> (i32, i32) {
    %c0_i32 = arith.constant 0 : i32
    %c0_i32_0 = arith.constant 0 : i32
    %c0_i32_1 = arith.constant 0 : i32
    return %c0_i32, %c0_i32_0 : i32, i32
  }
  func.func @transform_5(%arg0: i32) -> (i32, i32) {
    %c0_i32 = arith.constant 0 : i32
    %c0_i32_0 = arith.constant 0 : i32
    return %arg0, %c0_i32 : i32, i32
  }
  func.func @transform_6(%arg0: i32) -> (i32, i32) {
    %c0_i32 = arith.constant 0 : i32
    %c0_i32_0 = arith.constant 0 : i32
    %c0_i32_1 = arith.constant 0 : i32
    return %c0_i32, %c0_i32_0 : i32, i32
  }
  func.func @transform_7(%arg0: i32) -> (i32, i32) {
    %c0_i32 = arith.constant 0 : i32
    %c0_i32_0 = arith.constant 0 : i32
    %c0_i32_1 = arith.constant 0 : i32
    return %c0_i32, %c0_i32_0 : i32, i32
  }
  func.func @transform_8(%arg0: i32) -> (i32, i32) {
    %c0_i32 = arith.constant 0 : i32
    %c0_i32_0 = arith.constant 0 : i32
    %c0_i32_1 = arith.constant 0 : i32
    return %c0_i32, %c0_i32_0 : i32, i32
  }
  func.func @transform_9(%arg0: i32) -> (i32, i32) {
    %c0_i32 = arith.constant 0 : i32
    %c0_i32_0 = arith.constant 0 : i32
    %c0_i32_1 = arith.constant 0 : i32
    return %c0_i32, %c0_i32_0 : i32, i32
  }
}

</mosaic_0001>

<sc_bundles>
// kernel: gcn_deg.3.cloned.1.call-start
scs
__scs_entry_jumppad:
0x0: {  	(pc) =	sbr.rel $0x88, $3  }
0x1: {  	(tag) =	ssettag $0x0;
	lr =	simm.s32 $0x1  }
0x2: {  	[smem:$0x3F96] =	sst lr;
	_ =	strace $0xD0000000  }
0x3: {  	_ = 	snop  }
0x4: {  	_ = 	snop  }
0x5: {  	_ = 	snop  }
0x6: {  	_ = 	snop  }
0x7: {  	_ = 	snop  }
__scs_overlays_trampoline_lowered:
0x8: {  	[smem:$0x3FA5] =	sst s0  }
0x9: {  	[smem:$0x3FA6] =	sst s1  }
0xa: {  	[smem:$0x3FA7] =	sst s2  }
0xb: {  	[smem:$0x3FA8] =	sst s3  }
0xc: {  	[smem:$0x3FA9] =	sst s4  }
0xd: {  	[smem:$0x3FAA] =	sst s5  }
0xe: {  	[smem:$0x3FAB] =	sst s6  }
0xf: {  	[smem:$0x3FAC] =	sst s7  }
0x10: {  	[smem:$0x3FAD] =	sst s8  }
0x11: {  	[smem:$0x3FAE] =	sst s9;
	s0 =	simm.s32 @!p0 $0x0  }
0x12: {  	s1 =	sld [smem:$0x3F94];
	s0 =	simm.s32 @p0 $0x1  }
0x13: {  	[smem:$0x3FAF] =	sst s0;
	s0 =	simm.s32 @!p1 $0x0  }
0x14: {  	s2 =	sld [smem:$0x3F93];
	s0 =	simm.s32 @p1 $0x1  }
0x15: {  	[smem:$0x3FB0] =	sst s0;
	s0 =	simm.s32 @!p2 $0x0  }
0x16: {  	s3 =	sld [smem:$0x3FDB];
	s0 =	simm.s32 @p2 $0x1  }
0x17: {  	s4 =	simm.s32 $0x1BF5;
	[smem:$0x3FB2] =	sst s0  }
0x18: {  	s0 =	sld [smem:$0x3F95];
	_ =	swait.ge [sflag:s4], $0x0  }
0x19: {  	s7 =	sld [smem:$0x3F96]  }
0x1a: {  	s8 =	sadd.s32 $0xFFFFE003, lr  }
0x1b: {  	s9 =	sadd.s32 $0xFFFFFEF7, lr;
	s5 =	simm.s32 $0xFFFFFFFF;
	p2 =	slt.u32 s8, $0xFFFFF086  }
0x1c: {  	p1 =	slt.u32 s9, $0xF7A;
	s5 =	simm.s32 @!p2 $0x0  }
0x1d: {  	s5 =	simm.s32 @p1 $0x1;
	p0 =	seq.s32 s7, s2  }
0x1e: {  	s7 =	smul.u32 @!p0 $0xF7A, s2;
	p2 =	seq.s32 @!p0 s5, $0x0  }
0x1f: {  	s9 =	smul.u32 $0xF7A, s1;
	s8 =	simm.s32 @!p0 $0x1BF5;
	p2 =	por !p2, p0  }
0x20: {  	[sflag:s8] =	ssyncset.s32 @!p0 $0xFFFFF086;
	s6 =	sadd.s32 @!p0 s3, s7;
	s7 =	simm.s32 @!p0 $0x108  }
0x21: {  	s3 =	sadd.s32 s3, s9;
	s6 =	sadd.s32 @!p0 $0x88, s6;
	s7 =	simm.s32 @p2 $0x1082  }
0x22: {  	[simem:s7], [sflag:s8] =	dma.local @!p0 [hbm:s6], $0xF7A  }
0x23: {  	s9 =	sor.u32 $0xD0000000, s2;
	s6 =	simm.s32 $0x108;
	_ =	swait.ge @!p0 [sflag:s8], $0x0  }
0x24: {  	s3 =	sadd.s32 $0x88, s3;
	s6 =	simm.s32 @!p1 $0x1082;
	[sflag:s4] =	ssyncset.s32 $0xFFFFF086  }
0x25: {  	[simem:s6], [sflag:s4] =	dma.local [hbm:s3], $0xF7A  }
0x26: {  	[smem:$0x3F96] =	sst s1;
	(tag) =	ssettag s2;
	_ =	strace s9  }
0x27: {  	s1 =	sld [smem:$0x3FA6]  }
0x28: {  	s2 =	sld [smem:$0x3FA7]  }
0x29: {  	s4 =	sld [smem:$0x3FA9]  }
0x2a: {  	p0 =	seq.s32 s5, $0x0;
	s5 =	sld [smem:$0x3FAA]  }
0x2b: {  	s6 =	sld [smem:$0x3FAB]  }
0x2c: {  	s7 =	sld [smem:$0x3FAC]  }
0x2d: {  	s3 =	simm.s32 $0x108;
	s8 =	sld [smem:$0x3FAD]  }
0x2e: {  	s3 =	simm.s32 @!p0 $0x1082;
	s9 =	sld [smem:$0x3FAE]  }
0x2f: {  	lr =	sadd.s32 s0, s3;
	s0 =	sld [smem:$0x3FA5]  }
0x30: {  	s3 =	sld [smem:$0x3FA8]  }
0x31: {  	[smem:$0x3FB1] =	sst s10  }
0x32: {  	s10 =	sld [smem:$0x3FAF];
	_ =	sdelay $0x3  }
0x33: {  	p0 =	seq.s32 s10, $0x1;
	s10 =	sld [smem:$0x3FB1];
	_ =	sdelay $0x3  }
0x34: {  	[smem:$0x3FB1] =	sst s10  }
0x35: {  	s10 =	sld [smem:$0x3FB0];
	_ =	sdelay $0x3  }
0x36: {  	p1 =	seq.s32 s10, $0x1;
	s10 =	sld [smem:$0x3FB1];
	_ =	sdelay $0x3  }
0x37: {  	[smem:$0x3FB1] =	sst s10  }
0x38: {  	s10 =	sld [smem:$0x3FB2]  }
0x39: {  	_ = 	snop;
	(pc) =	sbr.ind lr, $3  }
0x3a: {  	_ = 	snop  }
0x3b: {  	_ = 	snop  }
0x3c: {  	p2 =	seq.s32 s10, $0x1;
	s10 =	sld [smem:$0x3FB1]  }
0x3d: {  	_ =	shalt  }
0x3e: {  	_ =	shalt  }
0x3f: {  	_ =	shalt  }
0x40: {  	_ =	shalt  }
0x41: {  	_ =	shalt  }
0x42: {  	_ =	shalt  }
0x43: {  	_ =	shalt  }
0x44: {  	_ =	shalt  }
0x45: {  	_ =	shalt  }
0x46: {  	_ =	shalt  }
0x47: {  	_ =	shalt  }
0x48: {  	_ =	shalt  }
0x49: {  	_ =	shalt  }
0x4a: {  	_ =	shalt  }
0x4b: {  	_ =	shalt  }
0x4c: {  	_ =	shalt  }
0x4d: {  	_ =	shalt  }
0x4e: {  	_ =	shalt  }
0x4f: {  	_ =	shalt  }
0x50: {  	_ =	shalt  }
0x51: {  	_ =	shalt  }
0x52: {  	_ =	shalt  }
0x53: {  	_ =	shalt  }
0x54: {  	_ =	shalt  }
0x55: {  	_ =	shalt  }
0x56: {  	_ =	shalt  }
0x57: {  	_ =	shalt  }
0x58: {  	_ =	shalt  }
0x59: {  	_ =	shalt  }
0x5a: {  	_ =	shalt  }
0x5b: {  	_ =	shalt  }
0x5c: {  	_ =	shalt  }
0x5d: {  	_ =	shalt  }
0x5e: {  	_ =	shalt  }
0x5f: {  	_ =	shalt  }
0x60: {  	_ =	shalt  }
0x61: {  	_ =	shalt  }
0x62: {  	_ =	shalt  }
0x63: {  	_ =	shalt  }
0x64: {  	_ =	shalt  }
0x65: {  	_ =	shalt  }
0x66: {  	_ =	shalt  }
0x67: {  	_ =	shalt  }
0x68: {  	_ =	shalt  }
0x69: {  	_ =	shalt  }
0x6a: {  	_ =	shalt  }
0x6b: {  	_ =	shalt  }
0x6c: {  	_ =	shalt  }
0x6d: {  	_ =	shalt  }
0x6e: {  	_ =	shalt  }
0x6f: {  	_ =	shalt  }
0x70: {  	_ =	shalt  }
0x71: {  	_ =	shalt  }
0x72: {  	_ =	shalt  }
0x73: {  	_ =	shalt  }
0x74: {  	_ =	shalt  }
0x75: {  	_ =	shalt  }
0x76: {  	_ =	shalt  }
0x77: {  	_ =	shalt  }
0x78: {  	_ =	shalt  }
0x79: {  	_ =	shalt  }
0x7a: {  	_ =	shalt  }
0x7b: {  	_ =	shalt  }
0x7c: {  	_ =	shalt  }
0x7d: {  	_ =	shalt  }
0x7e: {  	_ =	shalt  }
0x7f: {  	_ =	shalt  }
0x80: {  	_ =	shalt  }
0x81: {  	_ =	shalt  }
0x82: {  	_ =	shalt  }
0x83: {  	_ =	shalt  }
0x84: {  	_ =	shalt  }
0x85: {  	_ =	shalt  }
0x86: {  	_ =	shalt  }
0x87: {  	_ =	shalt  }
.Lfunc_end0:
.L_simem_size_0:
called_computation_lowered:
.L_overlay_start_0:
0x88: {  	s2 =	sld [smem:$0x3FD9]  }
0x89: {  	s3 =	sld [smem:$0x3FFE];
	_ =	sdelay $0x1  }
0x8a: {  	s1 =	srdreg.scid  }
0x8b: {  	s0 =	sand.u32 $0x1, s1  }
0x8c: {  	s16 =	sshll.u32 s0, $0xA;
	s2 =	sadd.s32 s3, s2  }
0x8d: {  	s2 =	sadd.s32 s2, s16  }
0x8e: {  	[smem:$0x3FBD] =	sst s2  }
0x8f: {  	_ = 	snop  }
0x90: {  	(tm) =	ssettm $0x1  }
0x91: {  	s17 =	sld [smem:$0x3FFB];
	_ =	sdelay $0x3  }
0x92: {  	_ =	strace s17  }
0x93: {  	s2 =	sld [smem:$0x3FFC];
	_ =	sdelay $0x3  }
0x94: {  	_ =	strace s2  }
0x95: {  	s2 =	sld [smem:$0x3FFD];
	_ =	sdelay $0x3  }
0x96: {  	_ =	strace s2  }
0x97: {  	_ =	strace $0x8FFFFFFF  }
0x98: {  	s18 =	sld [smem:$0x3FDB];
	_ =	sdelay $0x1  }
0x99: {  	s19 =	simm.s32 $_scs_section_size  }
0x9a: {  	s4 =	simm.s32 $_size__tile_overlayer_lowered;
	s5 =	simm.s32 $_tile_overlayer_lowered  }
0x9b: {  	s22 =	simm.s32 $0x1BFF;
	s21 =	sshll.u32 s5, $0x1;
	s2 =	sadd.s32 s19, s18  }
0x9c: {  	s6 =	simm.s32 $0x0;
	s20 =	sshll.u32 s4, $0x1;
	s4 =	sadd.s32 s21, s2  }
0x9d: {  	[timem:s6], [sflag:s22] =	dma.local [hbm:s4], s20  }
0x9e: {  	_ =	swait.ge [sflag:s22], s20  }
0x9f: {  	s3 =	ssub.s32 $0x0, s20;
	[sflag:s22] =	ssyncset.done $0x0  }
0xa0: {  	[sflag:s22] =	ssyncadd.s32 s3;
	_ =	sdelay $0x1  }
0xa1: {  	s23 =	simm.s32 $0x1B8B  }
0xa2: {  	_ =	swait.ge [sflag:s23], $0x1  }
0xa3: {  	[sflag:s23] =	ssyncset.done $0x0  }
0xa4: {  	s25 =	simm.s32 $0x1B8E;
	s24 =	sld [smem:$0x3FFE];
	[sflag:s23] =	ssyncadd.s32 $0xFFFFFFFF  }
0xa5: {  	s26 =	simm.s32 $execute0_lowered;
	[smem:$0x3FD2] =	sst s25  }
0xa6: {  	s4 =	sshll.u32 s26, $0x1;
	_ =	strace $0x80000046;
	[dreg:$0x1] =	wrdreg $0xFFFFFFFF  }
0xa7: {  	s28 =	simm.s32 $_size_execute0_lowered;
	s2 =	sadd.s32 s2, s4;
	[dreg:$0x0] =	wrdreg $0x0  }
0xa8: {  	s4 =	sshll.u32 s28, $0x1;
	[dreg:$0x2] =	wrdreg s2  }
0xa9: {  	[dreg:$0x3] =	wrdreg s4  }
0xaa: {  	[dreg:$0x4] =	wrdreg $0xC0  }
0xab: {  	_ =	task [dreg:s6], $0x5FFFF  }
0xac: {  	[dreg:$0x1] =	wrdreg $0xFFFFFFFF  }
0xad: {  	[dreg:$0x0] =	wrdreg $0x60  }
0xae: {  	[dreg:$0x2] =	wrdreg s24  }
0xaf: {  	[dreg:$0x3] =	wrdreg $0xE800  }
0xb0: {  	[dreg:$0x4] =	wrdreg $0x9  }
0xb1: {  	_ =	task.clear_ibuf [dreg:s6], $0x5FFFF;
	_ =	strace $0x90000046  }
0xb2: {  	s29 =	simm.s32 $0x9;
	_ =	strace $0x80000048  }
0xb3: {  	_ =	swait.ge [sflag:s29], $0x1  }
0xb4: {  	[sflag:s29] =	ssyncadd.s32 $0xFFFFFFFF  }
0xb5: {  	_ =	strace $0x90000048  }
0xb6: {  	_ =	sfence  }
0xb7: {  	s30 =	sld [smem:$0x0];
	_ =	sdelay $0x2  }
0xb8: {  	s31 =	sshll.u32 s1, $0xD;
	s1 =	sshrl.u32 s1, $0x2  }
0xb9: {  	s3 =	sand.u32 $0x4000, s31;
	s1 =	sadd.s32 s1, s30  }
0xba: {  	s0 =	sor.u32 s3, s0;
	s1 =	sshll.u32 s1, $0x11  }
0xbb: {  	s0 =	sor.u32 s1, s0  }
0xbc: {  	s0 =	sadd.s32 $0x8F2B, s0  }
0xbd: {  	[sflag:s0] =	ssyncadd.remote.s32 $0x1  }
0xbe: {  	_ =	sfence.sel $0xFFFF  }
0xbf: {  	[dreg:$0x0] =	wrdreg $0xFFFFFFFF;
	(pc) =	sbr.abs _section_cstart, $3  }
0xc0: {  	[dreg:$0x1] =	wrdreg $0xFFFFFFFF  }
0xc1: {  	_ =	task.clear_ibuf [dreg:s6], $0x2FFFF;
	_ =	strace $0x9FFFFFFF  }
0xc2: {  	(tm) =	ssettm $0x7FFFFFFF  }
0xc3: {  	_ =	shalt  }
tec
execute0_lowered:
.L_overlay_start_1:
0x0: {  	(tag) =	ssettag $0x1  }
0x1: {  	s5 =	rddreg [dreg:$0x0]  }
0x2: {  	s0 =	srdreg.scid;
	s2 =	rddreg [dreg:$0x1]  }
0x3: {  	s3 =	simm.s32 $0x0;
	s17 =	simm.s32 $0xC00;
	s18 =	simm.s32 $0x5  }
0x4: {  	s19 =	simm.s32 $0x400;
	s20 =	simm.s32 $0x1;
	s21 =	simm.s32 $0x800  }
0x5: {  	s22 =	simm.s32 $0x3;
	s23 =	simm.s32 $0x2;
	s24 =	simm.s32 $0x4  }
0x6: {  	s25 =	simm.s32 $0x20;
	s28 =	simm.s32 $0x0;
	s4 =	sand.u32 $0x1, s0  }
0x7: {  	s0 =	stileid.u32;
	[smem:$0x7FF] =	sst s3;
	s1 =	sshll.u32 s4, $0x4  }
0x8: {  	s7 =	smul.u32 $0x500, s0;
	s8 =	sshll.u32 s4, $0x7;
	s4 =	ssub.s32 $0x2, s4  }
0x9: {  	s26 =	smul.u32 $0xA00, s0;
	s6 =	sor.u32 s0, s1;
	s1 =	rddreg [dreg:$0x2]  }
0xa: {  	_ =	strace $0x80000047;
	s30 =	sshrl.u32 s4, $0x1;
	s6 =	smul.u32 $0x2800, s6  }
0xb: {  	s7 =	sor.u32 s8, s7;
	s10 =	ssub.s32 s4, s30;
	s31 =	sshrl.u32 s26, $0x2  }
0xc: {  	s26 =	simm.s32 $0x10;
	s29 =	sshrl.u32 s7, $0x3;
	s6 =	sshrl.u32 s6, $0x3  }
0xd: {  	s4 =	sadd.s32 s31, s2;
	s9 =	sadd.s32 s29, s5;
	s16 =	sadd.s32 s6, s5  }
0xe: {  	s8 =	smax.u32 s10, $0x1;
	s7 =	sadd.s32 $0x16600, s9;
	s5 =	sadd.s32 $0xC600, s16  }
0xf: {  	s6 =	sadd.s32 $0xC680, s16;
	s9 =	sadd.s32 $0xC700, s16;
	s10 =	sadd.s32 $0xC780, s16  }
0x10: {  	s11 =	sadd.s32 $0xC800, s16;
	s12 =	sadd.s32 $0xC880, s16;
	s13 =	sadd.s32 $0xC900, s16  }
0x11: {  	v0 =	vimm.f32 $1.000000000e+00;
	v1 =	vimm.f32 $0.0e+00;
	s14 =	sadd.s32 $0xC980, s16;
	s15 =	sadd.s32 $0xCA00, s16;
	s16 =	sadd.s32 $0xCA80, s16  }
.LBB2_1:
0x12: {  	s29 =	simm.s32 $0x40;
	s30 =	simm.s32 $0x0  }
.LBB2_2:
0x13: {  	p0 =	sne.s32 s29, $0xFC0;
	[tilespmem:s30+$0x800] =	vst v0;
	s30 =	smov.u32 s29;
	s29 =	sadd.s32 $0x40, s29  }
.Ltmp0:
0x14: {  	(pc) =	sbr.rel @p0 .LBB2_2-.Ltmp0, $2  }
0x15: {  	_ =	sdelay $0x2  }
0x16: {  	s30 =	sshra.s32 s30, $0x2  }
0x17: {  	[tilespmem:s30+$0x800] =	vst v0  }
0x18: {  	[tilespmem:$0xC00] =	vst v1  }
0x19: {  	[tilespmem:$0xC10] =	vst v1  }
0x1a: {  	[tilespmem:$0xC20] =	vst v1  }
0x1b: {  	[tilespmem:$0xC30] =	vst v1  }
0x1c: {  	[tilespmem:$0xC40] =	vst v1  }
0x1d: {  	[tilespmem:$0xC50] =	vst v1  }
0x1e: {  	[tilespmem:$0xC60] =	vst v1  }
0x1f: {  	[tilespmem:$0xC70] =	vst v1  }
0x20: {  	[tilespmem:$0xC80] =	vst v1  }
0x21: {  	[tilespmem:$0xC90] =	vst v1  }
0x22: {  	[tilespmem:$0xCA0] =	vst v1  }
0x23: {  	[tilespmem:$0xCB0] =	vst v1  }
0x24: {  	[tilespmem:$0xCC0] =	vst v1  }
0x25: {  	[tilespmem:$0xCD0] =	vst v1  }
0x26: {  	[tilespmem:$0xCE0] =	vst v1  }
0x27: {  	[tilespmem:$0xCF0] =	vst v1  }
0x28: {  	[tilespmem:$0xD00] =	vst v1  }
0x29: {  	[tilespmem:$0xD10] =	vst v1  }
0x2a: {  	[tilespmem:$0xD20] =	vst v1  }
0x2b: {  	[tilespmem:$0xD30] =	vst v1  }
0x2c: {  	[tilespmem:$0xD40] =	vst v1  }
0x2d: {  	[tilespmem:$0xD50] =	vst v1  }
0x2e: {  	[tilespmem:$0xD60] =	vst v1  }
0x2f: {  	[tilespmem:$0xD70] =	vst v1  }
0x30: {  	[tilespmem:$0xD80] =	vst v1  }
0x31: {  	[tilespmem:$0xD90] =	vst v1  }
0x32: {  	[tilespmem:$0xDA0] =	vst v1  }
0x33: {  	[tilespmem:$0xDB0] =	vst v1  }
0x34: {  	[tilespmem:$0xDC0] =	vst v1  }
0x35: {  	[tilespmem:$0xDD0] =	vst v1  }
0x36: {  	[tilespmem:$0xDE0] =	vst v1  }
0x37: {  	[tilespmem:$0xDF0] =	vst v1  }
0x38: {  	[tilespmem:$0xE00] =	vst v1  }
0x39: {  	[tilespmem:$0xE10] =	vst v1  }
0x3a: {  	[tilespmem:$0xE20] =	vst v1  }
0x3b: {  	[tilespmem:$0xE30] =	vst v1  }
0x3c: {  	[tilespmem:$0xE40] =	vst v1  }
0x3d: {  	[tilespmem:$0xE50] =	vst v1  }
0x3e: {  	[tilespmem:$0xE60] =	vst v1  }
0x3f: {  	[tilespmem:$0xE70] =	vst v1  }
0x40: {  	[spmem:s4] =	stream.linear.scatter [tilespmem:s17], [sflag:$0x5], $0x280, $0x38;
	[tilespmem:$0x1100] =	vst v63  }
0x41: {  	_ =	swait.ge [sflag:s18], $0x280  }
0x42: {  	[sflag:s18] =	ssyncset.done $0x0  }
0x43: {  	[sflag:s18] =	ssyncadd.s32 $0xFFFFFD80  }
0x44: {  	[bflag:$0x0] =	sbarrier.arrive $0xFFFF  }
0x45: {  	[tilespmem:s3], [sflag:$0x1] =	stream.linear.gather [hbm4b:s5+s3], $0x400, $0x38;
	[tilespmem:$0x1100] =	vst v63  }
0x46: {  	_ = 	snop  }
0x47: {  	[tilespmem:s19], [sflag:$0x2] =	stream.linear.gather [hbm4b:s6+s3], $0x400, $0x38;
	[tilespmem:$0x1100] =	vst v63  }
0x48: {  	_ =	swait.ge [sflag:s20], $0x400  }
0x49: {  	[sflag:s20] =	ssyncset.done $0x0  }
0x4a: {  	[sflag:s20] =	ssyncadd.s32 $0xFFFFFC00  }
0x4b: {  	[spmem:s2] =	stream.indirect.scatter.add.f32 [tilespmem:s21], [sflag:$0x3], $0x1, s3, s19, $0xb8;
	[tilespmem:$0x1100] =	vst v63  }
0x4c: {  	_ =	swait.ge [sflag:s22], $0x400  }
0x4d: {  	[sflag:s22] =	ssyncset.done $0x0  }
0x4e: {  	[sflag:s22] =	ssyncadd.s32 $0xFFFFFC00  }
0x4f: {  	[tilespmem:s3], [sflag:$0x1] =	stream.linear.gather [hbm4b:s9+s3], $0x400, $0x38;
	[tilespmem:$0x1100] =	vst v63  }
0x50: {  	_ =	swait.ge [sflag:s23], $0x400  }
0x51: {  	[sflag:s23] =	ssyncset.done $0x0  }
0x52: {  	[sflag:s23] =	ssyncadd.s32 $0xFFFFFC00  }
0x53: {  	[spmem:s2] =	stream.indirect.scatter.add.f32 [tilespmem:s21], [sflag:$0x4], $0x1, s19, s19, $0xb8;
	[tilespmem:$0x1100] =	vst v63  }
0x54: {  	_ =	swait.ge [sflag:s24], $0x400  }
0x55: {  	[sflag:s24] =	ssyncset.done $0x0  }
0x56: {  	[sflag:s24] =	ssyncadd.s32 $0xFFFFFC00  }
0x57: {  	[tilespmem:s19], [sflag:$0x2] =	stream.linear.gather [hbm4b:s10+s3], $0x400, $0x38;
	[tilespmem:$0x1100] =	vst v63  }
0x58: {  	_ =	swait.ge [sflag:s20], $0x400  }
0x59: {  	[sflag:s20] =	ssyncset.done $0x0  }
0x5a: {  	[sflag:s20] =	ssyncadd.s32 $0xFFFFFC00  }
0x5b: {  	[spmem:s2] =	stream.indirect.scatter.add.f32 [tilespmem:s21], [sflag:$0x3], $0x1, s3, s19, $0xb8;
	[tilespmem:$0x1100] =	vst v63  }
0x5c: {  	_ =	swait.ge [sflag:s22], $0x400  }
0x5d: {  	[sflag:s22] =	ssyncset.done $0x0  }
0x5e: {  	[sflag:s22] =	ssyncadd.s32 $0xFFFFFC00  }
0x5f: {  	[tilespmem:s3], [sflag:$0x1] =	stream.linear.gather [hbm4b:s11+s3], $0x400, $0x38;
	[tilespmem:$0x1100] =	vst v63  }
0x60: {  	_ =	swait.ge [sflag:s23], $0x400  }
0x61: {  	[sflag:s23] =	ssyncset.done $0x0  }
0x62: {  	[sflag:s23] =	ssyncadd.s32 $0xFFFFFC00  }
0x63: {  	[spmem:s2] =	stream.indirect.scatter.add.f32 [tilespmem:s21], [sflag:$0x4], $0x1, s19, s19, $0xb8;
	[tilespmem:$0x1100] =	vst v63  }
0x64: {  	_ =	swait.ge [sflag:s24], $0x400  }
0x65: {  	[sflag:s24] =	ssyncset.done $0x0  }
0x66: {  	[sflag:s24] =	ssyncadd.s32 $0xFFFFFC00  }
0x67: {  	[tilespmem:s19], [sflag:$0x2] =	stream.linear.gather [hbm4b:s12+s3], $0x400, $0x38;
	[tilespmem:$0x1100] =	vst v63  }
0x68: {  	_ =	swait.ge [sflag:s20], $0x400  }
0x69: {  	[sflag:s20] =	ssyncset.done $0x0  }
0x6a: {  	[sflag:s20] =	ssyncadd.s32 $0xFFFFFC00  }
0x6b: {  	[spmem:s2] =	stream.indirect.scatter.add.f32 [tilespmem:s21], [sflag:$0x3], $0x1, s3, s19, $0xb8;
	[tilespmem:$0x1100] =	vst v63  }
0x6c: {  	_ =	swait.ge [sflag:s22], $0x400  }
0x6d: {  	[sflag:s22] =	ssyncset.done $0x0  }
0x6e: {  	[sflag:s22] =	ssyncadd.s32 $0xFFFFFC00  }
0x6f: {  	[tilespmem:s3], [sflag:$0x1] =	stream.linear.gather [hbm4b:s13+s3], $0x400, $0x38;
	[tilespmem:$0x1100] =	vst v63  }
0x70: {  	_ =	swait.ge [sflag:s23], $0x400  }
0x71: {  	[sflag:s23] =	ssyncset.done $0x0  }
0x72: {  	[sflag:s23] =	ssyncadd.s32 $0xFFFFFC00  }
0x73: {  	[spmem:s2] =	stream.indirect.scatter.add.f32 [tilespmem:s21], [sflag:$0x4], $0x1, s19, s19, $0xb8;
	[tilespmem:$0x1100] =	vst v63  }
0x74: {  	_ =	swait.ge [sflag:s24], $0x400  }
0x75: {  	[sflag:s24] =	ssyncset.done $0x0  }
0x76: {  	[sflag:s24] =	ssyncadd.s32 $0xFFFFFC00  }
0x77: {  	[tilespmem:s19], [sflag:$0x2] =	stream.linear.gather [hbm4b:s14+s3], $0x400, $0x38;
	[tilespmem:$0x1100] =	vst v63  }
0x78: {  	_ =	swait.ge [sflag:s20], $0x400  }
0x79: {  	[sflag:s20] =	ssyncset.done $0x0  }
0x7a: {  	[sflag:s20] =	ssyncadd.s32 $0xFFFFFC00  }
0x7b: {  	[spmem:s2] =	stream.indirect.scatter.add.f32 [tilespmem:s21], [sflag:$0x3], $0x1, s3, s19, $0xb8;
	[tilespmem:$0x1100] =	vst v63  }
0x7c: {  	_ =	swait.ge [sflag:s22], $0x400  }
0x7d: {  	[sflag:s22] =	ssyncset.done $0x0  }
0x7e: {  	[sflag:s22] =	ssyncadd.s32 $0xFFFFFC00  }
0x7f: {  	[tilespmem:s3], [sflag:$0x1] =	stream.linear.gather [hbm4b:s15+s3], $0x400, $0x38;
	[tilespmem:$0x1100] =	vst v63  }
0x80: {  	_ =	swait.ge [sflag:s23], $0x400  }
0x81: {  	[sflag:s23] =	ssyncset.done $0x0  }
0x82: {  	[sflag:s23] =	ssyncadd.s32 $0xFFFFFC00  }
0x83: {  	[spmem:s2] =	stream.indirect.scatter.add.f32 [tilespmem:s21], [sflag:$0x4], $0x1, s19, s19, $0xb8;
	[tilespmem:$0x1100] =	vst v63  }
0x84: {  	_ =	swait.ge [sflag:s24], $0x400  }
0x85: {  	[sflag:s24] =	ssyncset.done $0x0  }
0x86: {  	[sflag:s24] =	ssyncadd.s32 $0xFFFFFC00  }
0x87: {  	[tilespmem:s19], [sflag:$0x2] =	stream.linear.gather [hbm4b:s16+s3], $0x400, $0x38;
	[tilespmem:$0x1100] =	vst v63  }
0x88: {  	_ =	swait.ge [sflag:s20], $0x400  }
0x89: {  	[sflag:s20] =	ssyncset.done $0x0  }
0x8a: {  	[sflag:s20] =	ssyncadd.s32 $0xFFFFFC00  }
0x8b: {  	[spmem:s2] =	stream.indirect.scatter.add.f32 [tilespmem:s21], [sflag:$0x3], $0x1, s3, s19, $0xb8;
	[tilespmem:$0x1100] =	vst v63  }
0x8c: {  	_ =	swait.ge [sflag:s23], $0x400  }
0x8d: {  	[sflag:s23] =	ssyncset.done $0x0  }
0x8e: {  	[sflag:s23] =	ssyncadd.s32 $0xFFFFFC00  }
0x8f: {  	[spmem:s2] =	stream.indirect.scatter.add.f32 [tilespmem:s21], [sflag:$0x4], $0x1, s19, s19, $0xb8;
	[tilespmem:$0x1100] =	vst v63  }
0x90: {  	_ =	swait.ge [sflag:s22], $0x400  }
0x91: {  	[sflag:s22] =	ssyncset.done $0x0  }
0x92: {  	[sflag:s22] =	ssyncadd.s32 $0xFFFFFC00  }
0x93: {  	_ =	swait.ge [sflag:s24], $0x400  }
0x94: {  	s29 =	sshll.u32 s0, $0x6;
	s28 =	sadd.s32 $0x1, s28;
	[sflag:s24] =	ssyncset.done $0x0  }
0x95: {  	s31 =	sshrl.u32 s4, $0x3;
	p0 =	sne.s32 s28, s8;
	[sflag:s24] =	ssyncadd.s32 $0xFFFFFC00  }
.Ltmp1:
0x96: {  	s29 =	sor.u32 $0x1C05, s29;
	[bflag:$0x0] =	sbarrier.arrive $0xFFFF;
	(pc) =	sbr.rel @p0 .LBB2_1-.Ltmp1, $4  }
0x97: {  	[hbm:s7@s25], [sflag:s29] =	dma.strided [spmem:s31@s26], $0x50, s20, $0x10   }
0x98: {  	_ =	swait.ge [sflag:s18], $0x50  }
0x99: {  	[sflag:s18] =	ssyncset.done $0x0  }
0x9a: {  	[sflag:s18] =	ssyncadd.s32 $0xFFFFFFB0  }
0x9b: {  	_ =	sfence.sel $0x180000  }
0x9c: {  	[bflag:$0x0] =	sbarrier.arrive $0xFFFF  }
0x9d: {  	p0 =	sne.s32 s0, $0x0;
	_ =	strace $0x90000047  }
0x9e: {  	s0 =	sadd.s32 @!p0 $0x100000, s1;
	[bflag:$0x2] =	sbarrier.arrive $0xFFFF  }
0x9f: {  	[sflag:s0] =	ssyncadd.tile.s32 @!p0 $0x1;
	_ =	shalt  }
.Lfunc_end2:
_tile_overlayer_lowered:
.L_overlay_start_2:
0xa0: {  	(tag) =	ssettag $0x2  }
0xa1: {  	s0 =	rddreg [dreg:$0x0];
	s2 =	stileid.u32  }
0xa2: {  	s1 =	rddreg [dreg:$0x1];
	p0 =	sne.s32 s2, $0x0  }
0xa3: {  	s3 =	rddreg [dreg:$0x2];
	[bflag:$0x3] =	sbarrier.arrive $0xFFFF;
	s2 =	simm.s32 @!p0 $0x1C05  }
0xa4: {  	[timem:s3], [sflag:s2] =	dma.local @!p0 [hbm:s0], s1  }
0xa5: {  	s0 =	simm.s32 @!p0 $0x5  }
0xa6: {  	_ =	swait.ge @!p0 [sflag:s0], s1  }
0xa7: {  	s1 =	ssub.s32 @!p0 $0x0, s1;
	[sflag:s0] =	ssyncset.done @!p0 $0x0  }
0xa8: {  	[sflag:s0] =	ssyncadd.s32 @!p0 s1  }
0xa9: {  	[bflag:$0x3] =	sbarrier.arrive $0xFFFF  }
0xaa: {  	_ =	shalt  }

// kernel: gcn_prop_p1.4.cloned.1.call-start
scs
__scs_entry_jumppad:
0x0: {  	(pc) =	sbr.rel $0x88, $3  }
0x1: {  	(tag) =	ssettag $0x0;
	lr =	simm.s32 $0x1  }
0x2: {  	[smem:$0x3F96] =	sst lr;
	_ =	strace $0xD0000000  }
0x3: {  	_ = 	snop  }
0x4: {  	_ = 	snop  }
0x5: {  	_ = 	snop  }
0x6: {  	_ = 	snop  }
0x7: {  	_ = 	snop  }
__scs_overlays_trampoline_lowered:
0x8: {  	[smem:$0x3FA5] =	sst s0  }
0x9: {  	[smem:$0x3FA6] =	sst s1  }
0xa: {  	[smem:$0x3FA7] =	sst s2  }
0xb: {  	[smem:$0x3FA8] =	sst s3  }
0xc: {  	[smem:$0x3FA9] =	sst s4  }
0xd: {  	[smem:$0x3FAA] =	sst s5  }
0xe: {  	[smem:$0x3FAB] =	sst s6  }
0xf: {  	[smem:$0x3FAC] =	sst s7  }
0x10: {  	[smem:$0x3FAD] =	sst s8  }
0x11: {  	[smem:$0x3FAE] =	sst s9;
	s0 =	simm.s32 @!p0 $0x0  }
0x12: {  	s1 =	sld [smem:$0x3F94];
	s0 =	simm.s32 @p0 $0x1  }
0x13: {  	[smem:$0x3FAF] =	sst s0;
	s0 =	simm.s32 @!p1 $0x0  }
0x14: {  	s2 =	sld [smem:$0x3F93];
	s0 =	simm.s32 @p1 $0x1  }
0x15: {  	[smem:$0x3FB0] =	sst s0;
	s0 =	simm.s32 @!p2 $0x0  }
0x16: {  	s3 =	sld [smem:$0x3FDB];
	s0 =	simm.s32 @p2 $0x1  }
0x17: {  	s4 =	simm.s32 $0x1BF5;
	[smem:$0x3FB2] =	sst s0  }
0x18: {  	s0 =	sld [smem:$0x3F95];
	_ =	swait.ge [sflag:s4], $0x0  }
0x19: {  	s7 =	sld [smem:$0x3F96]  }
0x1a: {  	s8 =	sadd.s32 $0xFFFFE003, lr  }
0x1b: {  	s9 =	sadd.s32 $0xFFFFFEF7, lr;
	s5 =	simm.s32 $0xFFFFFFFF;
	p2 =	slt.u32 s8, $0xFFFFF086  }
0x1c: {  	p1 =	slt.u32 s9, $0xF7A;
	s5 =	simm.s32 @!p2 $0x0  }
0x1d: {  	s5 =	simm.s32 @p1 $0x1;
	p0 =	seq.s32 s7, s2  }
0x1e: {  	s7 =	smul.u32 @!p0 $0xF7A, s2;
	p2 =	seq.s32 @!p0 s5, $0x0  }
0x1f: {  	s9 =	smul.u32 $0xF7A, s1;
	s8 =	simm.s32 @!p0 $0x1BF5;
	p2 =	por !p2, p0  }
0x20: {  	[sflag:s8] =	ssyncset.s32 @!p0 $0xFFFFF086;
	s6 =	sadd.s32 @!p0 s3, s7;
	s7 =	simm.s32 @!p0 $0x108  }
0x21: {  	s3 =	sadd.s32 s3, s9;
	s6 =	sadd.s32 @!p0 $0x88, s6;
	s7 =	simm.s32 @p2 $0x1082  }
0x22: {  	[simem:s7], [sflag:s8] =	dma.local @!p0 [hbm:s6], $0xF7A  }
0x23: {  	s9 =	sor.u32 $0xD0000000, s2;
	s6 =	simm.s32 $0x108;
	_ =	swait.ge @!p0 [sflag:s8], $0x0  }
0x24: {  	s3 =	sadd.s32 $0x88, s3;
	s6 =	simm.s32 @!p1 $0x1082;
	[sflag:s4] =	ssyncset.s32 $0xFFFFF086  }
0x25: {  	[simem:s6], [sflag:s4] =	dma.local [hbm:s3], $0xF7A  }
0x26: {  	[smem:$0x3F96] =	sst s1;
	(tag) =	ssettag s2;
	_ =	strace s9  }
0x27: {  	s1 =	sld [smem:$0x3FA6]  }
0x28: {  	s2 =	sld [smem:$0x3FA7]  }
0x29: {  	s4 =	sld [smem:$0x3FA9]  }
0x2a: {  	p0 =	seq.s32 s5, $0x0;
	s5 =	sld [smem:$0x3FAA]  }
0x2b: {  	s6 =	sld [smem:$0x3FAB]  }
0x2c: {  	s7 =	sld [smem:$0x3FAC]  }
0x2d: {  	s3 =	simm.s32 $0x108;
	s8 =	sld [smem:$0x3FAD]  }
0x2e: {  	s3 =	simm.s32 @!p0 $0x1082;
	s9 =	sld [smem:$0x3FAE]  }
0x2f: {  	lr =	sadd.s32 s0, s3;
	s0 =	sld [smem:$0x3FA5]  }
0x30: {  	s3 =	sld [smem:$0x3FA8]  }
0x31: {  	[smem:$0x3FB1] =	sst s10  }
0x32: {  	s10 =	sld [smem:$0x3FAF];
	_ =	sdelay $0x3  }
0x33: {  	p0 =	seq.s32 s10, $0x1;
	s10 =	sld [smem:$0x3FB1];
	_ =	sdelay $0x3  }
0x34: {  	[smem:$0x3FB1] =	sst s10  }
0x35: {  	s10 =	sld [smem:$0x3FB0];
	_ =	sdelay $0x3  }
0x36: {  	p1 =	seq.s32 s10, $0x1;
	s10 =	sld [smem:$0x3FB1];
	_ =	sdelay $0x3  }
0x37: {  	[smem:$0x3FB1] =	sst s10  }
0x38: {  	s10 =	sld [smem:$0x3FB2]  }
0x39: {  	_ = 	snop;
	(pc) =	sbr.ind lr, $3  }
0x3a: {  	_ = 	snop  }
0x3b: {  	_ = 	snop  }
0x3c: {  	p2 =	seq.s32 s10, $0x1;
	s10 =	sld [smem:$0x3FB1]  }
0x3d: {  	_ =	shalt  }
0x3e: {  	_ =	shalt  }
0x3f: {  	_ =	shalt  }
0x40: {  	_ =	shalt  }
0x41: {  	_ =	shalt  }
0x42: {  	_ =	shalt  }
0x43: {  	_ =	shalt  }
0x44: {  	_ =	shalt  }
0x45: {  	_ =	shalt  }
0x46: {  	_ =	shalt  }
0x47: {  	_ =	shalt  }
0x48: {  	_ =	shalt  }
0x49: {  	_ =	shalt  }
0x4a: {  	_ =	shalt  }
0x4b: {  	_ =	shalt  }
0x4c: {  	_ =	shalt  }
0x4d: {  	_ =	shalt  }
0x4e: {  	_ =	shalt  }
0x4f: {  	_ =	shalt  }
0x50: {  	_ =	shalt  }
0x51: {  	_ =	shalt  }
0x52: {  	_ =	shalt  }
0x53: {  	_ =	shalt  }
0x54: {  	_ =	shalt  }
0x55: {  	_ =	shalt  }
0x56: {  	_ =	shalt  }
0x57: {  	_ =	shalt  }
0x58: {  	_ =	shalt  }
0x59: {  	_ =	shalt  }
0x5a: {  	_ =	shalt  }
0x5b: {  	_ =	shalt  }
0x5c: {  	_ =	shalt  }
0x5d: {  	_ =	shalt  }
0x5e: {  	_ =	shalt  }
0x5f: {  	_ =	shalt  }
0x60: {  	_ =	shalt  }
0x61: {  	_ =	shalt  }
0x62: {  	_ =	shalt  }
0x63: {  	_ =	shalt  }
0x64: {  	_ =	shalt  }
0x65: {  	_ =	shalt  }
0x66: {  	_ =	shalt  }
0x67: {  	_ =	shalt  }
0x68: {  	_ =	shalt  }
0x69: {  	_ =	shalt  }
0x6a: {  	_ =	shalt  }
0x6b: {  	_ =	shalt  }
0x6c: {  	_ =	shalt  }
0x6d: {  	_ =	shalt  }
0x6e: {  	_ =	shalt  }
0x6f: {  	_ =	shalt  }
0x70: {  	_ =	shalt  }
0x71: {  	_ =	shalt  }
0x72: {  	_ =	shalt  }
0x73: {  	_ =	shalt  }
0x74: {  	_ =	shalt  }
0x75: {  	_ =	shalt  }
0x76: {  	_ =	shalt  }
0x77: {  	_ =	shalt  }
0x78: {  	_ =	shalt  }
0x79: {  	_ =	shalt  }
0x7a: {  	_ =	shalt  }
0x7b: {  	_ =	shalt  }
0x7c: {  	_ =	shalt  }
0x7d: {  	_ =	shalt  }
0x7e: {  	_ =	shalt  }
0x7f: {  	_ =	shalt  }
0x80: {  	_ =	shalt  }
0x81: {  	_ =	shalt  }
0x82: {  	_ =	shalt  }
0x83: {  	_ =	shalt  }
0x84: {  	_ =	shalt  }
0x85: {  	_ =	shalt  }
0x86: {  	_ =	shalt  }
0x87: {  	_ =	shalt  }
.Lfunc_end0:
.L_simem_size_0:
called_computation.1_lowered:
.L_overlay_start_0:
0x88: {  	s2 =	sld [smem:$0x3FD9]  }
0x89: {  	s3 =	sld [smem:$0x3FFE];
	_ =	sdelay $0x1  }
0x8a: {  	s1 =	srdreg.scid  }
0x8b: {  	s0 =	sand.u32 $0x1, s1  }
0x8c: {  	s16 =	sshll.u32 s0, $0xA;
	s2 =	sadd.s32 s3, s2  }
0x8d: {  	s2 =	sadd.s32 s2, s16  }
0x8e: {  	[smem:$0x3FBD] =	sst s2  }
0x8f: {  	_ = 	snop  }
0x90: {  	(tm) =	ssettm $0x1  }
0x91: {  	s17 =	sld [smem:$0x3FFB];
	_ =	sdelay $0x3  }
0x92: {  	_ =	strace s17  }
0x93: {  	s2 =	sld [smem:$0x3FFC];
	_ =	sdelay $0x3  }
0x94: {  	_ =	strace s2  }
0x95: {  	s2 =	sld [smem:$0x3FFD];
	_ =	sdelay $0x3  }
0x96: {  	_ =	strace s2  }
0x97: {  	_ =	strace $0x8FFFFFFF  }
0x98: {  	s18 =	sld [smem:$0x3FDB];
	_ =	sdelay $0x1  }
0x99: {  	s19 =	simm.s32 $_scs_section_size  }
0x9a: {  	s4 =	simm.s32 $_size__tile_overlayer_lowered;
	s5 =	simm.s32 $_tile_overlayer_lowered  }
0x9b: {  	s22 =	simm.s32 $0x1BFF;
	s21 =	sshll.u32 s5, $0x1;
	s2 =	sadd.s32 s19, s18  }
0x9c: {  	s6 =	simm.s32 $0x0;
	s20 =	sshll.u32 s4, $0x1;
	s4 =	sadd.s32 s21, s2  }
0x9d: {  	[timem:s6], [sflag:s22] =	dma.local [hbm:s4], s20  }
0x9e: {  	_ =	swait.ge [sflag:s22], s20  }
0x9f: {  	s3 =	ssub.s32 $0x0, s20;
	[sflag:s22] =	ssyncset.done $0x0  }
0xa0: {  	[sflag:s22] =	ssyncadd.s32 s3;
	_ =	sdelay $0x1  }
0xa1: {  	s23 =	simm.s32 $0x1B8B  }
0xa2: {  	_ =	swait.ge [sflag:s23], $0x1  }
0xa3: {  	[sflag:s23] =	ssyncset.done $0x0  }
0xa4: {  	s25 =	simm.s32 $0x1B8E;
	s24 =	sld [smem:$0x3FFE];
	[sflag:s23] =	ssyncadd.s32 $0xFFFFFFFF  }
0xa5: {  	s26 =	simm.s32 $execute0_lowered;
	[smem:$0x3FD2] =	sst s25  }
0xa6: {  	s4 =	sshll.u32 s26, $0x1;
	_ =	strace $0x80000049;
	[dreg:$0x1] =	wrdreg $0xFFFFFFFF  }
0xa7: {  	s28 =	simm.s32 $_size_execute0_lowered;
	s2 =	sadd.s32 s2, s4;
	[dreg:$0x0] =	wrdreg $0x0  }
0xa8: {  	s4 =	sshll.u32 s28, $0x1;
	[dreg:$0x2] =	wrdreg s2  }
0xa9: {  	[dreg:$0x3] =	wrdreg s4  }
0xaa: {  	[dreg:$0x4] =	wrdreg $0xC0  }
0xab: {  	_ =	task [dreg:s6], $0x5FFFF  }
0xac: {  	[dreg:$0x1] =	wrdreg $0xFFFFFFFF  }
0xad: {  	[dreg:$0x0] =	wrdreg $0x60  }
0xae: {  	[dreg:$0x2] =	wrdreg s24  }
0xaf: {  	[dreg:$0x3] =	wrdreg $0xCD000  }
0xb0: {  	[dreg:$0x4] =	wrdreg $0x9  }
0xb1: {  	_ =	task.clear_ibuf [dreg:s6], $0x5FFFF;
	_ =	strace $0x90000049  }
0xb2: {  	s29 =	simm.s32 $0x9;
	_ =	strace $0x8000004B  }
0xb3: {  	_ =	swait.ge [sflag:s29], $0x1  }
0xb4: {  	[sflag:s29] =	ssyncadd.s32 $0xFFFFFFFF  }
0xb5: {  	_ =	strace $0x9000004B  }
0xb6: {  	_ =	sfence  }
0xb7: {  	s30 =	sld [smem:$0x0];
	_ =	sdelay $0x2  }
0xb8: {  	s31 =	sshll.u32 s1, $0xD;
	s1 =	sshrl.u32 s1, $0x2  }
0xb9: {  	s3 =	sand.u32 $0x4000, s31;
	s1 =	sadd.s32 s1, s30  }
0xba: {  	s0 =	sor.u32 s3, s0;
	s1 =	sshll.u32 s1, $0x11  }
0xbb: {  	s0 =	sor.u32 s1, s0  }
0xbc: {  	s0 =	sadd.s32 $0x8F2B, s0  }
0xbd: {  	[sflag:s0] =	ssyncadd.remote.s32 $0x1  }
0xbe: {  	_ =	sfence.sel $0xFFFF  }
0xbf: {  	[dreg:$0x0] =	wrdreg $0xFFFFFFFF;
	(pc) =	sbr.abs _section_cstart, $3  }
0xc0: {  	[dreg:$0x1] =	wrdreg $0xFFFFFFFF  }
0xc1: {  	_ =	task.clear_ibuf [dreg:s6], $0x2FFFF;
	_ =	strace $0x9FFFFFFF  }
0xc2: {  	(tm) =	ssettm $0x7FFFFFFF  }
0xc3: {  	_ =	shalt  }
tec
execute0_lowered:
.L_overlay_start_1:
0x0: {  	(tag) =	ssettag $0x1  }
0x1: {  	s0 =	rddreg [dreg:$0x0]  }
0x2: {  	s1 =	rddreg [dreg:$0x1]  }
0x3: {  	s3 =	simm.s32 $0x0;
	s2 =	srdreg.scid;
	s13 =	stileid.u32  }
0x4: {  	s28 =	simm.s32 $0x6;
	s29 =	simm.s32 $0x6900;
	s30 =	simm.s32 $0x3C0  }
0x5: {  	s31 =	simm.s32 $0x2;
	[smem:$0x7FF] =	sst s3;
	s2 =	sand.u32 $0x1, s2  }
0x6: {  	s5 =	smul.u32 $0xC800, s13;
	s4 =	sadd.s32 $0x16600, s0;
	s9 =	sadd.s32 $0x2600, s0  }
0x7: {  	s10 =	sadd.s32 $0xC600, s0;
	s11 =	sadd.s32 $0x2F600, s0;
	s15 =	smul.u32 $0x2800, s13  }
0x8: {  	s18 =	sshll.u32 s13, $0x6;
	_ =	strace $0x8000004A;
	s6 =	smul.u32 $0xC8000, s2  }
0x9: {  	s7 =	sshll.u32 s2, $0x4;
	s8 =	ssub.s32 $0x2, s2;
	[dreg:$0x3] =	wrdreg s11  }
0xa: {  	s2 =	smul.u32 $0x28000, s2;
	s7 =	sor.u32 s13, s7;
	s16 =	sshrl.u32 s8, $0x1  }
0xb: {  	s6 =	sadd.s32 s5, s6;
	s7 =	smul.u32 $0x2800, s7;
	s17 =	ssub.s32 s8, s16  }
0xc: {  	s5 =	sadd.s32 s5, s1;
	s8 =	sor.u32 $0x1C09, s18;
	s2 =	sadd.s32 s15, s2  }
0xd: {  	s6 =	sshrl.u32 s6, $0x3;
	[dreg:$0x4] =	wrdreg s5;
	s25 =	sor.u32 $0x500, s2  }
0xe: {  	s26 =	sor.u32 $0x640, s2;
	s2 =	sor.u32 $0x3C0, s2;
	s0 =	sadd.s32 s6, s0  }
0xf: {  	s12 =	sshrl.u32 s7, $0x3;
	s22 =	sor.u32 $0x140, s7;
	s7 =	sor.u32 $0x3C0, s7  }
0x10: {  	s6 =	smax.u32 s17, $0x1;
	s2 =	sshrl.u32 s2, $0x3;
	s19 =	sadd.s32 s9, s12  }
0x11: {  	s21 =	sadd.s32 s10, s12;
	s0 =	sadd.s32 $0x31000, s0;
	[dreg:$0x9] =	wrdreg s6  }
0x12: {  	s23 =	sor.u32 $0x50, s12;
	s5 =	sshrl.u32 s22, $0x3;
	[dreg:$0x5] =	wrdreg s19  }
0x13: {  	s24 =	sshrl.u32 s7, $0x3;
	s22 =	simm.s32 $0x140;
	[dreg:$0x7] =	wrdreg s21  }
0x14: {  	s6 =	simm.s32 $0x4;
	s20 =	sadd.s32 $0x28, s19;
	[dreg:$0x8] =	wrdreg s0  }
0x15: {  	s13 =	sadd.s32 s9, s23;
	s14 =	sadd.s32 s10, s5;
	s15 =	sadd.s32 s9, s24  }
0x16: {  	s16 =	sadd.s32 s10, s23;
	s0 =	sshrl.u32 s25, $0x3;
	s5 =	sshrl.u32 s26, $0x3  }
.Ltmp0:
0x17: {  	s21 =	simm.s32 $0x9;
	s23 =	simm.s32 $0x280;
	(pc) =	sbr.rel .LBB2_1-.Ltmp0, $4  }
0x18: {  	s24 =	simm.s32 $0x500;
	s25 =	simm.s32 $0x1;
	s26 =	simm.s32 $0x7  }
0x19: {  	[dreg:$0x6] =	wrdreg s20;
	s17 =	sadd.s32 s0, s10;
	s18 =	sadd.s32 s0, s9  }
0x1a: {  	s19 =	sadd.s32 s5, s9;
	s20 =	sadd.s32 s2, s10;
	s0 =	simm.s32 $0x8  }
0x1b: {  	s2 =	simm.s32 $0x3;
	s5 =	simm.s32 $0x5;
	s9 =	simm.s32 $0x0  }
.LBB2_4:
0x1c: {  	_ =	swait.ge [sflag:s0], $0x140  }
0x1d: {  	[sflag:s0] =	ssyncset.done $0x0  }
0x1e: {  	[sflag:s0] =	ssyncadd.s32 $0xFFFFFEC0  }
0x1f: {  	[spmem:s1] =	stream.indirect.scatter.add.f32 [tilespmem:s29], [sflag:$0x4], $0x50, s30, s22, $0xb8;
	[tilespmem:$0x19500] =	vst v63  }
0x20: {  	_ =	swait.ge [sflag:s2], $0x6400  }
0x21: {  	[sflag:s2] =	ssyncset.done $0x0  }
0x22: {  	[sflag:s2] =	ssyncadd.s32 $0xFFFF9C00  }
0x23: {  	_ =	swait.ge [sflag:s6], $0x6400  }
0x24: {  	[sflag:s6] =	ssyncset.done $0x0  }
0x25: {  	[sflag:s6] =	ssyncadd.s32 $0xFFFF9C00  }
0x26: {  	[bflag:$0x0] =	sbarrier.arrive $0xFFFF  }
0x27: {  	s7 =	rddreg [dreg:$0x8]  }
0x28: {  	[hbm:s7], [sflag:s8] =	dma.local [spmem:s10], $0x1900  }
0x29: {  	_ =	swait.ge [sflag:s21], $0x1900  }
0x2a: {  	s9 =	sadd.s32 $0x1, s9;
	s12 =	rddreg [dreg:$0x9]  }
0x2b: {  	p0 =	sne.s32 s9, s12  }
.Ltmp1:
0x2c: {  	_ = 	snop;
	(pc) =	sbr.rel @!p0 .LBB2_5-.Ltmp1, $3  }
0x2d: {  	_ =	sdelay $0x1  }
0x2e: {  	[sflag:s21] =	ssyncset.done $0x0  }
0x2f: {  	[sflag:s21] =	ssyncadd.s32 $0xFFFFE700  }
.LBB2_1:
0x30: {  	s7 =	rddreg [dreg:$0x4]  }
0x31: {  	s11 =	rddreg [dreg:$0x3];
	s10 =	sshrl.u32 s7, $0x3  }
0x32: {  	[spmem:s10], [sflag:s8] =	dma.local [hbm:s11], $0x1900  }
0x33: {  	_ =	swait.ge [sflag:s21], $0x1900  }
0x34: {  	[sflag:s21] =	ssyncset.done $0x0  }
0x35: {  	[sflag:s21] =	ssyncadd.s32 $0xFFFFE700  }
0x36: {  	[bflag:$0x0] =	sbarrier.arrive $0xFFFF  }
0x37: {  	s12 =	rddreg [dreg:$0x5]  }
0x38: {  	[tilespmem:s3], [sflag:$0x9] =	stream.linear.gather [hbm4b:s12+s3], $0x140, $0x38;
	[tilespmem:$0x19500] =	vst v63  }
0x39: {  	_ =	swait.ge [sflag:s21], $0x140  }
0x3a: {  	[sflag:s21] =	ssyncset.done $0x0  }
0x3b: {  	s11 =	rddreg [dreg:$0x6];
	[sflag:s21] =	ssyncadd.s32 $0xFFFFFEC0  }
0x3c: {  	[tilespmem:s22], [sflag:$0x6] =	stream.linear.gather [hbm4b:s11+s3], $0x140, $0x38;
	[tilespmem:$0x19500] =	vst v63  }
0x3d: {  	s12 =	rddreg [dreg:$0x7]  }
0x3e: {  	[tilespmem:s23], [sflag:$0x7] =	stream.linear.gather [hbm4b:s12+s3], $0x140, $0x38;
	[tilespmem:$0x19500] =	vst v63  }
0x3f: {  	_ = 	snop  }
0x40: {  	[tilespmem:s24], [sflag:$0x1] =	stream.indirect.gather [hbm4b:s4+s22], $0x50, s3, s22, $0xb8;
	[tilespmem:$0x19500] =	vst v63  }
0x41: {  	_ =	swait.ge [sflag:s25], $0x6400  }
0x42: {  	[sflag:s25] =	ssyncset.done $0x0  }
0x43: {  	[sflag:s25] =	ssyncadd.s32 $0xFFFF9C00  }
0x44: {  	[tilespmem:s3], [sflag:$0x5] =	stream.linear.gather [hbm4b:s13+s3], $0x140, $0x38;
	[tilespmem:$0x19500] =	vst v63  }
0x45: {  	_ =	swait.ge [sflag:s26], $0x140  }
0x46: {  	[sflag:s26] =	ssyncset.done $0x0  }
0x47: {  	[sflag:s26] =	ssyncadd.s32 $0xFFFFFEC0  }
0x48: {  	[spmem:s1] =	stream.indirect.scatter.add.f32 [tilespmem:s24], [sflag:$0x3], $0x50, s23, s22, $0xb8;
	[tilespmem:$0x19500] =	vst v63  }
0x49: {  	_ =	swait.ge [sflag:s28], $0x140  }
0x4a: {  	[sflag:s28] =	ssyncset.done $0x0  }
0x4b: {  	[sflag:s28] =	ssyncadd.s32 $0xFFFFFEC0  }
0x4c: {  	[tilespmem:s29], [sflag:$0x2] =	stream.indirect.gather [hbm4b:s4+s22], $0x50, s22, s22, $0xb8;
	[tilespmem:$0x19500] =	vst v63  }
0x4d: {  	_ = 	snop  }
0x4e: {  	[tilespmem:s30], [sflag:$0x8] =	stream.linear.gather [hbm4b:s14+s3], $0x140, $0x38;
	[tilespmem:$0x19500] =	vst v63  }
0x4f: {  	_ =	swait.ge [sflag:s31], $0x6400  }
0x50: {  	[sflag:s31] =	ssyncset.done $0x0  }
0x51: {  	[sflag:s31] =	ssyncadd.s32 $0xFFFF9C00  }
0x52: {  	[tilespmem:s22], [sflag:$0x6] =	stream.linear.gather [hbm4b:s15+s3], $0x140, $0x38;
	[tilespmem:$0x19500] =	vst v63  }
0x53: {  	_ =	swait.ge [sflag:s0], $0x140  }
0x54: {  	[sflag:s0] =	ssyncset.done $0x0  }
0x55: {  	[sflag:s0] =	ssyncadd.s32 $0xFFFFFEC0  }
0x56: {  	[spmem:s1] =	stream.indirect.scatter.add.f32 [tilespmem:s29], [sflag:$0x4], $0x50, s30, s22, $0xb8;
	[tilespmem:$0x19500] =	vst v63  }
0x57: {  	_ =	swait.ge [sflag:s2], $0x6400  }
0x58: {  	[sflag:s2] =	ssyncset.done $0x0  }
0x59: {  	[sflag:s2] =	ssyncadd.s32 $0xFFFF9C00  }
0x5a: {  	_ =	swait.ge [sflag:s5], $0x140  }
0x5b: {  	[sflag:s5] =	ssyncset.done $0x0  }
0x5c: {  	[sflag:s5] =	ssyncadd.s32 $0xFFFFFEC0  }
0x5d: {  	[tilespmem:s24], [sflag:$0x1] =	stream.indirect.gather [hbm4b:s4+s22], $0x50, s3, s22, $0xb8;
	[tilespmem:$0x19500] =	vst v63  }
0x5e: {  	s7 =	simm.s32 $0x0  }
0x5f: {  	[tilespmem:s23], [sflag:$0x7] =	stream.linear.gather [hbm4b:s16+s3], $0x140, $0x38;
	[tilespmem:$0x19500] =	vst v63  }
.LBB2_2:
0x60: {  	_ =	swait.ge [sflag:s25], $0x6400  }
0x61: {  	p0 =	seq.s32 s7, $0x460;
	[sflag:s25] =	ssyncset.done $0x0  }
0x62: {  	s11 =	sadd.s32 @!p0 s7, s18;
	s12 =	simm.s32 @!p0 $0x0;
	[sflag:s25] =	ssyncadd.s32 $0xFFFF9C00  }
0x63: {  	[tilespmem:s12], [sflag:$0x5] =	stream.linear.gather @!p0 [hbm4b:s11+s12], $0x140, $0x38;
	[tilespmem:$0x19500] =	vst v63  }
0x64: {  	_ =	swait.ge [sflag:s26], $0x140  }
0x65: {  	[sflag:s26] =	ssyncset.done $0x0  }
0x66: {  	[sflag:s26] =	ssyncadd.s32 $0xFFFFFEC0  }
0x67: {  	[spmem:s1] =	stream.indirect.scatter.add.f32 [tilespmem:s24], [sflag:$0x3], $0x50, s23, s22, $0xb8;
	[tilespmem:$0x19500] =	vst v63  }
0x68: {  	_ =	swait.ge [sflag:s6], $0x6400  }
0x69: {  	[sflag:s6] =	ssyncset.done $0x0  }
0x6a: {  	[sflag:s6] =	ssyncadd.s32 $0xFFFF9C00  }
0x6b: {  	_ =	swait.ge [sflag:s28], $0x140  }
0x6c: {  	[sflag:s28] =	ssyncset.done $0x0  }
0x6d: {  	[sflag:s28] =	ssyncadd.s32 $0xFFFFFEC0  }
0x6e: {  	[tilespmem:s29], [sflag:$0x2] =	stream.indirect.gather [hbm4b:s4+s22], $0x50, s22, s22, $0xb8;
	[tilespmem:$0x19500] =	vst v63  }
.Ltmp2:
0x6f: {  	s12 =	sadd.s32 s7, s20;
	(pc) =	sbr.rel @p0 .LBB2_4-.Ltmp2, $4  }
0x70: {  	[tilespmem:s30], [sflag:$0x8] =	stream.linear.gather [hbm4b:s12+s3], $0x140, $0x38;
	[tilespmem:$0x19500] =	vst v63  }
0x71: {  	_ =	swait.ge [sflag:s31], $0x6400  }
0x72: {  	[sflag:s31] =	ssyncset.done $0x0  }
0x73: {  	[sflag:s31] =	ssyncadd.s32 $0xFFFF9C00  }
0x74: {  	s11 =	sadd.s32 s7, s19  }
0x75: {  	[tilespmem:s22], [sflag:$0x6] =	stream.linear.gather [hbm4b:s11+s3], $0x140, $0x38;
	[tilespmem:$0x19500] =	vst v63  }
0x76: {  	_ =	swait.ge [sflag:s0], $0x140  }
0x77: {  	[sflag:s0] =	ssyncset.done $0x0  }
0x78: {  	[sflag:s0] =	ssyncadd.s32 $0xFFFFFEC0  }
0x79: {  	[spmem:s1] =	stream.indirect.scatter.add.f32 [tilespmem:s29], [sflag:$0x4], $0x50, s30, s22, $0xb8;
	[tilespmem:$0x19500] =	vst v63  }
0x7a: {  	_ =	swait.ge [sflag:s2], $0x6400  }
0x7b: {  	[sflag:s2] =	ssyncset.done $0x0  }
0x7c: {  	[sflag:s2] =	ssyncadd.s32 $0xFFFF9C00  }
0x7d: {  	_ =	swait.ge [sflag:s5], $0x140  }
.Ltmp3:
0x7e: {  	[sflag:s5] =	ssyncset.done $0x0;
	(pc) =	sbr.rel .LBB2_2-.Ltmp3, $4  }
0x7f: {  	[sflag:s5] =	ssyncadd.s32 $0xFFFFFEC0  }
0x80: {  	[tilespmem:s24], [sflag:$0x1] =	stream.indirect.gather [hbm4b:s4+s22], $0x50, s3, s22, $0xb8;
	[tilespmem:$0x19500] =	vst v63  }
0x81: {  	s12 =	sadd.s32 s7, s17;
	s7 =	sadd.s32 $0x50, s7  }
0x82: {  	[tilespmem:s23], [sflag:$0x7] =	stream.linear.gather [hbm4b:s12+s3], $0x140, $0x38;
	[tilespmem:$0x19500] =	vst v63  }
.LBB2_5:
0x83: {  	_ =	sfence.sel $0x180000  }
0x84: {  	[bflag:$0x0] =	sbarrier.arrive $0xFFFF  }
0x85: {  	_ =	strace $0x9000004A  }
0x86: {  	s0 =	stileid.u32;
	[bflag:$0x2] =	sbarrier.arrive $0xFFFF  }
0x87: {  	p0 =	sne.s32 s0, $0x0;
	s0 =	rddreg [dreg:$0x2]  }
0x88: {  	s0 =	sadd.s32 @!p0 $0x100000, s0  }
0x89: {  	[sflag:s0] =	ssyncadd.tile.s32 @!p0 $0x1;
	_ =	shalt  }
.Lfunc_end2:
_tile_overlayer_lowered:
.L_overlay_start_2:
0x8a: {  	(tag) =	ssettag $0x2  }
0x8b: {  	s0 =	rddreg [dreg:$0x0];
	s2 =	stileid.u32  }
0x8c: {  	s1 =	rddreg [dreg:$0x1];
	p0 =	sne.s32 s2, $0x0  }
0x8d: {  	s3 =	rddreg [dreg:$0x2];
	[bflag:$0x3] =	sbarrier.arrive $0xFFFF;
	s2 =	simm.s32 @!p0 $0x1C09  }
0x8e: {  	[timem:s3], [sflag:s2] =	dma.local @!p0 [hbm:s0], s1  }
0x8f: {  	s0 =	simm.s32 @!p0 $0x9  }
0x90: {  	_ =	swait.ge @!p0 [sflag:s0], s1  }
0x91: {  	s1 =	ssub.s32 @!p0 $0x0, s1;
	[sflag:s0] =	ssyncset.done @!p0 $0x0  }
0x92: {  	[sflag:s0] =	ssyncadd.s32 @!p0 s1  }
0x93: {  	[bflag:$0x3] =	sbarrier.arrive $0xFFFF  }
0x94: {  	_ =	shalt  }

// kernel: gcn_prop_p1.7.cloned.1.call-start
scs
__scs_entry_jumppad:
0x0: {  	(pc) =	sbr.rel $0x88, $3  }
0x1: {  	(tag) =	ssettag $0x0;
	lr =	simm.s32 $0x1  }
0x2: {  	[smem:$0x3F96] =	sst lr;
	_ =	strace $0xD0000000  }
0x3: {  	_ = 	snop  }
0x4: {  	_ = 	snop  }
0x5: {  	_ = 	snop  }
0x6: {  	_ = 	snop  }
0x7: {  	_ = 	snop  }
__scs_overlays_trampoline_lowered:
0x8: {  	[smem:$0x3FA5] =	sst s0  }
0x9: {  	[smem:$0x3FA6] =	sst s1  }
0xa: {  	[smem:$0x3FA7] =	sst s2  }
0xb: {  	[smem:$0x3FA8] =	sst s3  }
0xc: {  	[smem:$0x3FA9] =	sst s4  }
0xd: {  	[smem:$0x3FAA] =	sst s5  }
0xe: {  	[smem:$0x3FAB] =	sst s6  }
0xf: {  	[smem:$0x3FAC] =	sst s7  }
0x10: {  	[smem:$0x3FAD] =	sst s8  }
0x11: {  	[smem:$0x3FAE] =	sst s9;
	s0 =	simm.s32 @!p0 $0x0  }
0x12: {  	s1 =	sld [smem:$0x3F94];
	s0 =	simm.s32 @p0 $0x1  }
0x13: {  	[smem:$0x3FAF] =	sst s0;
	s0 =	simm.s32 @!p1 $0x0  }
0x14: {  	s2 =	sld [smem:$0x3F93];
	s0 =	simm.s32 @p1 $0x1  }
0x15: {  	[smem:$0x3FB0] =	sst s0;
	s0 =	simm.s32 @!p2 $0x0  }
0x16: {  	s3 =	sld [smem:$0x3FDB];
	s0 =	simm.s32 @p2 $0x1  }
0x17: {  	s4 =	simm.s32 $0x1BF5;
	[smem:$0x3FB2] =	sst s0  }
0x18: {  	s0 =	sld [smem:$0x3F95];
	_ =	swait.ge [sflag:s4], $0x0  }
0x19: {  	s7 =	sld [smem:$0x3F96]  }
0x1a: {  	s8 =	sadd.s32 $0xFFFFE003, lr  }
0x1b: {  	s9 =	sadd.s32 $0xFFFFFEF7, lr;
	s5 =	simm.s32 $0xFFFFFFFF;
	p2 =	slt.u32 s8, $0xFFFFF086  }
0x1c: {  	p1 =	slt.u32 s9, $0xF7A;
	s5 =	simm.s32 @!p2 $0x0  }
0x1d: {  	s5 =	simm.s32 @p1 $0x1;
	p0 =	seq.s32 s7, s2  }
0x1e: {  	s7 =	smul.u32 @!p0 $0xF7A, s2;
	p2 =	seq.s32 @!p0 s5, $0x0  }
0x1f: {  	s9 =	smul.u32 $0xF7A, s1;
	s8 =	simm.s32 @!p0 $0x1BF5;
	p2 =	por !p2, p0  }
0x20: {  	[sflag:s8] =	ssyncset.s32 @!p0 $0xFFFFF086;
	s6 =	sadd.s32 @!p0 s3, s7;
	s7 =	simm.s32 @!p0 $0x108  }
0x21: {  	s3 =	sadd.s32 s3, s9;
	s6 =	sadd.s32 @!p0 $0x88, s6;
	s7 =	simm.s32 @p2 $0x1082  }
0x22: {  	[simem:s7], [sflag:s8] =	dma.local @!p0 [hbm:s6], $0xF7A  }
0x23: {  	s9 =	sor.u32 $0xD0000000, s2;
	s6 =	simm.s32 $0x108;
	_ =	swait.ge @!p0 [sflag:s8], $0x0  }
0x24: {  	s3 =	sadd.s32 $0x88, s3;
	s6 =	simm.s32 @!p1 $0x1082;
	[sflag:s4] =	ssyncset.s32 $0xFFFFF086  }
0x25: {  	[simem:s6], [sflag:s4] =	dma.local [hbm:s3], $0xF7A  }
0x26: {  	[smem:$0x3F96] =	sst s1;
	(tag) =	ssettag s2;
	_ =	strace s9  }
0x27: {  	s1 =	sld [smem:$0x3FA6]  }
0x28: {  	s2 =	sld [smem:$0x3FA7]  }
0x29: {  	s4 =	sld [smem:$0x3FA9]  }
0x2a: {  	p0 =	seq.s32 s5, $0x0;
	s5 =	sld [smem:$0x3FAA]  }
0x2b: {  	s6 =	sld [smem:$0x3FAB]  }
0x2c: {  	s7 =	sld [smem:$0x3FAC]  }
0x2d: {  	s3 =	simm.s32 $0x108;
	s8 =	sld [smem:$0x3FAD]  }
0x2e: {  	s3 =	simm.s32 @!p0 $0x1082;
	s9 =	sld [smem:$0x3FAE]  }
0x2f: {  	lr =	sadd.s32 s0, s3;
	s0 =	sld [smem:$0x3FA5]  }
0x30: {  	s3 =	sld [smem:$0x3FA8]  }
0x31: {  	[smem:$0x3FB1] =	sst s10  }
0x32: {  	s10 =	sld [smem:$0x3FAF];
	_ =	sdelay $0x3  }
0x33: {  	p0 =	seq.s32 s10, $0x1;
	s10 =	sld [smem:$0x3FB1];
	_ =	sdelay $0x3  }
0x34: {  	[smem:$0x3FB1] =	sst s10  }
0x35: {  	s10 =	sld [smem:$0x3FB0];
	_ =	sdelay $0x3  }
0x36: {  	p1 =	seq.s32 s10, $0x1;
	s10 =	sld [smem:$0x3FB1];
	_ =	sdelay $0x3  }
0x37: {  	[smem:$0x3FB1] =	sst s10  }
0x38: {  	s10 =	sld [smem:$0x3FB2]  }
0x39: {  	_ = 	snop;
	(pc) =	sbr.ind lr, $3  }
0x3a: {  	_ = 	snop  }
0x3b: {  	_ = 	snop  }
0x3c: {  	p2 =	seq.s32 s10, $0x1;
	s10 =	sld [smem:$0x3FB1]  }
0x3d: {  	_ =	shalt  }
0x3e: {  	_ =	shalt  }
0x3f: {  	_ =	shalt  }
0x40: {  	_ =	shalt  }
0x41: {  	_ =	shalt  }
0x42: {  	_ =	shalt  }
0x43: {  	_ =	shalt  }
0x44: {  	_ =	shalt  }
0x45: {  	_ =	shalt  }
0x46: {  	_ =	shalt  }
0x47: {  	_ =	shalt  }
0x48: {  	_ =	shalt  }
0x49: {  	_ =	shalt  }
0x4a: {  	_ =	shalt  }
0x4b: {  	_ =	shalt  }
0x4c: {  	_ =	shalt  }
0x4d: {  	_ =	shalt  }
0x4e: {  	_ =	shalt  }
0x4f: {  	_ =	shalt  }
0x50: {  	_ =	shalt  }
0x51: {  	_ =	shalt  }
0x52: {  	_ =	shalt  }
0x53: {  	_ =	shalt  }
0x54: {  	_ =	shalt  }
0x55: {  	_ =	shalt  }
0x56: {  	_ =	shalt  }
0x57: {  	_ =	shalt  }
0x58: {  	_ =	shalt  }
0x59: {  	_ =	shalt  }
0x5a: {  	_ =	shalt  }
0x5b: {  	_ =	shalt  }
0x5c: {  	_ =	shalt  }
0x5d: {  	_ =	shalt  }
0x5e: {  	_ =	shalt  }
0x5f: {  	_ =	shalt  }
0x60: {  	_ =	shalt  }
0x61: {  	_ =	shalt  }
0x62: {  	_ =	shalt  }
0x63: {  	_ =	shalt  }
0x64: {  	_ =	shalt  }
0x65: {  	_ =	shalt  }
0x66: {  	_ =	shalt  }
0x67: {  	_ =	shalt  }
0x68: {  	_ =	shalt  }
0x69: {  	_ =	shalt  }
0x6a: {  	_ =	shalt  }
0x6b: {  	_ =	shalt  }
0x6c: {  	_ =	shalt  }
0x6d: {  	_ =	shalt  }
0x6e: {  	_ =	shalt  }
0x6f: {  	_ =	shalt  }
0x70: {  	_ =	shalt  }
0x71: {  	_ =	shalt  }
0x72: {  	_ =	shalt  }
0x73: {  	_ =	shalt  }
0x74: {  	_ =	shalt  }
0x75: {  	_ =	shalt  }
0x76: {  	_ =	shalt  }
0x77: {  	_ =	shalt  }
0x78: {  	_ =	shalt  }
0x79: {  	_ =	shalt  }
0x7a: {  	_ =	shalt  }
0x7b: {  	_ =	shalt  }
0x7c: {  	_ =	shalt  }
0x7d: {  	_ =	shalt  }
0x7e: {  	_ =	shalt  }
0x7f: {  	_ =	shalt  }
0x80: {  	_ =	shalt  }
0x81: {  	_ =	shalt  }
0x82: {  	_ =	shalt  }
0x83: {  	_ =	shalt  }
0x84: {  	_ =	shalt  }
0x85: {  	_ =	shalt  }
0x86: {  	_ =	shalt  }
0x87: {  	_ =	shalt  }
.Lfunc_end0:
.L_simem_size_0:
called_computation.2_lowered:
.L_overlay_start_0:
0x88: {  	s2 =	sld [smem:$0x3FD9]  }
0x89: {  	s3 =	sld [smem:$0x3FFE];
	_ =	sdelay $0x1  }
0x8a: {  	s1 =	srdreg.scid  }
0x8b: {  	s0 =	sand.u32 $0x1, s1  }
0x8c: {  	s16 =	sshll.u32 s0, $0xA;
	s2 =	sadd.s32 s3, s2  }
0x8d: {  	s2 =	sadd.s32 s2, s16  }
0x8e: {  	[smem:$0x3FBD] =	sst s2  }
0x8f: {  	_ = 	snop  }
0x90: {  	(tm) =	ssettm $0x1  }
0x91: {  	s17 =	sld [smem:$0x3FFB];
	_ =	sdelay $0x3  }
0x92: {  	_ =	strace s17  }
0x93: {  	s2 =	sld [smem:$0x3FFC];
	_ =	sdelay $0x3  }
0x94: {  	_ =	strace s2  }
0x95: {  	s2 =	sld [smem:$0x3FFD];
	_ =	sdelay $0x3  }
0x96: {  	_ =	strace s2  }
0x97: {  	_ =	strace $0x8FFFFFFF  }
0x98: {  	s18 =	sld [smem:$0x3FDB];
	_ =	sdelay $0x1  }
0x99: {  	s19 =	simm.s32 $_scs_section_size  }
0x9a: {  	s4 =	simm.s32 $_size__tile_overlayer_lowered;
	s5 =	simm.s32 $_tile_overlayer_lowered  }
0x9b: {  	s22 =	simm.s32 $0x1BFF;
	s21 =	sshll.u32 s5, $0x1;
	s2 =	sadd.s32 s19, s18  }
0x9c: {  	s6 =	simm.s32 $0x0;
	s20 =	sshll.u32 s4, $0x1;
	s4 =	sadd.s32 s21, s2  }
0x9d: {  	[timem:s6], [sflag:s22] =	dma.local [hbm:s4], s20  }
0x9e: {  	_ =	swait.ge [sflag:s22], s20  }
0x9f: {  	s3 =	ssub.s32 $0x0, s20;
	[sflag:s22] =	ssyncset.done $0x0  }
0xa0: {  	[sflag:s22] =	ssyncadd.s32 s3;
	_ =	sdelay $0x1  }
0xa1: {  	s23 =	simm.s32 $0x1B8B  }
0xa2: {  	_ =	swait.ge [sflag:s23], $0x1  }
0xa3: {  	[sflag:s23] =	ssyncset.done $0x0  }
0xa4: {  	s25 =	simm.s32 $0x1B8E;
	s24 =	sld [smem:$0x3FFE];
	[sflag:s23] =	ssyncadd.s32 $0xFFFFFFFF  }
0xa5: {  	s26 =	simm.s32 $execute0_lowered;
	[smem:$0x3FD2] =	sst s25  }
0xa6: {  	s4 =	sshll.u32 s26, $0x1;
	_ =	strace $0x8000004C;
	[dreg:$0x1] =	wrdreg $0xFFFFFFFF  }
0xa7: {  	s28 =	simm.s32 $_size_execute0_lowered;
	s2 =	sadd.s32 s2, s4;
	[dreg:$0x0] =	wrdreg $0x0  }
0xa8: {  	s4 =	sshll.u32 s28, $0x1;
	[dreg:$0x2] =	wrdreg s2  }
0xa9: {  	[dreg:$0x3] =	wrdreg s4  }
0xaa: {  	[dreg:$0x4] =	wrdreg $0xC0  }
0xab: {  	_ =	task [dreg:s6], $0x5FFFF  }
0xac: {  	[dreg:$0x1] =	wrdreg $0xFFFFFFFF  }
0xad: {  	[dreg:$0x0] =	wrdreg $0x60  }
0xae: {  	[dreg:$0x2] =	wrdreg s24  }
0xaf: {  	[dreg:$0x3] =	wrdreg $0xCD000  }
0xb0: {  	[dreg:$0x4] =	wrdreg $0x9  }
0xb1: {  	_ =	task.clear_ibuf [dreg:s6], $0x5FFFF;
	_ =	strace $0x9000004C  }
0xb2: {  	s29 =	simm.s32 $0x9;
	_ =	strace $0x8000004E  }
0xb3: {  	_ =	swait.ge [sflag:s29], $0x1  }
0xb4: {  	[sflag:s29] =	ssyncadd.s32 $0xFFFFFFFF  }
0xb5: {  	_ =	strace $0x9000004E  }
0xb6: {  	_ =	sfence  }
0xb7: {  	s30 =	sld [smem:$0x0];
	_ =	sdelay $0x2  }
0xb8: {  	s31 =	sshll.u32 s1, $0xD;
	s1 =	sshrl.u32 s1, $0x2  }
0xb9: {  	s3 =	sand.u32 $0x4000, s31;
	s1 =	sadd.s32 s1, s30  }
0xba: {  	s0 =	sor.u32 s3, s0;
	s1 =	sshll.u32 s1, $0x11  }
0xbb: {  	s0 =	sor.u32 s1, s0  }
0xbc: {  	s0 =	sadd.s32 $0x8F2B, s0  }
0xbd: {  	[sflag:s0] =	ssyncadd.remote.s32 $0x1  }
0xbe: {  	_ =	sfence.sel $0xFFFF  }
0xbf: {  	[dreg:$0x0] =	wrdreg $0xFFFFFFFF;
	(pc) =	sbr.abs _section_cstart, $3  }
0xc0: {  	[dreg:$0x1] =	wrdreg $0xFFFFFFFF  }
0xc1: {  	_ =	task.clear_ibuf [dreg:s6], $0x2FFFF;
	_ =	strace $0x9FFFFFFF  }
0xc2: {  	(tm) =	ssettm $0x7FFFFFFF  }
0xc3: {  	_ =	shalt  }
tec
execute0_lowered:
.L_overlay_start_1:
0x0: {  	(tag) =	ssettag $0x1  }
0x1: {  	s0 =	rddreg [dreg:$0x0]  }
0x2: {  	s1 =	rddreg [dreg:$0x1]  }
0x3: {  	s3 =	simm.s32 $0x0;
	s2 =	srdreg.scid;
	s13 =	stileid.u32  }
0x4: {  	s28 =	simm.s32 $0x6;
	s29 =	simm.s32 $0x6900;
	s30 =	simm.s32 $0x3C0  }
0x5: {  	s31 =	simm.s32 $0x2;
	[smem:$0x7FF] =	sst s3;
	s2 =	sand.u32 $0x1, s2  }
0x6: {  	s5 =	smul.u32 $0xC800, s13;
	s4 =	sadd.s32 $0x16600, s0;
	s9 =	sadd.s32 $0x2600, s0  }
0x7: {  	s10 =	sadd.s32 $0xC600, s0;
	s11 =	sadd.s32 $0x2F600, s0;
	s15 =	smul.u32 $0x2800, s13  }
0x8: {  	s18 =	sshll.u32 s13, $0x6;
	_ =	strace $0x8000004D;
	s6 =	smul.u32 $0xC8000, s2  }
0x9: {  	s7 =	sshll.u32 s2, $0x4;
	s8 =	ssub.s32 $0x2, s2;
	[dreg:$0x3] =	wrdreg s11  }
0xa: {  	s2 =	smul.u32 $0x28000, s2;
	s7 =	sor.u32 s13, s7;
	s16 =	sshrl.u32 s8, $0x1  }
0xb: {  	s6 =	sadd.s32 s5, s6;
	s7 =	smul.u32 $0x2800, s7;
	s17 =	ssub.s32 s8, s16  }
0xc: {  	s5 =	sadd.s32 s5, s1;
	s8 =	sor.u32 $0x1C09, s18;
	s2 =	sadd.s32 s15, s2  }
0xd: {  	s6 =	sshrl.u32 s6, $0x3;
	[dreg:$0x4] =	wrdreg s5;
	s25 =	sor.u32 $0x500, s2  }
0xe: {  	s26 =	sor.u32 $0x640, s2;
	s2 =	sor.u32 $0x3C0, s2;
	s0 =	sadd.s32 s6, s0  }
0xf: {  	s12 =	sshrl.u32 s7, $0x3;
	s22 =	sor.u32 $0x140, s7;
	s7 =	sor.u32 $0x3C0, s7  }
0x10: {  	s6 =	smax.u32 s17, $0x1;
	s2 =	sshrl.u32 s2, $0x3;
	s19 =	sadd.s32 s9, s12  }
0x11: {  	s21 =	sadd.s32 s10, s12;
	s0 =	sadd.s32 $0x31000, s0;
	[dreg:$0x9] =	wrdreg s6  }
0x12: {  	s23 =	sor.u32 $0x50, s12;
	s5 =	sshrl.u32 s22, $0x3;
	[dreg:$0x5] =	wrdreg s19  }
0x13: {  	s24 =	sshrl.u32 s7, $0x3;
	s22 =	simm.s32 $0x140;
	[dreg:$0x7] =	wrdreg s21  }
0x14: {  	s6 =	simm.s32 $0x4;
	s20 =	sadd.s32 $0x28, s19;
	[dreg:$0x8] =	wrdreg s0  }
0x15: {  	s13 =	sadd.s32 s9, s23;
	s14 =	sadd.s32 s10, s5;
	s15 =	sadd.s32 s9, s24  }
0x16: {  	s16 =	sadd.s32 s10, s23;
	s0 =	sshrl.u32 s25, $0x3;
	s5 =	sshrl.u32 s26, $0x3  }
.Ltmp0:
0x17: {  	s21 =	simm.s32 $0x9;
	s23 =	simm.s32 $0x280;
	(pc) =	sbr.rel .LBB2_1-.Ltmp0, $4  }
0x18: {  	s24 =	simm.s32 $0x500;
	s25 =	simm.s32 $0x1;
	s26 =	simm.s32 $0x7  }
0x19: {  	[dreg:$0x6] =	wrdreg s20;
	s17 =	sadd.s32 s0, s10;
	s18 =	sadd.s32 s0, s9  }
0x1a: {  	s19 =	sadd.s32 s5, s9;
	s20 =	sadd.s32 s2, s10;
	s0 =	simm.s32 $0x8  }
0x1b: {  	s2 =	simm.s32 $0x3;
	s5 =	simm.s32 $0x5;
	s9 =	simm.s32 $0x0  }
.LBB2_4:
0x1c: {  	_ =	swait.ge [sflag:s0], $0x140  }
0x1d: {  	[sflag:s0] =	ssyncset.done $0x0  }
0x1e: {  	[sflag:s0] =	ssyncadd.s32 $0xFFFFFEC0  }
0x1f: {  	[spmem:s1] =	stream.indirect.scatter.add.f32 [tilespmem:s29], [sflag:$0x4], $0x50, s30, s22, $0xb8;
	[tilespmem:$0x19500] =	vst v63  }
0x20: {  	_ =	swait.ge [sflag:s2], $0x6400  }
0x21: {  	[sflag:s2] =	ssyncset.done $0x0  }
0x22: {  	[sflag:s2] =	ssyncadd.s32 $0xFFFF9C00  }
0x23: {  	_ =	swait.ge [sflag:s6], $0x6400  }
0x24: {  	[sflag:s6] =	ssyncset.done $0x0  }
0x25: {  	[sflag:s6] =	ssyncadd.s32 $0xFFFF9C00  }
0x26: {  	[bflag:$0x0] =	sbarrier.arrive $0xFFFF  }
0x27: {  	s7 =	rddreg [dreg:$0x8]  }
0x28: {  	[hbm:s7], [sflag:s8] =	dma.local [spmem:s10], $0x1900  }
0x29: {  	_ =	swait.ge [sflag:s21], $0x1900  }
0x2a: {  	s9 =	sadd.s32 $0x1, s9;
	s12 =	rddreg [dreg:$0x9]  }
0x2b: {  	p0 =	sne.s32 s9, s12  }
.Ltmp1:
0x2c: {  	_ = 	snop;
	(pc) =	sbr.rel @!p0 .LBB2_5-.Ltmp1, $3  }
0x2d: {  	_ =	sdelay $0x1  }
0x2e: {  	[sflag:s21] =	ssyncset.done $0x0  }
0x2f: {  	[sflag:s21] =	ssyncadd.s32 $0xFFFFE700  }
.LBB2_1:
0x30: {  	s7 =	rddreg [dreg:$0x4]  }
0x31: {  	s11 =	rddreg [dreg:$0x3];
	s10 =	sshrl.u32 s7, $0x3  }
0x32: {  	[spmem:s10], [sflag:s8] =	dma.local [hbm:s11], $0x1900  }
0x33: {  	_ =	swait.ge [sflag:s21], $0x1900  }
0x34: {  	[sflag:s21] =	ssyncset.done $0x0  }
0x35: {  	[sflag:s21] =	ssyncadd.s32 $0xFFFFE700  }
0x36: {  	[bflag:$0x0] =	sbarrier.arrive $0xFFFF  }
0x37: {  	s12 =	rddreg [dreg:$0x5]  }
0x38: {  	[tilespmem:s3], [sflag:$0x9] =	stream.linear.gather [hbm4b:s12+s3], $0x140, $0x38;
	[tilespmem:$0x19500] =	vst v63  }
0x39: {  	_ =	swait.ge [sflag:s21], $0x140  }
0x3a: {  	[sflag:s21] =	ssyncset.done $0x0  }
0x3b: {  	s11 =	rddreg [dreg:$0x6];
	[sflag:s21] =	ssyncadd.s32 $0xFFFFFEC0  }
0x3c: {  	[tilespmem:s22], [sflag:$0x6] =	stream.linear.gather [hbm4b:s11+s3], $0x140, $0x38;
	[tilespmem:$0x19500] =	vst v63  }
0x3d: {  	s12 =	rddreg [dreg:$0x7]  }
0x3e: {  	[tilespmem:s23], [sflag:$0x7] =	stream.linear.gather [hbm4b:s12+s3], $0x140, $0x38;
	[tilespmem:$0x19500] =	vst v63  }
0x3f: {  	_ = 	snop  }
0x40: {  	[tilespmem:s24], [sflag:$0x1] =	stream.indirect.gather [hbm4b:s4+s22], $0x50, s3, s22, $0xb8;
	[tilespmem:$0x19500] =	vst v63  }
0x41: {  	_ =	swait.ge [sflag:s25], $0x6400  }
0x42: {  	[sflag:s25] =	ssyncset.done $0x0  }
0x43: {  	[sflag:s25] =	ssyncadd.s32 $0xFFFF9C00  }
0x44: {  	[tilespmem:s3], [sflag:$0x5] =	stream.linear.gather [hbm4b:s13+s3], $0x140, $0x38;
	[tilespmem:$0x19500] =	vst v63  }
0x45: {  	_ =	swait.ge [sflag:s26], $0x140  }
0x46: {  	[sflag:s26] =	ssyncset.done $0x0  }
0x47: {  	[sflag:s26] =	ssyncadd.s32 $0xFFFFFEC0  }
0x48: {  	[spmem:s1] =	stream.indirect.scatter.add.f32 [tilespmem:s24], [sflag:$0x3], $0x50, s23, s22, $0xb8;
	[tilespmem:$0x19500] =	vst v63  }
0x49: {  	_ =	swait.ge [sflag:s28], $0x140  }
0x4a: {  	[sflag:s28] =	ssyncset.done $0x0  }
0x4b: {  	[sflag:s28] =	ssyncadd.s32 $0xFFFFFEC0  }
0x4c: {  	[tilespmem:s29], [sflag:$0x2] =	stream.indirect.gather [hbm4b:s4+s22], $0x50, s22, s22, $0xb8;
	[tilespmem:$0x19500] =	vst v63  }
0x4d: {  	_ = 	snop  }
0x4e: {  	[tilespmem:s30], [sflag:$0x8] =	stream.linear.gather [hbm4b:s14+s3], $0x140, $0x38;
	[tilespmem:$0x19500] =	vst v63  }
0x4f: {  	_ =	swait.ge [sflag:s31], $0x6400  }
0x50: {  	[sflag:s31] =	ssyncset.done $0x0  }
0x51: {  	[sflag:s31] =	ssyncadd.s32 $0xFFFF9C00  }
0x52: {  	[tilespmem:s22], [sflag:$0x6] =	stream.linear.gather [hbm4b:s15+s3], $0x140, $0x38;
	[tilespmem:$0x19500] =	vst v63  }
0x53: {  	_ =	swait.ge [sflag:s0], $0x140  }
0x54: {  	[sflag:s0] =	ssyncset.done $0x0  }
0x55: {  	[sflag:s0] =	ssyncadd.s32 $0xFFFFFEC0  }
0x56: {  	[spmem:s1] =	stream.indirect.scatter.add.f32 [tilespmem:s29], [sflag:$0x4], $0x50, s30, s22, $0xb8;
	[tilespmem:$0x19500] =	vst v63  }
0x57: {  	_ =	swait.ge [sflag:s2], $0x6400  }
0x58: {  	[sflag:s2] =	ssyncset.done $0x0  }
0x59: {  	[sflag:s2] =	ssyncadd.s32 $0xFFFF9C00  }
0x5a: {  	_ =	swait.ge [sflag:s5], $0x140  }
0x5b: {  	[sflag:s5] =	ssyncset.done $0x0  }
0x5c: {  	[sflag:s5] =	ssyncadd.s32 $0xFFFFFEC0  }
0x5d: {  	[tilespmem:s24], [sflag:$0x1] =	stream.indirect.gather [hbm4b:s4+s22], $0x50, s3, s22, $0xb8;
	[tilespmem:$0x19500] =	vst v63  }
0x5e: {  	s7 =	simm.s32 $0x0  }
0x5f: {  	[tilespmem:s23], [sflag:$0x7] =	stream.linear.gather [hbm4b:s16+s3], $0x140, $0x38;
	[tilespmem:$0x19500] =	vst v63  }
.LBB2_2:
0x60: {  	_ =	swait.ge [sflag:s25], $0x6400  }
0x61: {  	p0 =	seq.s32 s7, $0x460;
	[sflag:s25] =	ssyncset.done $0x0  }
0x62: {  	s11 =	sadd.s32 @!p0 s7, s18;
	s12 =	simm.s32 @!p0 $0x0;
	[sflag:s25] =	ssyncadd.s32 $0xFFFF9C00  }
0x63: {  	[tilespmem:s12], [sflag:$0x5] =	stream.linear.gather @!p0 [hbm4b:s11+s12], $0x140, $0x38;
	[tilespmem:$0x19500] =	vst v63  }
0x64: {  	_ =	swait.ge [sflag:s26], $0x140  }
0x65: {  	[sflag:s26] =	ssyncset.done $0x0  }
0x66: {  	[sflag:s26] =	ssyncadd.s32 $0xFFFFFEC0  }
0x67: {  	[spmem:s1] =	stream.indirect.scatter.add.f32 [tilespmem:s24], [sflag:$0x3], $0x50, s23, s22, $0xb8;
	[tilespmem:$0x19500] =	vst v63  }
0x68: {  	_ =	swait.ge [sflag:s6], $0x6400  }
0x69: {  	[sflag:s6] =	ssyncset.done $0x0  }
0x6a: {  	[sflag:s6] =	ssyncadd.s32 $0xFFFF9C00  }
0x6b: {  	_ =	swait.ge [sflag:s28], $0x140  }
0x6c: {  	[sflag:s28] =	ssyncset.done $0x0  }
0x6d: {  	[sflag:s28] =	ssyncadd.s32 $0xFFFFFEC0  }
0x6e: {  	[tilespmem:s29], [sflag:$0x2] =	stream.indirect.gather [hbm4b:s4+s22], $0x50, s22, s22, $0xb8;
	[tilespmem:$0x19500] =	vst v63  }
.Ltmp2:
0x6f: {  	s12 =	sadd.s32 s7, s20;
	(pc) =	sbr.rel @p0 .LBB2_4-.Ltmp2, $4  }
0x70: {  	[tilespmem:s30], [sflag:$0x8] =	stream.linear.gather [hbm4b:s12+s3], $0x140, $0x38;
	[tilespmem:$0x19500] =	vst v63  }
0x71: {  	_ =	swait.ge [sflag:s31], $0x6400  }
0x72: {  	[sflag:s31] =	ssyncset.done $0x0  }
0x73: {  	[sflag:s31] =	ssyncadd.s32 $0xFFFF9C00  }
0x74: {  	s11 =	sadd.s32 s7, s19  }
0x75: {  	[tilespmem:s22], [sflag:$0x6] =	stream.linear.gather [hbm4b:s11+s3], $0x140, $0x38;
	[tilespmem:$0x19500] =	vst v63  }
0x76: {  	_ =	swait.ge [sflag:s0], $0x140  }
0x77: {  	[sflag:s0] =	ssyncset.done $0x0  }
0x78: {  	[sflag:s0] =	ssyncadd.s32 $0xFFFFFEC0  }
0x79: {  	[spmem:s1] =	stream.indirect.scatter.add.f32 [tilespmem:s29], [sflag:$0x4], $0x50, s30, s22, $0xb8;
	[tilespmem:$0x19500] =	vst v63  }
0x7a: {  	_ =	swait.ge [sflag:s2], $0x6400  }
0x7b: {  	[sflag:s2] =	ssyncset.done $0x0  }
0x7c: {  	[sflag:s2] =	ssyncadd.s32 $0xFFFF9C00  }
0x7d: {  	_ =	swait.ge [sflag:s5], $0x140  }
.Ltmp3:
0x7e: {  	[sflag:s5] =	ssyncset.done $0x0;
	(pc) =	sbr.rel .LBB2_2-.Ltmp3, $4  }
0x7f: {  	[sflag:s5] =	ssyncadd.s32 $0xFFFFFEC0  }
0x80: {  	[tilespmem:s24], [sflag:$0x1] =	stream.indirect.gather [hbm4b:s4+s22], $0x50, s3, s22, $0xb8;
	[tilespmem:$0x19500] =	vst v63  }
0x81: {  	s12 =	sadd.s32 s7, s17;
	s7 =	sadd.s32 $0x50, s7  }
0x82: {  	[tilespmem:s23], [sflag:$0x7] =	stream.linear.gather [hbm4b:s12+s3], $0x140, $0x38;
	[tilespmem:$0x19500] =	vst v63  }
.LBB2_5:
0x83: {  	_ =	sfence.sel $0x180000  }
0x84: {  	[bflag:$0x0] =	sbarrier.arrive $0xFFFF  }
0x85: {  	_ =	strace $0x9000004D  }
0x86: {  	s0 =	stileid.u32;
	[bflag:$0x2] =	sbarrier.arrive $0xFFFF  }
0x87: {  	p0 =	sne.s32 s0, $0x0;
	s0 =	rddreg [dreg:$0x2]  }
0x88: {  	s0 =	sadd.s32 @!p0 $0x100000, s0  }
0x89: {  	[sflag:s0] =	ssyncadd.tile.s32 @!p0 $0x1;
	_ =	shalt  }
.Lfunc_end2:
_tile_overlayer_lowered:
.L_overlay_start_2:
0x8a: {  	(tag) =	ssettag $0x2  }
0x8b: {  	s0 =	rddreg [dreg:$0x0];
	s2 =	stileid.u32  }
0x8c: {  	s1 =	rddreg [dreg:$0x1];
	p0 =	sne.s32 s2, $0x0  }
0x8d: {  	s3 =	rddreg [dreg:$0x2];
	[bflag:$0x3] =	sbarrier.arrive $0xFFFF;
	s2 =	simm.s32 @!p0 $0x1C09  }
0x8e: {  	[timem:s3], [sflag:s2] =	dma.local @!p0 [hbm:s0], s1  }
0x8f: {  	s0 =	simm.s32 @!p0 $0x9  }
0x90: {  	_ =	swait.ge @!p0 [sflag:s0], s1  }
0x91: {  	s1 =	ssub.s32 @!p0 $0x0, s1;
	[sflag:s0] =	ssyncset.done @!p0 $0x0  }
0x92: {  	[sflag:s0] =	ssyncadd.s32 @!p0 s1  }
0x93: {  	[bflag:$0x3] =	sbarrier.arrive $0xFFFF  }
0x94: {  	_ =	shalt  }

// kernel: gcn_prop_p3.3.cloned.1.call-start
scs
__scs_entry_jumppad:
0x0: {  	(pc) =	sbr.rel $0x88, $3  }
0x1: {  	(tag) =	ssettag $0x0;
	lr =	simm.s32 $0x1  }
0x2: {  	[smem:$0x3F96] =	sst lr;
	_ =	strace $0xD0000000  }
0x3: {  	_ = 	snop  }
0x4: {  	_ = 	snop  }
0x5: {  	_ = 	snop  }
0x6: {  	_ = 	snop  }
0x7: {  	_ = 	snop  }
__scs_overlays_trampoline_lowered:
0x8: {  	[smem:$0x3FA5] =	sst s0  }
0x9: {  	[smem:$0x3FA6] =	sst s1  }
0xa: {  	[smem:$0x3FA7] =	sst s2  }
0xb: {  	[smem:$0x3FA8] =	sst s3  }
0xc: {  	[smem:$0x3FA9] =	sst s4  }
0xd: {  	[smem:$0x3FAA] =	sst s5  }
0xe: {  	[smem:$0x3FAB] =	sst s6  }
0xf: {  	[smem:$0x3FAC] =	sst s7  }
0x10: {  	[smem:$0x3FAD] =	sst s8  }
0x11: {  	[smem:$0x3FAE] =	sst s9;
	s0 =	simm.s32 @!p0 $0x0  }
0x12: {  	s1 =	sld [smem:$0x3F94];
	s0 =	simm.s32 @p0 $0x1  }
0x13: {  	[smem:$0x3FAF] =	sst s0;
	s0 =	simm.s32 @!p1 $0x0  }
0x14: {  	s2 =	sld [smem:$0x3F93];
	s0 =	simm.s32 @p1 $0x1  }
0x15: {  	[smem:$0x3FB0] =	sst s0;
	s0 =	simm.s32 @!p2 $0x0  }
0x16: {  	s3 =	sld [smem:$0x3FDB];
	s0 =	simm.s32 @p2 $0x1  }
0x17: {  	s4 =	simm.s32 $0x1BF5;
	[smem:$0x3FB2] =	sst s0  }
0x18: {  	s0 =	sld [smem:$0x3F95];
	_ =	swait.ge [sflag:s4], $0x0  }
0x19: {  	s7 =	sld [smem:$0x3F96]  }
0x1a: {  	s8 =	sadd.s32 $0xFFFFE003, lr  }
0x1b: {  	s9 =	sadd.s32 $0xFFFFFEF7, lr;
	s5 =	simm.s32 $0xFFFFFFFF;
	p2 =	slt.u32 s8, $0xFFFFF086  }
0x1c: {  	p1 =	slt.u32 s9, $0xF7A;
	s5 =	simm.s32 @!p2 $0x0  }
0x1d: {  	s5 =	simm.s32 @p1 $0x1;
	p0 =	seq.s32 s7, s2  }
0x1e: {  	s7 =	smul.u32 @!p0 $0xF7A, s2;
	p2 =	seq.s32 @!p0 s5, $0x0  }
0x1f: {  	s9 =	smul.u32 $0xF7A, s1;
	s8 =	simm.s32 @!p0 $0x1BF5;
	p2 =	por !p2, p0  }
0x20: {  	[sflag:s8] =	ssyncset.s32 @!p0 $0xFFFFF086;
	s6 =	sadd.s32 @!p0 s3, s7;
	s7 =	simm.s32 @!p0 $0x108  }
0x21: {  	s3 =	sadd.s32 s3, s9;
	s6 =	sadd.s32 @!p0 $0x88, s6;
	s7 =	simm.s32 @p2 $0x1082  }
0x22: {  	[simem:s7], [sflag:s8] =	dma.local @!p0 [hbm:s6], $0xF7A  }
0x23: {  	s9 =	sor.u32 $0xD0000000, s2;
	s6 =	simm.s32 $0x108;
	_ =	swait.ge @!p0 [sflag:s8], $0x0  }
0x24: {  	s3 =	sadd.s32 $0x88, s3;
	s6 =	simm.s32 @!p1 $0x1082;
	[sflag:s4] =	ssyncset.s32 $0xFFFFF086  }
0x25: {  	[simem:s6], [sflag:s4] =	dma.local [hbm:s3], $0xF7A  }
0x26: {  	[smem:$0x3F96] =	sst s1;
	(tag) =	ssettag s2;
	_ =	strace s9  }
0x27: {  	s1 =	sld [smem:$0x3FA6]  }
0x28: {  	s2 =	sld [smem:$0x3FA7]  }
0x29: {  	s4 =	sld [smem:$0x3FA9]  }
0x2a: {  	p0 =	seq.s32 s5, $0x0;
	s5 =	sld [smem:$0x3FAA]  }
0x2b: {  	s6 =	sld [smem:$0x3FAB]  }
0x2c: {  	s7 =	sld [smem:$0x3FAC]  }
0x2d: {  	s3 =	simm.s32 $0x108;
	s8 =	sld [smem:$0x3FAD]  }
0x2e: {  	s3 =	simm.s32 @!p0 $0x1082;
	s9 =	sld [smem:$0x3FAE]  }
0x2f: {  	lr =	sadd.s32 s0, s3;
	s0 =	sld [smem:$0x3FA5]  }
0x30: {  	s3 =	sld [smem:$0x3FA8]  }
0x31: {  	[smem:$0x3FB1] =	sst s10  }
0x32: {  	s10 =	sld [smem:$0x3FAF];
	_ =	sdelay $0x3  }
0x33: {  	p0 =	seq.s32 s10, $0x1;
	s10 =	sld [smem:$0x3FB1];
	_ =	sdelay $0x3  }
0x34: {  	[smem:$0x3FB1] =	sst s10  }
0x35: {  	s10 =	sld [smem:$0x3FB0];
	_ =	sdelay $0x3  }
0x36: {  	p1 =	seq.s32 s10, $0x1;
	s10 =	sld [smem:$0x3FB1];
	_ =	sdelay $0x3  }
0x37: {  	[smem:$0x3FB1] =	sst s10  }
0x38: {  	s10 =	sld [smem:$0x3FB2]  }
0x39: {  	_ = 	snop;
	(pc) =	sbr.ind lr, $3  }
0x3a: {  	_ = 	snop  }
0x3b: {  	_ = 	snop  }
0x3c: {  	p2 =	seq.s32 s10, $0x1;
	s10 =	sld [smem:$0x3FB1]  }
0x3d: {  	_ =	shalt  }
0x3e: {  	_ =	shalt  }
0x3f: {  	_ =	shalt  }
0x40: {  	_ =	shalt  }
0x41: {  	_ =	shalt  }
0x42: {  	_ =	shalt  }
0x43: {  	_ =	shalt  }
0x44: {  	_ =	shalt  }
0x45: {  	_ =	shalt  }
0x46: {  	_ =	shalt  }
0x47: {  	_ =	shalt  }
0x48: {  	_ =	shalt  }
0x49: {  	_ =	shalt  }
0x4a: {  	_ =	shalt  }
0x4b: {  	_ =	shalt  }
0x4c: {  	_ =	shalt  }
0x4d: {  	_ =	shalt  }
0x4e: {  	_ =	shalt  }
0x4f: {  	_ =	shalt  }
0x50: {  	_ =	shalt  }
0x51: {  	_ =	shalt  }
0x52: {  	_ =	shalt  }
0x53: {  	_ =	shalt  }
0x54: {  	_ =	shalt  }
0x55: {  	_ =	shalt  }
0x56: {  	_ =	shalt  }
0x57: {  	_ =	shalt  }
0x58: {  	_ =	shalt  }
0x59: {  	_ =	shalt  }
0x5a: {  	_ =	shalt  }
0x5b: {  	_ =	shalt  }
0x5c: {  	_ =	shalt  }
0x5d: {  	_ =	shalt  }
0x5e: {  	_ =	shalt  }
0x5f: {  	_ =	shalt  }
0x60: {  	_ =	shalt  }
0x61: {  	_ =	shalt  }
0x62: {  	_ =	shalt  }
0x63: {  	_ =	shalt  }
0x64: {  	_ =	shalt  }
0x65: {  	_ =	shalt  }
0x66: {  	_ =	shalt  }
0x67: {  	_ =	shalt  }
0x68: {  	_ =	shalt  }
0x69: {  	_ =	shalt  }
0x6a: {  	_ =	shalt  }
0x6b: {  	_ =	shalt  }
0x6c: {  	_ =	shalt  }
0x6d: {  	_ =	shalt  }
0x6e: {  	_ =	shalt  }
0x6f: {  	_ =	shalt  }
0x70: {  	_ =	shalt  }
0x71: {  	_ =	shalt  }
0x72: {  	_ =	shalt  }
0x73: {  	_ =	shalt  }
0x74: {  	_ =	shalt  }
0x75: {  	_ =	shalt  }
0x76: {  	_ =	shalt  }
0x77: {  	_ =	shalt  }
0x78: {  	_ =	shalt  }
0x79: {  	_ =	shalt  }
0x7a: {  	_ =	shalt  }
0x7b: {  	_ =	shalt  }
0x7c: {  	_ =	shalt  }
0x7d: {  	_ =	shalt  }
0x7e: {  	_ =	shalt  }
0x7f: {  	_ =	shalt  }
0x80: {  	_ =	shalt  }
0x81: {  	_ =	shalt  }
0x82: {  	_ =	shalt  }
0x83: {  	_ =	shalt  }
0x84: {  	_ =	shalt  }
0x85: {  	_ =	shalt  }
0x86: {  	_ =	shalt  }
0x87: {  	_ =	shalt  }
.Lfunc_end0:
.L_simem_size_0:
called_computation.3_lowered:
.L_overlay_start_0:
0x88: {  	s2 =	sld [smem:$0x3FD9]  }
0x89: {  	s3 =	sld [smem:$0x3FFE];
	_ =	sdelay $0x1  }
0x8a: {  	s1 =	srdreg.scid  }
0x8b: {  	s0 =	sand.u32 $0x1, s1  }
0x8c: {  	s16 =	sshll.u32 s0, $0xA;
	s2 =	sadd.s32 s3, s2  }
0x8d: {  	s2 =	sadd.s32 s2, s16  }
0x8e: {  	[smem:$0x3FBD] =	sst s2  }
0x8f: {  	_ = 	snop  }
0x90: {  	(tm) =	ssettm $0x1  }
0x91: {  	s17 =	sld [smem:$0x3FFB];
	_ =	sdelay $0x3  }
0x92: {  	_ =	strace s17  }
0x93: {  	s2 =	sld [smem:$0x3FFC];
	_ =	sdelay $0x3  }
0x94: {  	_ =	strace s2  }
0x95: {  	s2 =	sld [smem:$0x3FFD];
	_ =	sdelay $0x3  }
0x96: {  	_ =	strace s2  }
0x97: {  	_ =	strace $0x8FFFFFFF  }
0x98: {  	s18 =	sld [smem:$0x3FDB];
	_ =	sdelay $0x1  }
0x99: {  	s19 =	simm.s32 $_scs_section_size  }
0x9a: {  	s4 =	simm.s32 $_size__tile_overlayer_lowered;
	s5 =	simm.s32 $_tile_overlayer_lowered  }
0x9b: {  	s22 =	simm.s32 $0x1BFF;
	s21 =	sshll.u32 s5, $0x1;
	s2 =	sadd.s32 s19, s18  }
0x9c: {  	s6 =	simm.s32 $0x0;
	s20 =	sshll.u32 s4, $0x1;
	s4 =	sadd.s32 s21, s2  }
0x9d: {  	[timem:s6], [sflag:s22] =	dma.local [hbm:s4], s20  }
0x9e: {  	_ =	swait.ge [sflag:s22], s20  }
0x9f: {  	s3 =	ssub.s32 $0x0, s20;
	[sflag:s22] =	ssyncset.done $0x0  }
0xa0: {  	[sflag:s22] =	ssyncadd.s32 s3;
	_ =	sdelay $0x1  }
0xa1: {  	s23 =	simm.s32 $0x1B8B  }
0xa2: {  	_ =	swait.ge [sflag:s23], $0x1  }
0xa3: {  	[sflag:s23] =	ssyncset.done $0x0  }
0xa4: {  	s25 =	simm.s32 $0x1B8E;
	s24 =	sld [smem:$0x3FFE];
	[sflag:s23] =	ssyncadd.s32 $0xFFFFFFFF  }
0xa5: {  	s26 =	simm.s32 $execute0_lowered;
	[smem:$0x3FD2] =	sst s25  }
0xa6: {  	s4 =	sshll.u32 s26, $0x1;
	_ =	strace $0x8000004F;
	[dreg:$0x1] =	wrdreg $0xFFFFFFFF  }
0xa7: {  	s28 =	simm.s32 $_size_execute0_lowered;
	s2 =	sadd.s32 s2, s4;
	[dreg:$0x0] =	wrdreg $0x0  }
0xa8: {  	s4 =	sshll.u32 s28, $0x1;
	[dreg:$0x2] =	wrdreg s2  }
0xa9: {  	[dreg:$0x3] =	wrdreg s4  }
0xaa: {  	[dreg:$0x4] =	wrdreg $0xC0  }
0xab: {  	_ =	task [dreg:s6], $0x5FFFF  }
0xac: {  	[dreg:$0x1] =	wrdreg $0xFFFFFFFF  }
0xad: {  	[dreg:$0x0] =	wrdreg $0x60  }
0xae: {  	[dreg:$0x2] =	wrdreg s24  }
0xaf: {  	[dreg:$0x3] =	wrdreg $0x14A000  }
0xb0: {  	[dreg:$0x4] =	wrdreg $0x9  }
0xb1: {  	_ =	task.clear_ibuf [dreg:s6], $0x5FFFF;
	_ =	strace $0x9000004F  }
0xb2: {  	s29 =	simm.s32 $0x9;
	_ =	strace $0x80000051  }
0xb3: {  	_ =	swait.ge [sflag:s29], $0x1  }
0xb4: {  	[sflag:s29] =	ssyncadd.s32 $0xFFFFFFFF  }
0xb5: {  	_ =	strace $0x90000051  }
0xb6: {  	_ =	sfence  }
0xb7: {  	s30 =	sld [smem:$0x0];
	_ =	sdelay $0x2  }
0xb8: {  	s31 =	sshll.u32 s1, $0xD;
	s1 =	sshrl.u32 s1, $0x2  }
0xb9: {  	s3 =	sand.u32 $0x4000, s31;
	s1 =	sadd.s32 s1, s30  }
0xba: {  	s0 =	sor.u32 s3, s0;
	s1 =	sshll.u32 s1, $0x11  }
0xbb: {  	s0 =	sor.u32 s1, s0  }
0xbc: {  	s0 =	sadd.s32 $0x8F2B, s0  }
0xbd: {  	[sflag:s0] =	ssyncadd.remote.s32 $0x1  }
0xbe: {  	_ =	sfence.sel $0xFFFF  }
0xbf: {  	[dreg:$0x0] =	wrdreg $0xFFFFFFFF;
	(pc) =	sbr.abs _section_cstart, $3  }
0xc0: {  	[dreg:$0x1] =	wrdreg $0xFFFFFFFF  }
0xc1: {  	_ =	task.clear_ibuf [dreg:s6], $0x2FFFF;
	_ =	strace $0x9FFFFFFF  }
0xc2: {  	(tm) =	ssettm $0x7FFFFFFF  }
0xc3: {  	_ =	shalt  }
tec
execute0_lowered:
.L_overlay_start_1:
0x0: {  	(tag) =	ssettag $0x1  }
0x1: {  	s0 =	rddreg [dreg:$0x0]  }
0x2: {  	s1 =	rddreg [dreg:$0x1]  }
0x3: {  	s3 =	simm.s32 $0x0;
	s2 =	srdreg.scid;
	s13 =	stileid.u32  }
0x4: {  	s28 =	simm.s32 $0x6;
	s29 =	simm.s32 $0xAA00;
	s30 =	simm.s32 $0x780  }
0x5: {  	s31 =	simm.s32 $0x2;
	[smem:$0x7FF] =	sst s3;
	s2 =	sand.u32 $0x1, s2  }
0x6: {  	s5 =	smul.u32 $0xA000, s13;
	s4 =	sadd.s32 $0x16600, s0;
	s9 =	sadd.s32 $0x2600, s0  }
0x7: {  	s10 =	sadd.s32 $0xC600, s0;
	s11 =	sadd.s32 $0x2A600, s0;
	s15 =	smul.u32 $0x2800, s13  }
0x8: {  	s18 =	sshll.u32 s13, $0x6;
	_ =	strace $0x80000050;
	s6 =	smul.u32 $0xA0000, s2  }
0x9: {  	s7 =	sshll.u32 s2, $0x4;
	s8 =	ssub.s32 $0x2, s2;
	[dreg:$0x3] =	wrdreg s11  }
0xa: {  	s2 =	smul.u32 $0x28000, s2;
	s7 =	sor.u32 s13, s7;
	s16 =	sshrl.u32 s8, $0x1  }
0xb: {  	s6 =	sadd.s32 s5, s6;
	s7 =	smul.u32 $0x2800, s7;
	s17 =	ssub.s32 s8, s16  }
0xc: {  	s5 =	sadd.s32 s5, s1;
	s8 =	sor.u32 $0x1C09, s18;
	s2 =	sadd.s32 s15, s2  }
0xd: {  	s6 =	sshrl.u32 s6, $0x3;
	[dreg:$0x4] =	wrdreg s5;
	s25 =	sadd.s32 $0xA00, s2  }
0xe: {  	s26 =	sadd.s32 $0xC80, s2;
	s2 =	sor.u32 $0x780, s2;
	s0 =	sadd.s32 s6, s0  }
0xf: {  	s12 =	sshrl.u32 s7, $0x3;
	s22 =	sor.u32 $0x280, s7;
	s7 =	sor.u32 $0x780, s7  }
0x10: {  	s6 =	smax.u32 s17, $0x1;
	s2 =	sshrl.u32 s2, $0x3;
	s19 =	sadd.s32 s9, s12  }
0x11: {  	s21 =	sadd.s32 s10, s12;
	s0 =	sadd.s32 $0x2BA00, s0;
	[dreg:$0x9] =	wrdreg s6  }
0x12: {  	s23 =	sor.u32 $0xA0, s12;
	s5 =	sshrl.u32 s22, $0x3;
	[dreg:$0x5] =	wrdreg s19  }
0x13: {  	s24 =	sshrl.u32 s7, $0x3;
	s22 =	simm.s32 $0x280;
	[dreg:$0x7] =	wrdreg s21  }
0x14: {  	s6 =	simm.s32 $0x4;
	s20 =	sadd.s32 $0x50, s19;
	[dreg:$0x8] =	wrdreg s0  }
0x15: {  	s13 =	sadd.s32 s9, s23;
	s14 =	sadd.s32 s10, s5;
	s15 =	sadd.s32 s9, s24  }
0x16: {  	s16 =	sadd.s32 s10, s23;
	s0 =	sshrl.u32 s25, $0x3;
	s5 =	sshrl.u32 s26, $0x3  }
.Ltmp0:
0x17: {  	s21 =	simm.s32 $0x9;
	s23 =	simm.s32 $0x500;
	(pc) =	sbr.rel .LBB2_1-.Ltmp0, $4  }
0x18: {  	s24 =	simm.s32 $0xA00;
	s25 =	simm.s32 $0x1;
	s26 =	simm.s32 $0x7  }
0x19: {  	[dreg:$0x6] =	wrdreg s20;
	s17 =	sadd.s32 s0, s10;
	s18 =	sadd.s32 s0, s9  }
0x1a: {  	s19 =	sadd.s32 s5, s9;
	s20 =	sadd.s32 s2, s10;
	s0 =	simm.s32 $0x8  }
0x1b: {  	s2 =	simm.s32 $0x3;
	s5 =	simm.s32 $0x5;
	s9 =	simm.s32 $0x0  }
.LBB2_4:
0x1c: {  	_ =	swait.ge [sflag:s0], $0x280  }
0x1d: {  	[sflag:s0] =	ssyncset.done $0x0  }
0x1e: {  	[sflag:s0] =	ssyncadd.s32 $0xFFFFFD80  }
0x1f: {  	[spmem:s1] =	stream.indirect.scatter.add.f32 [tilespmem:s29], [sflag:$0x4], $0x40, s30, s22, $0xb8;
	[tilespmem:$0x1EA00] =	vst v63  }
0x20: {  	_ =	swait.ge [sflag:s2], $0xA000  }
0x21: {  	[sflag:s2] =	ssyncset.done $0x0  }
0x22: {  	[sflag:s2] =	ssyncadd.s32 $0xFFFF6000  }
0x23: {  	_ =	swait.ge [sflag:s6], $0xA000  }
0x24: {  	[sflag:s6] =	ssyncset.done $0x0  }
0x25: {  	[sflag:s6] =	ssyncadd.s32 $0xFFFF6000  }
0x26: {  	[bflag:$0x0] =	sbarrier.arrive $0xFFFF  }
0x27: {  	s7 =	rddreg [dreg:$0x8]  }
0x28: {  	[hbm:s7], [sflag:s8] =	dma.local [spmem:s10], $0x1400  }
0x29: {  	_ =	swait.ge [sflag:s21], $0x1400  }
0x2a: {  	s9 =	sadd.s32 $0x1, s9;
	s12 =	rddreg [dreg:$0x9]  }
0x2b: {  	p0 =	sne.s32 s9, s12  }
.Ltmp1:
0x2c: {  	_ = 	snop;
	(pc) =	sbr.rel @!p0 .LBB2_5-.Ltmp1, $3  }
0x2d: {  	_ =	sdelay $0x1  }
0x2e: {  	[sflag:s21] =	ssyncset.done $0x0  }
0x2f: {  	[sflag:s21] =	ssyncadd.s32 $0xFFFFEC00  }
.LBB2_1:
0x30: {  	s7 =	rddreg [dreg:$0x4]  }
0x31: {  	s11 =	rddreg [dreg:$0x3];
	s10 =	sshrl.u32 s7, $0x3  }
0x32: {  	[spmem:s10], [sflag:s8] =	dma.local [hbm:s11], $0x1400  }
0x33: {  	_ =	swait.ge [sflag:s21], $0x1400  }
0x34: {  	[sflag:s21] =	ssyncset.done $0x0  }
0x35: {  	[sflag:s21] =	ssyncadd.s32 $0xFFFFEC00  }
0x36: {  	[bflag:$0x0] =	sbarrier.arrive $0xFFFF  }
0x37: {  	s12 =	rddreg [dreg:$0x5]  }
0x38: {  	[tilespmem:s3], [sflag:$0x9] =	stream.linear.gather [hbm4b:s12+s3], $0x280, $0x38;
	[tilespmem:$0x1EA00] =	vst v63  }
0x39: {  	_ =	swait.ge [sflag:s21], $0x280  }
0x3a: {  	[sflag:s21] =	ssyncset.done $0x0  }
0x3b: {  	s11 =	rddreg [dreg:$0x6];
	[sflag:s21] =	ssyncadd.s32 $0xFFFFFD80  }
0x3c: {  	[tilespmem:s22], [sflag:$0x6] =	stream.linear.gather [hbm4b:s11+s3], $0x280, $0x38;
	[tilespmem:$0x1EA00] =	vst v63  }
0x3d: {  	s12 =	rddreg [dreg:$0x7]  }
0x3e: {  	[tilespmem:s23], [sflag:$0x7] =	stream.linear.gather [hbm4b:s12+s3], $0x280, $0x38;
	[tilespmem:$0x1EA00] =	vst v63  }
0x3f: {  	_ = 	snop  }
0x40: {  	[tilespmem:s24], [sflag:$0x1] =	stream.indirect.gather [hbm4b:s4+s22], $0x40, s3, s22, $0xb8;
	[tilespmem:$0x1EA00] =	vst v63  }
0x41: {  	_ =	swait.ge [sflag:s25], $0xA000  }
0x42: {  	[sflag:s25] =	ssyncset.done $0x0  }
0x43: {  	[sflag:s25] =	ssyncadd.s32 $0xFFFF6000  }
0x44: {  	[tilespmem:s3], [sflag:$0x5] =	stream.linear.gather [hbm4b:s13+s3], $0x280, $0x38;
	[tilespmem:$0x1EA00] =	vst v63  }
0x45: {  	_ =	swait.ge [sflag:s26], $0x280  }
0x46: {  	[sflag:s26] =	ssyncset.done $0x0  }
0x47: {  	[sflag:s26] =	ssyncadd.s32 $0xFFFFFD80  }
0x48: {  	[spmem:s1] =	stream.indirect.scatter.add.f32 [tilespmem:s24], [sflag:$0x3], $0x40, s23, s22, $0xb8;
	[tilespmem:$0x1EA00] =	vst v63  }
0x49: {  	_ =	swait.ge [sflag:s28], $0x280  }
0x4a: {  	[sflag:s28] =	ssyncset.done $0x0  }
0x4b: {  	[sflag:s28] =	ssyncadd.s32 $0xFFFFFD80  }
0x4c: {  	[tilespmem:s29], [sflag:$0x2] =	stream.indirect.gather [hbm4b:s4+s22], $0x40, s22, s22, $0xb8;
	[tilespmem:$0x1EA00] =	vst v63  }
0x4d: {  	_ = 	snop  }
0x4e: {  	[tilespmem:s30], [sflag:$0x8] =	stream.linear.gather [hbm4b:s14+s3], $0x280, $0x38;
	[tilespmem:$0x1EA00] =	vst v63  }
0x4f: {  	_ =	swait.ge [sflag:s31], $0xA000  }
0x50: {  	[sflag:s31] =	ssyncset.done $0x0  }
0x51: {  	[sflag:s31] =	ssyncadd.s32 $0xFFFF6000  }
0x52: {  	[tilespmem:s22], [sflag:$0x6] =	stream.linear.gather [hbm4b:s15+s3], $0x280, $0x38;
	[tilespmem:$0x1EA00] =	vst v63  }
0x53: {  	_ =	swait.ge [sflag:s0], $0x280  }
0x54: {  	[sflag:s0] =	ssyncset.done $0x0  }
0x55: {  	[sflag:s0] =	ssyncadd.s32 $0xFFFFFD80  }
0x56: {  	[spmem:s1] =	stream.indirect.scatter.add.f32 [tilespmem:s29], [sflag:$0x4], $0x40, s30, s22, $0xb8;
	[tilespmem:$0x1EA00] =	vst v63  }
0x57: {  	_ =	swait.ge [sflag:s2], $0xA000  }
0x58: {  	[sflag:s2] =	ssyncset.done $0x0  }
0x59: {  	[sflag:s2] =	ssyncadd.s32 $0xFFFF6000  }
0x5a: {  	_ =	swait.ge [sflag:s5], $0x280  }
0x5b: {  	[sflag:s5] =	ssyncset.done $0x0  }
0x5c: {  	[sflag:s5] =	ssyncadd.s32 $0xFFFFFD80  }
0x5d: {  	[tilespmem:s24], [sflag:$0x1] =	stream.indirect.gather [hbm4b:s4+s22], $0x40, s3, s22, $0xb8;
	[tilespmem:$0x1EA00] =	vst v63  }
0x5e: {  	s7 =	simm.s32 $0x0  }
0x5f: {  	[tilespmem:s23], [sflag:$0x7] =	stream.linear.gather [hbm4b:s16+s3], $0x280, $0x38;
	[tilespmem:$0x1EA00] =	vst v63  }
.LBB2_2:
0x60: {  	_ =	swait.ge [sflag:s25], $0xA000  }
0x61: {  	p0 =	seq.s32 s7, $0x3C0;
	[sflag:s25] =	ssyncset.done $0x0  }
0x62: {  	s11 =	sadd.s32 @!p0 s7, s18;
	s12 =	simm.s32 @!p0 $0x0;
	[sflag:s25] =	ssyncadd.s32 $0xFFFF6000  }
0x63: {  	[tilespmem:s12], [sflag:$0x5] =	stream.linear.gather @!p0 [hbm4b:s11+s12], $0x280, $0x38;
	[tilespmem:$0x1EA00] =	vst v63  }
0x64: {  	_ =	swait.ge [sflag:s26], $0x280  }
0x65: {  	[sflag:s26] =	ssyncset.done $0x0  }
0x66: {  	[sflag:s26] =	ssyncadd.s32 $0xFFFFFD80  }
0x67: {  	[spmem:s1] =	stream.indirect.scatter.add.f32 [tilespmem:s24], [sflag:$0x3], $0x40, s23, s22, $0xb8;
	[tilespmem:$0x1EA00] =	vst v63  }
0x68: {  	_ =	swait.ge [sflag:s6], $0xA000  }
0x69: {  	[sflag:s6] =	ssyncset.done $0x0  }
0x6a: {  	[sflag:s6] =	ssyncadd.s32 $0xFFFF6000  }
0x6b: {  	_ =	swait.ge [sflag:s28], $0x280  }
0x6c: {  	[sflag:s28] =	ssyncset.done $0x0  }
0x6d: {  	[sflag:s28] =	ssyncadd.s32 $0xFFFFFD80  }
0x6e: {  	[tilespmem:s29], [sflag:$0x2] =	stream.indirect.gather [hbm4b:s4+s22], $0x40, s22, s22, $0xb8;
	[tilespmem:$0x1EA00] =	vst v63  }
.Ltmp2:
0x6f: {  	s12 =	sadd.s32 s7, s20;
	(pc) =	sbr.rel @p0 .LBB2_4-.Ltmp2, $4  }
0x70: {  	[tilespmem:s30], [sflag:$0x8] =	stream.linear.gather [hbm4b:s12+s3], $0x280, $0x38;
	[tilespmem:$0x1EA00] =	vst v63  }
0x71: {  	_ =	swait.ge [sflag:s31], $0xA000  }
0x72: {  	[sflag:s31] =	ssyncset.done $0x0  }
0x73: {  	[sflag:s31] =	ssyncadd.s32 $0xFFFF6000  }
0x74: {  	s11 =	sadd.s32 s7, s19  }
0x75: {  	[tilespmem:s22], [sflag:$0x6] =	stream.linear.gather [hbm4b:s11+s3], $0x280, $0x38;
	[tilespmem:$0x1EA00] =	vst v63  }
0x76: {  	_ =	swait.ge [sflag:s0], $0x280  }
0x77: {  	[sflag:s0] =	ssyncset.done $0x0  }
0x78: {  	[sflag:s0] =	ssyncadd.s32 $0xFFFFFD80  }
0x79: {  	[spmem:s1] =	stream.indirect.scatter.add.f32 [tilespmem:s29], [sflag:$0x4], $0x40, s30, s22, $0xb8;
	[tilespmem:$0x1EA00] =	vst v63  }
0x7a: {  	_ =	swait.ge [sflag:s2], $0xA000  }
0x7b: {  	[sflag:s2] =	ssyncset.done $0x0  }
0x7c: {  	[sflag:s2] =	ssyncadd.s32 $0xFFFF6000  }
0x7d: {  	_ =	swait.ge [sflag:s5], $0x280  }
.Ltmp3:
0x7e: {  	[sflag:s5] =	ssyncset.done $0x0;
	(pc) =	sbr.rel .LBB2_2-.Ltmp3, $4  }
0x7f: {  	[sflag:s5] =	ssyncadd.s32 $0xFFFFFD80  }
0x80: {  	[tilespmem:s24], [sflag:$0x1] =	stream.indirect.gather [hbm4b:s4+s22], $0x40, s3, s22, $0xb8;
	[tilespmem:$0x1EA00] =	vst v63  }
0x81: {  	s12 =	sadd.s32 s7, s17;
	s7 =	sadd.s32 $0xA0, s7  }
0x82: {  	[tilespmem:s23], [sflag:$0x7] =	stream.linear.gather [hbm4b:s12+s3], $0x280, $0x38;
	[tilespmem:$0x1EA00] =	vst v63  }
.LBB2_5:
0x83: {  	_ =	sfence.sel $0x180000  }
0x84: {  	[bflag:$0x0] =	sbarrier.arrive $0xFFFF  }
0x85: {  	_ =	strace $0x90000050  }
0x86: {  	s0 =	stileid.u32;
	[bflag:$0x2] =	sbarrier.arrive $0xFFFF  }
0x87: {  	p0 =	sne.s32 s0, $0x0;
	s0 =	rddreg [dreg:$0x2]  }
0x88: {  	s0 =	sadd.s32 @!p0 $0x100000, s0  }
0x89: {  	[sflag:s0] =	ssyncadd.tile.s32 @!p0 $0x1;
	_ =	shalt  }
.Lfunc_end2:
_tile_overlayer_lowered:
.L_overlay_start_2:
0x8a: {  	(tag) =	ssettag $0x2  }
0x8b: {  	s0 =	rddreg [dreg:$0x0];
	s2 =	stileid.u32  }
0x8c: {  	s1 =	rddreg [dreg:$0x1];
	p0 =	sne.s32 s2, $0x0  }
0x8d: {  	s3 =	rddreg [dreg:$0x2];
	[bflag:$0x3] =	sbarrier.arrive $0xFFFF;
	s2 =	simm.s32 @!p0 $0x1C09  }
0x8e: {  	[timem:s3], [sflag:s2] =	dma.local @!p0 [hbm:s0], s1  }
0x8f: {  	s0 =	simm.s32 @!p0 $0x9  }
0x90: {  	_ =	swait.ge @!p0 [sflag:s0], s1  }
0x91: {  	s1 =	ssub.s32 @!p0 $0x0, s1;
	[sflag:s0] =	ssyncset.done @!p0 $0x0  }
0x92: {  	[sflag:s0] =	ssyncadd.s32 @!p0 s1  }
0x93: {  	[bflag:$0x3] =	sbarrier.arrive $0xFFFF  }
0x94: {  	_ =	shalt  }

</sc_bundles>
